<compile_context>
chip_gen: v7x
topology: tpu7x:2x2x1
jax: 0.10.2.dev20260603
libtpu: 0.0.44.dev20260713+nightly
codegen_flags: <defaults>
</compile_context>

<pallas_src>
import functools

import jax
import jax.numpy as jnp
from jax import lax
from jax.experimental import pallas as pl
from jax.experimental.pallas import tpu as pltpu
from jax.experimental.pallas import tpu_sc as plsc

N = 10000
E = 320000
D = 128
G = 128
OUT = 10
H = 256

NC = 2
NS = 16
NW = NC * NS
EPT = E // NW
CH = 128
NCHUNK = 79
EPAD = NCHUNK * CH - EPT
PADROWS = 8
ROWS_PT = 624
TAIL = N - NS * ROWS_PT

BLK = 2000
NB = N // BLK


NBUF = 2
PASS0 = 40
PASS1 = NCHUNK - PASS0


def _agg_body(h_hbm, zeros_hbm, srcA_hbm, dstA_hbm, srcB_hbm, dstB_hbm,
              out_hbm, src_v, dst_v, r0, r1, g0, g1, s0, s1, agg_sh, isem):
    rows = [r0, r1]
    gsems = [g0, g1]
    ssems = [s0, s1]
    c = lax.axis_index("c")
    s = lax.axis_index("s")
    w = c * NS + s
    ci = pltpu.async_copy(srcA_hbm.at[w], src_v, isem)
    cj = pltpu.async_copy(dstA_hbm.at[w], dst_v, g0)
    pltpu.sync_copy(zeros_hbm.at[pl.ds(s * ROWS_PT, ROWS_PT)],
                    agg_sh.at[pl.ds(s * ROWS_PT, ROWS_PT)])

    @pl.when(s == 0)
    def _init_tail():
        pltpu.sync_copy(zeros_hbm.at[pl.ds(NS * ROWS_PT, TAIL)],
                        agg_sh.at[pl.ds(NS * ROWS_PT, TAIL)])
    ci.wait()
    cj.wait()
    plsc.subcore_barrier()

    def run(count):
        pltpu.async_copy(h_hbm.at[src_v.at[0]], rows[0], gsems[0])
        pltpu.async_copy(h_hbm.at[src_v.at[1]], rows[1], gsems[1])

        def _pair(i0):
            i1 = i0 + 1
            pltpu.make_async_copy(h_hbm.at[src_v.at[i0]],
                                  rows[0], gsems[0]).wait()
            sc0 = pltpu.async_copy(rows[0], agg_sh.at[dst_v.at[i0]],
                                   ssems[0], add=True)
            pltpu.make_async_copy(h_hbm.at[src_v.at[i1]],
                                  rows[1], gsems[1]).wait()
            sc1 = pltpu.async_copy(rows[1], agg_sh.at[dst_v.at[i1]],
                                   ssems[1], add=True)
            sc0.wait()

            @pl.when(i0 + 2 < count)
            def _pref0():
                pltpu.async_copy(h_hbm.at[src_v.at[i0 + 2]],
                                 rows[0], gsems[0])
            sc1.wait()

            @pl.when(i1 + 2 < count)
            def _pref1():
                pltpu.async_copy(h_hbm.at[src_v.at[i1 + 2]],
                                 rows[1], gsems[1])

        def quad(g, carry):
            _pair(4 * g)
            _pair(4 * g + 2)
            return carry

        lax.fori_loop(0, count // 4, quad, 0)
        rem = count - (count // 4) * 4
        if rem >= 2:
            _pair(count - rem)
        if rem % 2:
            i = count - 1
            pltpu.make_async_copy(h_hbm.at[src_v.at[i]],
                                  rows[0], gsems[0]).wait()
            pltpu.sync_copy(rows[0], agg_sh.at[dst_v.at[i]], add=True)

    run(PASS0)
    pltpu.sync_copy(srcB_hbm.at[w], src_v.at[pl.ds(0, PASS1)])
    pltpu.sync_copy(dstB_hbm.at[w], dst_v.at[pl.ds(0, PASS1)])
    run(PASS1)
    plsc.subcore_barrier()
    pltpu.sync_copy(agg_sh.at[pl.ds(s * ROWS_PT, ROWS_PT)],
                    out_hbm.at[pl.ds(c * N + s * ROWS_PT, ROWS_PT)])

    @pl.when(s == 0)
    def _dump_tail():
        pltpu.sync_copy(agg_sh.at[pl.ds(NS * ROWS_PT, TAIL)],
                        out_hbm.at[pl.ds(c * N + NS * ROWS_PT, TAIL)])


def _sc_aggregate(h, zeros, srcA, dstA, srcB, dstB):
    mesh = plsc.VectorSubcoreMesh(core_axis_name="c", subcore_axis_name="s",
                                  num_cores=NC, num_subcores=NS)
    return pl.kernel(
        _agg_body,
        out_type=jax.ShapeDtypeStruct((NC * N, D), jnp.float32),
        mesh=mesh,
        scratch_types=[
            pltpu.VMEM((PASS0, CH), jnp.int32),
            pltpu.VMEM((PASS0, CH), jnp.int32),
            pltpu.VMEM((CH, D), jnp.float32),
            pltpu.VMEM((CH, D), jnp.float32),
            pltpu.SemaphoreType.DMA,
            pltpu.SemaphoreType.DMA,
            pltpu.SemaphoreType.DMA,
            pltpu.SemaphoreType.DMA,
            pltpu.VMEM_SHARED((N + PADROWS, D), jnp.float32),
            pltpu.SemaphoreType.DMA,
        ],
    )(h, zeros, srcA, dstA, srcB, dstB)


def _mlp_kernel(x_ref, a0_ref, a1_ref, w1_ref, b1_ref, w2_ref, b2_ref, o_ref,
                *, final_relu):
    z = x_ref[...] + a0_ref[...] + a1_ref[...]
    z = jnp.dot(z, w1_ref[...], preferred_element_type=jnp.float32) + b1_ref[...]
    z = jnp.maximum(z, 0.0)
    z = jnp.dot(z, w2_ref[...], preferred_element_type=jnp.float32) + b2_ref[...]
    if final_relu:
        z = jnp.maximum(z, 0.0)
    o_ref[...] = z


def _tc_mlp(x, agg, w1, b1, w2, b2, final_relu):
    row = lambda i: (i, 0)
    rowhi = lambda i: (N // BLK + i, 0)
    full = lambda i: (0, 0)
    return pl.pallas_call(
        functools.partial(_mlp_kernel, final_relu=final_relu),
        grid=(NB,),
        in_specs=[
            pl.BlockSpec((BLK, D), row),
            pl.BlockSpec((BLK, D), row),
            pl.BlockSpec((BLK, D), rowhi),
            pl.BlockSpec((D, D), full),
            pl.BlockSpec((1, D), full),
            pl.BlockSpec((D, D), full),
            pl.BlockSpec((1, D), full),
        ],
        out_specs=pl.BlockSpec((BLK, D), row),
        out_shape=jax.ShapeDtypeStruct((N, D), jnp.float32),
    )(x, agg, agg, w1, b1.reshape(1, D), w2, b2.reshape(1, D))


def _final_kernel(h_ref, a0_ref, a1_ref, w1_ref, b1_ref, w2_ref, b2_ref,
                  batch_ref, ypred_ref, fw1a_ref, fw1b_ref, fb1_ref,
                  gamma_ref, beta_ref, fw2_ref, fb2_ref, o_ref,
                  sums_acc, counts_acc):
    i = pl.program_id(0)

    @pl.when(i == 0)
    def _init():
        sums_acc[...] = jnp.zeros_like(sums_acc)
        counts_acc[...] = jnp.zeros_like(counts_acc)

    z = h_ref[...] + a0_ref[...] + a1_ref[...]
    z = jnp.dot(z, w1_ref[...], preferred_element_type=jnp.float32) + b1_ref[...]
    z = jnp.maximum(z, 0.0)
    z = jnp.dot(z, w2_ref[...], preferred_element_type=jnp.float32) + b2_ref[...]
    onehot = (batch_ref[...] ==
              lax.broadcasted_iota(jnp.int32, (BLK, G), 1)).astype(jnp.float32)
    contract = (((0,), (0,)), ((), ()))
    sums_acc[...] += lax.dot_general(onehot, z, contract,
                                     preferred_element_type=jnp.float32,
                                     precision=lax.Precision.HIGHEST)
    counts_acc[...] += lax.dot_general(onehot, jnp.ones((BLK, 128), jnp.float32),
                                       contract,
                                       preferred_element_type=jnp.float32,
                                       precision=lax.Precision.HIGHEST)

    @pl.when(i == NB - 1)
    def _finish():
        counts = jnp.maximum(counts_acc[...], 1.0)
        graph_repr = sums_acc[...] / counts
        z = (jnp.dot(graph_repr, fw1a_ref[...], preferred_element_type=jnp.float32)
             + jnp.dot(ypred_ref[...], fw1b_ref[...], preferred_element_type=jnp.float32)
             + fb1_ref[...])
        mu = jnp.mean(z, axis=0, keepdims=True)
        var = jnp.mean((z - mu) ** 2, axis=0, keepdims=True)
        z = (z - mu) / jnp.sqrt(var + 1e-5) * gamma_ref[...] + beta_ref[...]
        z = jnp.maximum(z, 0.0)
        z = jnp.dot(z, fw2_ref[...], preferred_element_type=jnp.float32) + fb2_ref[...]
        o_ref[...] = jax.nn.sigmoid(z)


def _tc_final(h, agg, w1, b1, w2, b2, batch2, y_pred,
              fw1a, fw1b, fb1, gamma, beta, fw2, fb2):
    row = lambda i: (i, 0)
    rowhi = lambda i: (N // BLK + i, 0)
    full = lambda i: (0, 0)
    return pl.pallas_call(
        _final_kernel,
        grid=(NB,),
        in_specs=[
            pl.BlockSpec((BLK, D), row),
            pl.BlockSpec((BLK, D), row),
            pl.BlockSpec((BLK, D), rowhi),
            pl.BlockSpec((D, D), full),
            pl.BlockSpec((1, D), full),
            pl.BlockSpec((D, D), full),
            pl.BlockSpec((1, D), full),
            pl.BlockSpec((BLK, 1), row),
            pl.BlockSpec((G, OUT), full),
            pl.BlockSpec((D, H), full),
            pl.BlockSpec((OUT, H), full),
            pl.BlockSpec((1, H), full),
            pl.BlockSpec((1, H), full),
            pl.BlockSpec((1, H), full),
            pl.BlockSpec((H, D), full),
            pl.BlockSpec((1, D), full),
        ],
        out_specs=pl.BlockSpec((G, D), full),
        out_shape=jax.ShapeDtypeStruct((G, D), jnp.float32),
        scratch_shapes=[
            pltpu.VMEM((G, D), jnp.float32),
            pltpu.VMEM((G, 128), jnp.float32),
        ],
    )(h, agg, agg, w1, b1.reshape(1, D), w2, b2.reshape(1, D),
      batch2, y_pred, fw1a, fw1b, fb1.reshape(1, H),
      gamma.reshape(1, H), beta.reshape(1, H), fw2, fb2.reshape(1, D))


def kernel(x, edge_index, batch, y_pred,
           gin1_W1, gin1_b1, gin1_W2, gin1_b2,
           gin2_W1, gin2_b1, gin2_W2, gin2_b2,
           fus_W1, fus_b1, bn_gamma, bn_beta, fus_W2, fus_b2):
    src2 = edge_index[0].astype(jnp.int32).reshape(NW, EPT)
    dst2 = edge_index[1].astype(jnp.int32).reshape(NW, EPT)
    pad_s = jnp.broadcast_to((jnp.arange(EPAD, dtype=jnp.int32) * 89) % N,
                             (NW, EPAD))
    pad_d = jnp.broadcast_to(N + (jnp.arange(EPAD, dtype=jnp.int32) % PADROWS),
                             (NW, EPAD))
    src3 = jnp.concatenate([src2, pad_s], axis=1).reshape(NW, NCHUNK, CH)
    dst3 = jnp.concatenate([dst2, pad_d], axis=1).reshape(NW, NCHUNK, CH)
    srcA, srcB = src3[:, :PASS0], src3[:, PASS0:]
    dstA, dstB = dst3[:, :PASS0], dst3[:, PASS0:]
    zeros = jnp.zeros((N, D), jnp.float32)

    agg1 = _sc_aggregate(x, zeros, srcA, dstA, srcB, dstB)
    h = _tc_mlp(x, agg1, gin1_W1, gin1_b1, gin1_W2, gin1_b2,
                final_relu=True)
    agg2 = _sc_aggregate(h, zeros, srcA, dstA, srcB, dstB)
    out = _tc_final(h, agg2, gin2_W1, gin2_b1, gin2_W2, gin2_b2,
                    batch.astype(jnp.int32).reshape(N, 1), y_pred,
                    fus_W1[:D], fus_W1[D:], fus_b1, bn_gamma, bn_beta,
                    fus_W2, fus_b2)
    return out

# --- scband reference (transcript-rebuilt; emitter-appended) ---
"""Pipeline reference for scband-env-generator-86904368268082 (READ-ONLY COPY).

The authoritative reference and input builder live on the scoring server;
editing this copy changes nothing except your own understanding.
"""

import jax, jax.numpy as jnp
import numpy as np

N = 10000
E = 320000
D = 128  # d_feat == dim_hidden
G = 128  # number of graphs in batch
OUT = 10  # out_shape (y_pred dim)
H = 256  # 2 * dim_hidden (label fuser hidden)


def setup_inputs(seed: int = 0) -> dict:
    key = jax.random.key(seed)
    ks = jax.random.split(key, 20)
    inp = {}
    inp["x"] = jax.random.normal(ks[0], (N, D), dtype=jnp.float32)
    inp["edge_index"] = jax.random.randint(ks[1], (2, E), 0, N)
    inp["batch"] = jnp.sort(jax.random.randint(ks[2], (N,), 0, G))
    inp["y_pred"] = jax.random.normal(ks[3], (G, OUT), dtype=jnp.float32)

    def init(k, shape, fan_in):
        return jax.random.normal(k, shape, dtype=jnp.float32) * (1.0 / np.sqrt(fan_in))

    # GIN layer 1 MLP weights
    inp["gin1_W1"] = init(ks[4], (D, D), D)
    inp["gin1_b1"] = jnp.zeros((D,), dtype=jnp.float32)
    inp["gin1_W2"] = init(ks[5], (D, D), D)
    inp["gin1_b2"] = jnp.zeros((D,), dtype=jnp.float32)
    # GIN layer 2 MLP weights
    inp["gin2_W1"] = init(ks[6], (D, D), D)
    inp["gin2_b1"] = jnp.zeros((D,), dtype=jnp.float32)
    inp["gin2_W2"] = init(ks[7], (D, D), D)
    inp["gin2_b2"] = jnp.zeros((D,), dtype=jnp.float32)
    # label_fuser: MLP([D+OUT, 2D, D]) with BatchNorm + ReLU between
    inp["fus_W1"] = init(ks[8], (D + OUT, H), D + OUT)
    inp["fus_b1"] = jnp.zeros((H,), dtype=jnp.float32)
    inp["bn_gamma"] = jnp.ones((H,), dtype=jnp.float32)
    inp["bn_beta"] = jnp.zeros((H,), dtype=jnp.float32)
    inp["fus_W2"] = init(ks[9], (H, D), H)
    inp["fus_b2"] = jnp.zeros((D,), dtype=jnp.float32)
    return inp


def _gin_layer(h, src, dst, W1, b1, W2, b2, eps=0.0):
    # sum-aggregate neighbor messages (gather + scatter-add), then MLP
    msg = jnp.take(h, src, axis=0)
    agg = jax.ops.segment_sum(msg, dst, num_segments=h.shape[0])
    z = (1.0 + eps) * h + agg
    z = jnp.maximum(jnp.dot(z, W1) + b1, 0.0)
    z = jnp.dot(z, W2) + b2
    return z


def reference(x, edge_index, batch, y_pred,
              gin1_W1, gin1_b1, gin1_W2, gin1_b2,
              gin2_W1, gin2_b1, gin2_W2, gin2_b2,
              fus_W1, fus_b1, bn_gamma, bn_beta, fus_W2, fus_b2):
    src = edge_index[0]
    dst = edge_index[1]
    # GIN feature extractor (2 message-passing layers)
    h = _gin_layer(x, src, dst, gin1_W1, gin1_b1, gin1_W2, gin1_b2)
    h = jnp.maximum(h, 0.0)
    h = _gin_layer(h, src, dst, gin2_W1, gin2_b1, gin2_W2, gin2_b2)
    # mean readout per graph
    ones = jnp.ones((h.shape[0],), dtype=jnp.float32)
    counts = jax.ops.segment_sum(ones, batch, num_segments=G)
    sums = jax.ops.segment_sum(h, batch, num_segments=G)
    graph_repr = sums / jnp.clip(counts, 1.0)[:, None]
    # fuse with y_pred through label_fuser MLP (Linear -> BN -> ReLU -> Linear)
    fused = jnp.concatenate([graph_repr, y_pred], axis=-1)
    z = jnp.dot(fused, fus_W1) + fus_b1
    mu = jnp.mean(z, axis=0)
    var = jnp.var(z, axis=0)
    z = (z - mu) / jnp.sqrt(var + 1e-5) * bn_gamma + bn_beta
    z = jnp.maximum(z, 0.0)
    z = jnp.dot(z, fus_W2) + fus_b2
    return jax.nn.sigmoid(z)

if __name__ == "__main__":
    import jax
    _d = setup_inputs()
    print(jax.jit(kernel)(*tuple(_d.values())))

</pallas_src>

<mosaic_0001>
#map = affine_map<(d0, d1) -> (0, 0)>
#map1 = affine_map<(d0, d1) -> (0, 0, 0)>
module attributes {stable_mosaic.version = 14 : i64} {
  func.func @_agg_body(%arg0: i32, %arg1: i32, %arg2: memref<10000x128xf32, #tpu.memory_space<hbm>>, %arg3: memref<10000x128xf32, #tpu.memory_space<hbm>>, %arg4: memref<32x40x128xi32, #tpu.memory_space<hbm>>, %arg5: memref<32x40x128xi32, #tpu.memory_space<hbm>>, %arg6: memref<32x39x128xi32, #tpu.memory_space<hbm>>, %arg7: memref<32x39x128xi32, #tpu.memory_space<hbm>>, %arg8: memref<20000x128xf32, #tpu.memory_space<hbm>>, %arg9: memref<40x128xi32, #tpu.memory_space<vmem>>, %arg10: memref<40x128xi32, #tpu.memory_space<vmem>>, %arg11: memref<128x128xf32, #tpu.memory_space<vmem>>, %arg12: memref<128x128xf32, #tpu.memory_space<vmem>>, %arg13: memref<!tpu.dma_semaphore, #tpu.memory_space<semaphore_mem>>, %arg14: memref<!tpu.dma_semaphore, #tpu.memory_space<semaphore_mem>>, %arg15: memref<!tpu.dma_semaphore, #tpu.memory_space<semaphore_mem>>, %arg16: memref<!tpu.dma_semaphore, #tpu.memory_space<semaphore_mem>>, %arg17: memref<10008x128xf32, #tpu.memory_space<vmem_shared>>, %arg18: memref<!tpu.dma_semaphore, #tpu.memory_space<semaphore_mem>>) attributes {dimension_semantics = [#tpu.dimension_semantics<core_parallel>, #tpu.dimension_semantics<subcore_parallel>], iteration_bounds = array<i64: 2, 16>, scalar_prefetch = 0 : i64, scratch_operands = 10 : i64, tpu.core_type = #tpu.core_type<sc_vector_subcore>, window_params = [{transform_indices = #map}, {transform_indices = #map}, {transform_indices = #map1}, {transform_indices = #map1}, {transform_indices = #map1}, {transform_indices = #map1}, {transform_indices = #map}]} {
    %mul3A = arith.constant 16 : i32
    %mul3A_0 = arith.muli %arg0, %mul3A : i32
    %add3A = arith.addi %mul3A_0, %arg1 : i32
    %dma_start3A = arith.constant 0 : i32
    %dma_start3A_1 = arith.constant 0 : i32
    %dma_start3A_2 = tpu.memref_slice %arg4[%add3A, %dma_start3A, %dma_start3A_1] : memref<32x40x128xi32, #tpu.memory_space<hbm>> -> memref<1x40x128xi32, #tpu.memory_space<hbm>>
    %dma_start3A_3 = tpu.memref_squeeze %dma_start3A_2 : memref<1x40x128xi32, #tpu.memory_space<hbm>> -> memref<40x128xi32, #tpu.memory_space<hbm>>
    %dma_start3A_4 = arith.constant 0 : i32
    %dma_start3A_5 = arith.constant 0 : i32
    %dma_start3A_6 = tpu.memref_slice %arg4[%add3A, %dma_start3A_4, %dma_start3A_5] : memref<32x40x128xi32, #tpu.memory_space<hbm>> -> memref<1x40x128xi32, #tpu.memory_space<hbm>>
    %dma_start3A_7 = tpu.memref_squeeze %dma_start3A_6 : memref<1x40x128xi32, #tpu.memory_space<hbm>> -> memref<40x128xi32, #tpu.memory_space<hbm>>
    tpu.enqueue_dma source(%dma_start3A_7 : memref<40x128xi32, #tpu.memory_space<hbm>>) target(%arg9 : memref<40x128xi32, #tpu.memory_space<vmem>>) target_semaphore(%arg18 : memref<!tpu.dma_semaphore, #tpu.memory_space<semaphore_mem>>)
    %dma_start3A_8 = arith.constant 0 : i32
    %dma_start3A_9 = arith.constant 0 : i32
    %dma_start3A_10 = tpu.memref_slice %arg5[%add3A, %dma_start3A_8, %dma_start3A_9] : memref<32x40x128xi32, #tpu.memory_space<hbm>> -> memref<1x40x128xi32, #tpu.memory_space<hbm>>
    %dma_start3A_11 = tpu.memref_squeeze %dma_start3A_10 : memref<1x40x128xi32, #tpu.memory_space<hbm>> -> memref<40x128xi32, #tpu.memory_space<hbm>>
    %dma_start3A_12 = arith.constant 0 : i32
    %dma_start3A_13 = arith.constant 0 : i32
    %dma_start3A_14 = tpu.memref_slice %arg5[%add3A, %dma_start3A_12, %dma_start3A_13] : memref<32x40x128xi32, #tpu.memory_space<hbm>> -> memref<1x40x128xi32, #tpu.memory_space<hbm>>
    %dma_start3A_15 = tpu.memref_squeeze %dma_start3A_14 : memref<1x40x128xi32, #tpu.memory_space<hbm>> -> memref<40x128xi32, #tpu.memory_space<hbm>>
    tpu.enqueue_dma source(%dma_start3A_15 : memref<40x128xi32, #tpu.memory_space<hbm>>) target(%arg10 : memref<40x128xi32, #tpu.memory_space<vmem>>) target_semaphore(%arg13 : memref<!tpu.dma_semaphore, #tpu.memory_space<semaphore_mem>>)
    %mul3A_16 = arith.constant 624 : i32
    %mul3A_17 = arith.muli %arg1, %mul3A_16 : i32
    %mul3A_18 = arith.constant 624 : i32
    %mul3A_19 = arith.muli %arg1, %mul3A_18 : i32
    "tpu.region"() ({
      %run_scoped3A_145 = tpu.sem_alloc : memref<!tpu.dma_semaphore, #tpu.memory_space<semaphore_mem>>
      %dma_start3A_146 = arith.constant 0 : i32
      %dma_start3A_147 = tpu.memref_slice %arg17[%mul3A_19, %dma_start3A_146] : memref<10008x128xf32, #tpu.memory_space<vmem_shared>> -> memref<624x128xf32, #tpu.memory_space<vmem_shared>>
      %dma_start3A_148 = arith.constant 0 : i32
      %dma_start3A_149 = tpu.memref_slice %arg3[%mul3A_17, %dma_start3A_148] : memref<10000x128xf32, #tpu.memory_space<hbm>> -> memref<624x128xf32, #tpu.memory_space<hbm>>
      tpu.enqueue_dma source(%dma_start3A_149 : memref<624x128xf32, #tpu.memory_space<hbm>>) target(%dma_start3A_147 : memref<624x128xf32, #tpu.memory_space<vmem_shared>>) target_semaphore(%run_scoped3A_145 : memref<!tpu.dma_semaphore, #tpu.memory_space<semaphore_mem>>)
      %dma_wait3A_150 = arith.constant 0 : i32
      %dma_wait3A_151 = tpu.memref_slice %arg17[%mul3A_19, %dma_wait3A_150] : memref<10008x128xf32, #tpu.memory_space<vmem_shared>> -> memref<624x128xf32, #tpu.memory_space<vmem_shared>>
      %dma_wait3A_152 = arith.constant 0 : i32
      %dma_wait3A_153 = tpu.memref_slice %arg3[%mul3A_17, %dma_wait3A_152] : memref<10000x128xf32, #tpu.memory_space<hbm>> -> memref<624x128xf32, #tpu.memory_space<hbm>>
      tpu.wait_dma2 semaphore(%run_scoped3A_145 : memref<!tpu.dma_semaphore, #tpu.memory_space<semaphore_mem>>) src(%dma_wait3A_153 : memref<624x128xf32, #tpu.memory_space<hbm>>) dst(%dma_wait3A_151 : memref<624x128xf32, #tpu.memory_space<vmem_shared>>)
      tpu.yield
    }) : () -> ()
    %eq3A = arith.constant 0 : i32
    %eq3A_20 = arith.cmpi eq, %arg1, %eq3A : i32
    %convert_element_type3A = arith.extui %eq3A_20 : i1 to i32
    %cond3A = arith.constant 0 : i32
    %cond3A_21 = arith.cmpi ne, %convert_element_type3A, %cond3A : i32
    scf.if %cond3A_21 {
      "tpu.region"() ({
        %run_scoped3A_145 = tpu.sem_alloc : memref<!tpu.dma_semaphore, #tpu.memory_space<semaphore_mem>>
        %dma_start3A_146 = arith.constant 9984 : i32
        %dma_start3A_147 = arith.constant 0 : i32
        %dma_start3A_148 = tpu.memref_slice %arg17[%dma_start3A_146, %dma_start3A_147] : memref<10008x128xf32, #tpu.memory_space<vmem_shared>> -> memref<16x128xf32, #tpu.memory_space<vmem_shared>>
        %dma_start3A_149 = arith.constant 9984 : i32
        %dma_start3A_150 = arith.constant 0 : i32
        %dma_start3A_151 = tpu.memref_slice %arg3[%dma_start3A_149, %dma_start3A_150] : memref<10000x128xf32, #tpu.memory_space<hbm>> -> memref<16x128xf32, #tpu.memory_space<hbm>>
        tpu.enqueue_dma source(%dma_start3A_151 : memref<16x128xf32, #tpu.memory_space<hbm>>) target(%dma_start3A_148 : memref<16x128xf32, #tpu.memory_space<vmem_shared>>) target_semaphore(%run_scoped3A_145 : memref<!tpu.dma_semaphore, #tpu.memory_space<semaphore_mem>>)
        %dma_wait3A_152 = arith.constant 9984 : i32
        %dma_wait3A_153 = arith.constant 0 : i32
        %dma_wait3A_154 = tpu.memref_slice %arg17[%dma_wait3A_152, %dma_wait3A_153] : memref<10008x128xf32, #tpu.memory_space<vmem_shared>> -> memref<16x128xf32, #tpu.memory_space<vmem_shared>>
        %dma_wait3A_155 = arith.constant 9984 : i32
        %dma_wait3A_156 = arith.constant 0 : i32
        %dma_wait3A_157 = tpu.memref_slice %arg3[%dma_wait3A_155, %dma_wait3A_156] : memref<10000x128xf32, #tpu.memory_space<hbm>> -> memref<16x128xf32, #tpu.memory_space<hbm>>
        tpu.wait_dma2 semaphore(%run_scoped3A_145 : memref<!tpu.dma_semaphore, #tpu.memory_space<semaphore_mem>>) src(%dma_wait3A_157 : memref<16x128xf32, #tpu.memory_space<hbm>>) dst(%dma_wait3A_154 : memref<16x128xf32, #tpu.memory_space<vmem_shared>>)
        tpu.yield
      }) : () -> ()
    } else {
    }
    %dma_wait3A = arith.constant 0 : i32
    %dma_wait3A_22 = arith.constant 0 : i32
    %dma_wait3A_23 = tpu.memref_slice %arg4[%add3A, %dma_wait3A, %dma_wait3A_22] : memref<32x40x128xi32, #tpu.memory_space<hbm>> -> memref<1x40x128xi32, #tpu.memory_space<hbm>>
    %dma_wait3A_24 = tpu.memref_squeeze %dma_wait3A_23 : memref<1x40x128xi32, #tpu.memory_space<hbm>> -> memref<40x128xi32, #tpu.memory_space<hbm>>
    %dma_wait3A_25 = arith.constant 0 : i32
    %dma_wait3A_26 = arith.constant 0 : i32
    %dma_wait3A_27 = tpu.memref_slice %arg4[%add3A, %dma_wait3A_25, %dma_wait3A_26] : memref<32x40x128xi32, #tpu.memory_space<hbm>> -> memref<1x40x128xi32, #tpu.memory_space<hbm>>
    %dma_wait3A_28 = tpu.memref_squeeze %dma_wait3A_27 : memref<1x40x128xi32, #tpu.memory_space<hbm>> -> memref<40x128xi32, #tpu.memory_space<hbm>>
    tpu.wait_dma2 semaphore(%arg18 : memref<!tpu.dma_semaphore, #tpu.memory_space<semaphore_mem>>) src(%dma_wait3A_28 : memref<40x128xi32, #tpu.memory_space<hbm>>) dst(%arg9 : memref<40x128xi32, #tpu.memory_space<vmem>>)
    %dma_wait3A_29 = arith.constant 0 : i32
    %dma_wait3A_30 = arith.constant 0 : i32
    %dma_wait3A_31 = tpu.memref_slice %arg5[%add3A, %dma_wait3A_29, %dma_wait3A_30] : memref<32x40x128xi32, #tpu.memory_space<hbm>> -> memref<1x40x128xi32, #tpu.memory_space<hbm>>
    %dma_wait3A_32 = tpu.memref_squeeze %dma_wait3A_31 : memref<1x40x128xi32, #tpu.memory_space<hbm>> -> memref<40x128xi32, #tpu.memory_space<hbm>>
    %dma_wait3A_33 = arith.constant 0 : i32
    %dma_wait3A_34 = arith.constant 0 : i32
    %dma_wait3A_35 = tpu.memref_slice %arg5[%add3A, %dma_wait3A_33, %dma_wait3A_34] : memref<32x40x128xi32, #tpu.memory_space<hbm>> -> memref<1x40x128xi32, #tpu.memory_space<hbm>>
    %dma_wait3A_36 = tpu.memref_squeeze %dma_wait3A_35 : memref<1x40x128xi32, #tpu.memory_space<hbm>> -> memref<40x128xi32, #tpu.memory_space<hbm>>
    tpu.wait_dma2 semaphore(%arg13 : memref<!tpu.dma_semaphore, #tpu.memory_space<semaphore_mem>>) src(%dma_wait3A_36 : memref<40x128xi32, #tpu.memory_space<hbm>>) dst(%arg10 : memref<40x128xi32, #tpu.memory_space<vmem>>)
    %barrier3A = arith.constant 0 : index
    tpu.barrier barrier_id(%barrier3A)
    %dma_start3A_37 = arith.constant 0 : i32
    %dma_start3A_38 = arith.constant 0 : i32
    %dma_start3A_39 = tpu.memref_slice %arg9[%dma_start3A_37, %dma_start3A_38] : memref<40x128xi32, #tpu.memory_space<vmem>> -> memref<1x128xi32, #tpu.memory_space<vmem>>
    %dma_start3A_40 = tpu.memref_squeeze %dma_start3A_39 : memref<1x128xi32, #tpu.memory_space<vmem>> -> memref<128xi32, #tpu.memory_space<vmem>>
    %dma_start3A_41 = arith.constant 0 : i32
    %dma_start3A_42 = arith.constant 0 : i32
    %dma_start3A_43 = tpu.memref_slice %arg2[%dma_start3A_41, %dma_start3A_42] : memref<10000x128xf32, #tpu.memory_space<hbm>> -> memref<10000x128xf32, #tpu.memory_space<hbm>>
    tpu.enqueue_indirect_dma source(%dma_start3A_43 : memref<10000x128xf32, #tpu.memory_space<hbm>>) target(%arg11 : memref<128x128xf32, #tpu.memory_space<vmem>>) offsets(%dma_start3A_40 : memref<128xi32, #tpu.memory_space<vmem>>) semaphore(%arg13 : memref<!tpu.dma_semaphore, #tpu.memory_space<semaphore_mem>>)
    %dma_start3A_44 = arith.constant 1 : i32
    %dma_start3A_45 = arith.constant 0 : i32
    %dma_start3A_46 = tpu.memref_slice %arg9[%dma_start3A_44, %dma_start3A_45] : memref<40x128xi32, #tpu.memory_space<vmem>> -> memref<1x128xi32, #tpu.memory_space<vmem>>
    %dma_start3A_47 = tpu.memref_squeeze %dma_start3A_46 : memref<1x128xi32, #tpu.memory_space<vmem>> -> memref<128xi32, #tpu.memory_space<vmem>>
    %dma_start3A_48 = arith.constant 0 : i32
    %dma_start3A_49 = arith.constant 0 : i32
    %dma_start3A_50 = tpu.memref_slice %arg2[%dma_start3A_48, %dma_start3A_49] : memref<10000x128xf32, #tpu.memory_space<hbm>> -> memref<10000x128xf32, #tpu.memory_space<hbm>>
    tpu.enqueue_indirect_dma source(%dma_start3A_50 : memref<10000x128xf32, #tpu.memory_space<hbm>>) target(%arg12 : memref<128x128xf32, #tpu.memory_space<vmem>>) offsets(%dma_start3A_47 : memref<128xi32, #tpu.memory_space<vmem>>) semaphore(%arg14 : memref<!tpu.dma_semaphore, #tpu.memory_space<semaphore_mem>>)
    %scan3A = arith.constant 0 : i32
    %scan3A_51 = arith.constant 0 : i32
    %scan3A_52 = arith.constant 10 : i32
    %scan3A_53 = arith.addi %scan3A_51, %scan3A_52 : i32
    %scan3A_54 = arith.constant 1 : i32
    scf.for %scan3A_145 = %scan3A_51 to %scan3A_53 step %scan3A_54  : i32 {
      %mul3A_146 = arith.constant 4 : i32
      %mul3A_147 = arith.muli %mul3A_146, %scan3A_145 : i32
      %add3A_148 = arith.constant 1 : i32
      %add3A_149 = arith.addi %mul3A_147, %add3A_148 : i32
      %dma_wait3A_150 = arith.constant 0 : i32
      %dma_wait3A_151 = tpu.memref_slice %arg9[%mul3A_147, %dma_wait3A_150] : memref<40x128xi32, #tpu.memory_space<vmem>> -> memref<1x128xi32, #tpu.memory_space<vmem>>
      %dma_wait3A_152 = tpu.memref_squeeze %dma_wait3A_151 : memref<1x128xi32, #tpu.memory_space<vmem>> -> memref<128xi32, #tpu.memory_space<vmem>>
      %dma_wait3A_153 = arith.constant 0 : i32
      %dma_wait3A_154 = arith.constant 0 : i32
      %dma_wait3A_155 = tpu.memref_slice %arg2[%dma_wait3A_153, %dma_wait3A_154] : memref<10000x128xf32, #tpu.memory_space<hbm>> -> memref<10000x128xf32, #tpu.memory_space<hbm>>
      tpu.wait_indirect_dma semaphore(%arg13 : memref<!tpu.dma_semaphore, #tpu.memory_space<semaphore_mem>>) src(%dma_wait3A_155 : memref<10000x128xf32, #tpu.memory_space<hbm>>) dst(%arg11 : memref<128x128xf32, #tpu.memory_space<vmem>>)
      %dma_start3A_156 = arith.constant 0 : i32
      %dma_start3A_157 = tpu.memref_slice %arg10[%mul3A_147, %dma_start3A_156] : memref<40x128xi32, #tpu.memory_space<vmem>> -> memref<1x128xi32, #tpu.memory_space<vmem>>
      %dma_start3A_158 = tpu.memref_squeeze %dma_start3A_157 : memref<1x128xi32, #tpu.memory_space<vmem>> -> memref<128xi32, #tpu.memory_space<vmem>>
      %dma_start3A_159 = arith.constant 0 : i32
      %dma_start3A_160 = arith.constant 0 : i32
      %dma_start3A_161 = tpu.memref_slice %arg17[%dma_start3A_159, %dma_start3A_160] : memref<10008x128xf32, #tpu.memory_space<vmem_shared>> -> memref<10008x128xf32, #tpu.memory_space<vmem_shared>>
      tpu.enqueue_indirect_dma source(%arg11 : memref<128x128xf32, #tpu.memory_space<vmem>>) target(%dma_start3A_161 : memref<10008x128xf32, #tpu.memory_space<vmem_shared>>) offsets(%dma_start3A_158 : memref<128xi32, #tpu.memory_space<vmem>>) semaphore(%arg15 : memref<!tpu.dma_semaphore, #tpu.memory_space<semaphore_mem>>) {add = true}
      %dma_wait3A_162 = arith.constant 0 : i32
      %dma_wait3A_163 = tpu.memref_slice %arg9[%add3A_149, %dma_wait3A_162] : memref<40x128xi32, #tpu.memory_space<vmem>> -> memref<1x128xi32, #tpu.memory_space<vmem>>
      %dma_wait3A_164 = tpu.memref_squeeze %dma_wait3A_163 : memref<1x128xi32, #tpu.memory_space<vmem>> -> memref<128xi32, #tpu.memory_space<vmem>>
      %dma_wait3A_165 = arith.constant 0 : i32
      %dma_wait3A_166 = arith.constant 0 : i32
      %dma_wait3A_167 = tpu.memref_slice %arg2[%dma_wait3A_165, %dma_wait3A_166] : memref<10000x128xf32, #tpu.memory_space<hbm>> -> memref<10000x128xf32, #tpu.memory_space<hbm>>
      tpu.wait_indirect_dma semaphore(%arg14 : memref<!tpu.dma_semaphore, #tpu.memory_space<semaphore_mem>>) src(%dma_wait3A_167 : memref<10000x128xf32, #tpu.memory_space<hbm>>) dst(%arg12 : memref<128x128xf32, #tpu.memory_space<vmem>>)
      %dma_start3A_168 = arith.constant 0 : i32
      %dma_start3A_169 = tpu.memref_slice %arg10[%add3A_149, %dma_start3A_168] : memref<40x128xi32, #tpu.memory_space<vmem>> -> memref<1x128xi32, #tpu.memory_space<vmem>>
      %dma_start3A_170 = tpu.memref_squeeze %dma_start3A_169 : memref<1x128xi32, #tpu.memory_space<vmem>> -> memref<128xi32, #tpu.memory_space<vmem>>
      %dma_start3A_171 = arith.constant 0 : i32
      %dma_start3A_172 = arith.constant 0 : i32
      %dma_start3A_173 = tpu.memref_slice %arg17[%dma_start3A_171, %dma_start3A_172] : memref<10008x128xf32, #tpu.memory_space<vmem_shared>> -> memref<10008x128xf32, #tpu.memory_space<vmem_shared>>
      tpu.enqueue_indirect_dma source(%arg12 : memref<128x128xf32, #tpu.memory_space<vmem>>) target(%dma_start3A_173 : memref<10008x128xf32, #tpu.memory_space<vmem_shared>>) offsets(%dma_start3A_170 : memref<128xi32, #tpu.memory_space<vmem>>) semaphore(%arg16 : memref<!tpu.dma_semaphore, #tpu.memory_space<semaphore_mem>>) {add = true}
      %dma_wait3A_174 = arith.constant 0 : i32
      %dma_wait3A_175 = tpu.memref_slice %arg10[%mul3A_147, %dma_wait3A_174] : memref<40x128xi32, #tpu.memory_space<vmem>> -> memref<1x128xi32, #tpu.memory_space<vmem>>
      %dma_wait3A_176 = tpu.memref_squeeze %dma_wait3A_175 : memref<1x128xi32, #tpu.memory_space<vmem>> -> memref<128xi32, #tpu.memory_space<vmem>>
      %dma_wait3A_177 = arith.constant 0 : i32
      %dma_wait3A_178 = arith.constant 0 : i32
      %dma_wait3A_179 = tpu.memref_slice %arg17[%dma_wait3A_177, %dma_wait3A_178] : memref<10008x128xf32, #tpu.memory_space<vmem_shared>> -> memref<10008x128xf32, #tpu.memory_space<vmem_shared>>
      tpu.wait_indirect_dma semaphore(%arg15 : memref<!tpu.dma_semaphore, #tpu.memory_space<semaphore_mem>>) src(%arg11 : memref<128x128xf32, #tpu.memory_space<vmem>>) dst(%dma_wait3A_179 : memref<10008x128xf32, #tpu.memory_space<vmem_shared>>)
      %add3A_180 = arith.constant 2 : i32
      %add3A_181 = arith.addi %mul3A_147, %add3A_180 : i32
      %lt3A = arith.constant 40 : i32
      %lt3A_182 = arith.cmpi slt, %add3A_181, %lt3A : i32
      %convert_element_type3A_183 = arith.extui %lt3A_182 : i1 to i32
      %cond3A_184 = arith.constant 0 : i32
      %cond3A_185 = arith.cmpi ne, %convert_element_type3A_183, %cond3A_184 : i32
      scf.if %cond3A_185 {
        %add3A_255 = arith.constant 2 : i32
        %add3A_256 = arith.addi %mul3A_147, %add3A_255 : i32
        %dma_start3A_257 = arith.constant 0 : i32
        %dma_start3A_258 = tpu.memref_slice %arg9[%add3A_256, %dma_start3A_257] : memref<40x128xi32, #tpu.memory_space<vmem>> -> memref<1x128xi32, #tpu.memory_space<vmem>>
        %dma_start3A_259 = tpu.memref_squeeze %dma_start3A_258 : memref<1x128xi32, #tpu.memory_space<vmem>> -> memref<128xi32, #tpu.memory_space<vmem>>
        %dma_start3A_260 = arith.constant 0 : i32
        %dma_start3A_261 = arith.constant 0 : i32
        %dma_start3A_262 = tpu.memref_slice %arg2[%dma_start3A_260, %dma_start3A_261] : memref<10000x128xf32, #tpu.memory_space<hbm>> -> memref<10000x128xf32, #tpu.memory_space<hbm>>
        tpu.enqueue_indirect_dma source(%dma_start3A_262 : memref<10000x128xf32, #tpu.memory_space<hbm>>) target(%arg11 : memref<128x128xf32, #tpu.memory_space<vmem>>) offsets(%dma_start3A_259 : memref<128xi32, #tpu.memory_space<vmem>>) semaphore(%arg13 : memref<!tpu.dma_semaphore, #tpu.memory_space<semaphore_mem>>)
      } else {
      }
      %dma_wait3A_186 = arith.constant 0 : i32
      %dma_wait3A_187 = tpu.memref_slice %arg10[%add3A_149, %dma_wait3A_186] : memref<40x128xi32, #tpu.memory_space<vmem>> -> memref<1x128xi32, #tpu.memory_space<vmem>>
      %dma_wait3A_188 = tpu.memref_squeeze %dma_wait3A_187 : memref<1x128xi32, #tpu.memory_space<vmem>> -> memref<128xi32, #tpu.memory_space<vmem>>
      %dma_wait3A_189 = arith.constant 0 : i32
      %dma_wait3A_190 = arith.constant 0 : i32
      %dma_wait3A_191 = tpu.memref_slice %arg17[%dma_wait3A_189, %dma_wait3A_190] : memref<10008x128xf32, #tpu.memory_space<vmem_shared>> -> memref<10008x128xf32, #tpu.memory_space<vmem_shared>>
      tpu.wait_indirect_dma semaphore(%arg16 : memref<!tpu.dma_semaphore, #tpu.memory_space<semaphore_mem>>) src(%arg12 : memref<128x128xf32, #tpu.memory_space<vmem>>) dst(%dma_wait3A_191 : memref<10008x128xf32, #tpu.memory_space<vmem_shared>>)
      %add3A_192 = arith.constant 2 : i32
      %add3A_193 = arith.addi %add3A_149, %add3A_192 : i32
      %lt3A_194 = arith.constant 40 : i32
      %lt3A_195 = arith.cmpi slt, %add3A_193, %lt3A_194 : i32
      %convert_element_type3A_196 = arith.extui %lt3A_195 : i1 to i32
      %cond3A_197 = arith.constant 0 : i32
      %cond3A_198 = arith.cmpi ne, %convert_element_type3A_196, %cond3A_197 : i32
      scf.if %cond3A_198 {
        %add3A_255 = arith.constant 2 : i32
        %add3A_256 = arith.addi %add3A_149, %add3A_255 : i32
        %dma_start3A_257 = arith.constant 0 : i32
        %dma_start3A_258 = tpu.memref_slice %arg9[%add3A_256, %dma_start3A_257] : memref<40x128xi32, #tpu.memory_space<vmem>> -> memref<1x128xi32, #tpu.memory_space<vmem>>
        %dma_start3A_259 = tpu.memref_squeeze %dma_start3A_258 : memref<1x128xi32, #tpu.memory_space<vmem>> -> memref<128xi32, #tpu.memory_space<vmem>>
        %dma_start3A_260 = arith.constant 0 : i32
        %dma_start3A_261 = arith.constant 0 : i32
        %dma_start3A_262 = tpu.memref_slice %arg2[%dma_start3A_260, %dma_start3A_261] : memref<10000x128xf32, #tpu.memory_space<hbm>> -> memref<10000x128xf32, #tpu.memory_space<hbm>>
        tpu.enqueue_indirect_dma source(%dma_start3A_262 : memref<10000x128xf32, #tpu.memory_space<hbm>>) target(%arg12 : memref<128x128xf32, #tpu.memory_space<vmem>>) offsets(%dma_start3A_259 : memref<128xi32, #tpu.memory_space<vmem>>) semaphore(%arg14 : memref<!tpu.dma_semaphore, #tpu.memory_space<semaphore_mem>>)
      } else {
      }
      %mul3A_199 = arith.constant 4 : i32
      %mul3A_200 = arith.muli %mul3A_199, %scan3A_145 : i32
      %add3A_201 = arith.constant 2 : i32
      %add3A_202 = arith.addi %mul3A_200, %add3A_201 : i32
      %add3A_203 = arith.constant 1 : i32
      %add3A_204 = arith.addi %add3A_202, %add3A_203 : i32
      %dma_wait3A_205 = arith.constant 0 : i32
      %dma_wait3A_206 = tpu.memref_slice %arg9[%add3A_202, %dma_wait3A_205] : memref<40x128xi32, #tpu.memory_space<vmem>> -> memref<1x128xi32, #tpu.memory_space<vmem>>
      %dma_wait3A_207 = tpu.memref_squeeze %dma_wait3A_206 : memref<1x128xi32, #tpu.memory_space<vmem>> -> memref<128xi32, #tpu.memory_space<vmem>>
      %dma_wait3A_208 = arith.constant 0 : i32
      %dma_wait3A_209 = arith.constant 0 : i32
      %dma_wait3A_210 = tpu.memref_slice %arg2[%dma_wait3A_208, %dma_wait3A_209] : memref<10000x128xf32, #tpu.memory_space<hbm>> -> memref<10000x128xf32, #tpu.memory_space<hbm>>
      tpu.wait_indirect_dma semaphore(%arg13 : memref<!tpu.dma_semaphore, #tpu.memory_space<semaphore_mem>>) src(%dma_wait3A_210 : memref<10000x128xf32, #tpu.memory_space<hbm>>) dst(%arg11 : memref<128x128xf32, #tpu.memory_space<vmem>>)
      %dma_start3A_211 = arith.constant 0 : i32
      %dma_start3A_212 = tpu.memref_slice %arg10[%add3A_202, %dma_start3A_211] : memref<40x128xi32, #tpu.memory_space<vmem>> -> memref<1x128xi32, #tpu.memory_space<vmem>>
      %dma_start3A_213 = tpu.memref_squeeze %dma_start3A_212 : memref<1x128xi32, #tpu.memory_space<vmem>> -> memref<128xi32, #tpu.memory_space<vmem>>
      %dma_start3A_214 = arith.constant 0 : i32
      %dma_start3A_215 = arith.constant 0 : i32
      %dma_start3A_216 = tpu.memref_slice %arg17[%dma_start3A_214, %dma_start3A_215] : memref<10008x128xf32, #tpu.memory_space<vmem_shared>> -> memref<10008x128xf32, #tpu.memory_space<vmem_shared>>
      tpu.enqueue_indirect_dma source(%arg11 : memref<128x128xf32, #tpu.memory_space<vmem>>) target(%dma_start3A_216 : memref<10008x128xf32, #tpu.memory_space<vmem_shared>>) offsets(%dma_start3A_213 : memref<128xi32, #tpu.memory_space<vmem>>) semaphore(%arg15 : memref<!tpu.dma_semaphore, #tpu.memory_space<semaphore_mem>>) {add = true}
      %dma_wait3A_217 = arith.constant 0 : i32
      %dma_wait3A_218 = tpu.memref_slice %arg9[%add3A_204, %dma_wait3A_217] : memref<40x128xi32, #tpu.memory_space<vmem>> -> memref<1x128xi32, #tpu.memory_space<vmem>>
      %dma_wait3A_219 = tpu.memref_squeeze %dma_wait3A_218 : memref<1x128xi32, #tpu.memory_space<vmem>> -> memref<128xi32, #tpu.memory_space<vmem>>
      %dma_wait3A_220 = arith.constant 0 : i32
      %dma_wait3A_221 = arith.constant 0 : i32
      %dma_wait3A_222 = tpu.memref_slice %arg2[%dma_wait3A_220, %dma_wait3A_221] : memref<10000x128xf32, #tpu.memory_space<hbm>> -> memref<10000x128xf32, #tpu.memory_space<hbm>>
      tpu.wait_indirect_dma semaphore(%arg14 : memref<!tpu.dma_semaphore, #tpu.memory_space<semaphore_mem>>) src(%dma_wait3A_222 : memref<10000x128xf32, #tpu.memory_space<hbm>>) dst(%arg12 : memref<128x128xf32, #tpu.memory_space<vmem>>)
      %dma_start3A_223 = arith.constant 0 : i32
      %dma_start3A_224 = tpu.memref_slice %arg10[%add3A_204, %dma_start3A_223] : memref<40x128xi32, #tpu.memory_space<vmem>> -> memref<1x128xi32, #tpu.memory_space<vmem>>
      %dma_start3A_225 = tpu.memref_squeeze %dma_start3A_224 : memref<1x128xi32, #tpu.memory_space<vmem>> -> memref<128xi32, #tpu.memory_space<vmem>>
      %dma_start3A_226 = arith.constant 0 : i32
      %dma_start3A_227 = arith.constant 0 : i32
      %dma_start3A_228 = tpu.memref_slice %arg17[%dma_start3A_226, %dma_start3A_227] : memref<10008x128xf32, #tpu.memory_space<vmem_shared>> -> memref<10008x128xf32, #tpu.memory_space<vmem_shared>>
      tpu.enqueue_indirect_dma source(%arg12 : memref<128x128xf32, #tpu.memory_space<vmem>>) target(%dma_start3A_228 : memref<10008x128xf32, #tpu.memory_space<vmem_shared>>) offsets(%dma_start3A_225 : memref<128xi32, #tpu.memory_space<vmem>>) semaphore(%arg16 : memref<!tpu.dma_semaphore, #tpu.memory_space<semaphore_mem>>) {add = true}
      %dma_wait3A_229 = arith.constant 0 : i32
      %dma_wait3A_230 = tpu.memref_slice %arg10[%add3A_202, %dma_wait3A_229] : memref<40x128xi32, #tpu.memory_space<vmem>> -> memref<1x128xi32, #tpu.memory_space<vmem>>
      %dma_wait3A_231 = tpu.memref_squeeze %dma_wait3A_230 : memref<1x128xi32, #tpu.memory_space<vmem>> -> memref<128xi32, #tpu.memory_space<vmem>>
      %dma_wait3A_232 = arith.constant 0 : i32
      %dma_wait3A_233 = arith.constant 0 : i32
      %dma_wait3A_234 = tpu.memref_slice %arg17[%dma_wait3A_232, %dma_wait3A_233] : memref<10008x128xf32, #tpu.memory_space<vmem_shared>> -> memref<10008x128xf32, #tpu.memory_space<vmem_shared>>
      tpu.wait_indirect_dma semaphore(%arg15 : memref<!tpu.dma_semaphore, #tpu.memory_space<semaphore_mem>>) src(%arg11 : memref<128x128xf32, #tpu.memory_space<vmem>>) dst(%dma_wait3A_234 : memref<10008x128xf32, #tpu.memory_space<vmem_shared>>)
      %add3A_235 = arith.constant 2 : i32
      %add3A_236 = arith.addi %add3A_202, %add3A_235 : i32
      %lt3A_237 = arith.constant 40 : i32
      %lt3A_238 = arith.cmpi slt, %add3A_236, %lt3A_237 : i32
      %convert_element_type3A_239 = arith.extui %lt3A_238 : i1 to i32
      %cond3A_240 = arith.constant 0 : i32
      %cond3A_241 = arith.cmpi ne, %convert_element_type3A_239, %cond3A_240 : i32
      scf.if %cond3A_241 {
        %add3A_255 = arith.constant 2 : i32
        %add3A_256 = arith.addi %add3A_202, %add3A_255 : i32
        %dma_start3A_257 = arith.constant 0 : i32
        %dma_start3A_258 = tpu.memref_slice %arg9[%add3A_256, %dma_start3A_257] : memref<40x128xi32, #tpu.memory_space<vmem>> -> memref<1x128xi32, #tpu.memory_space<vmem>>
        %dma_start3A_259 = tpu.memref_squeeze %dma_start3A_258 : memref<1x128xi32, #tpu.memory_space<vmem>> -> memref<128xi32, #tpu.memory_space<vmem>>
        %dma_start3A_260 = arith.constant 0 : i32
        %dma_start3A_261 = arith.constant 0 : i32
        %dma_start3A_262 = tpu.memref_slice %arg2[%dma_start3A_260, %dma_start3A_261] : memref<10000x128xf32, #tpu.memory_space<hbm>> -> memref<10000x128xf32, #tpu.memory_space<hbm>>
        tpu.enqueue_indirect_dma source(%dma_start3A_262 : memref<10000x128xf32, #tpu.memory_space<hbm>>) target(%arg11 : memref<128x128xf32, #tpu.memory_space<vmem>>) offsets(%dma_start3A_259 : memref<128xi32, #tpu.memory_space<vmem>>) semaphore(%arg13 : memref<!tpu.dma_semaphore, #tpu.memory_space<semaphore_mem>>)
      } else {
      }
      %dma_wait3A_242 = arith.constant 0 : i32
      %dma_wait3A_243 = tpu.memref_slice %arg10[%add3A_204, %dma_wait3A_242] : memref<40x128xi32, #tpu.memory_space<vmem>> -> memref<1x128xi32, #tpu.memory_space<vmem>>
      %dma_wait3A_244 = tpu.memref_squeeze %dma_wait3A_243 : memref<1x128xi32, #tpu.memory_space<vmem>> -> memref<128xi32, #tpu.memory_space<vmem>>
      %dma_wait3A_245 = arith.constant 0 : i32
      %dma_wait3A_246 = arith.constant 0 : i32
      %dma_wait3A_247 = tpu.memref_slice %arg17[%dma_wait3A_245, %dma_wait3A_246] : memref<10008x128xf32, #tpu.memory_space<vmem_shared>> -> memref<10008x128xf32, #tpu.memory_space<vmem_shared>>
      tpu.wait_indirect_dma semaphore(%arg16 : memref<!tpu.dma_semaphore, #tpu.memory_space<semaphore_mem>>) src(%arg12 : memref<128x128xf32, #tpu.memory_space<vmem>>) dst(%dma_wait3A_247 : memref<10008x128xf32, #tpu.memory_space<vmem_shared>>)
      %add3A_248 = arith.constant 2 : i32
      %add3A_249 = arith.addi %add3A_204, %add3A_248 : i32
      %lt3A_250 = arith.constant 40 : i32
      %lt3A_251 = arith.cmpi slt, %add3A_249, %lt3A_250 : i32
      %convert_element_type3A_252 = arith.extui %lt3A_251 : i1 to i32
      %cond3A_253 = arith.constant 0 : i32
      %cond3A_254 = arith.cmpi ne, %convert_element_type3A_252, %cond3A_253 : i32
      scf.if %cond3A_254 {
        %add3A_255 = arith.constant 2 : i32
        %add3A_256 = arith.addi %add3A_204, %add3A_255 : i32
        %dma_start3A_257 = arith.constant 0 : i32
        %dma_start3A_258 = tpu.memref_slice %arg9[%add3A_256, %dma_start3A_257] : memref<40x128xi32, #tpu.memory_space<vmem>> -> memref<1x128xi32, #tpu.memory_space<vmem>>
        %dma_start3A_259 = tpu.memref_squeeze %dma_start3A_258 : memref<1x128xi32, #tpu.memory_space<vmem>> -> memref<128xi32, #tpu.memory_space<vmem>>
        %dma_start3A_260 = arith.constant 0 : i32
        %dma_start3A_261 = arith.constant 0 : i32
        %dma_start3A_262 = tpu.memref_slice %arg2[%dma_start3A_260, %dma_start3A_261] : memref<10000x128xf32, #tpu.memory_space<hbm>> -> memref<10000x128xf32, #tpu.memory_space<hbm>>
        tpu.enqueue_indirect_dma source(%dma_start3A_262 : memref<10000x128xf32, #tpu.memory_space<hbm>>) target(%arg12 : memref<128x128xf32, #tpu.memory_space<vmem>>) offsets(%dma_start3A_259 : memref<128xi32, #tpu.memory_space<vmem>>) semaphore(%arg14 : memref<!tpu.dma_semaphore, #tpu.memory_space<semaphore_mem>>)
      } else {
      }
    }
    %scan3A_55 = arith.constant 10 : i32
    "tpu.region"() ({
      %run_scoped3A_145 = tpu.sem_alloc : memref<!tpu.dma_semaphore, #tpu.memory_space<semaphore_mem>>
      %dma_start3A_146 = arith.constant 0 : i32
      %dma_start3A_147 = arith.constant 0 : i32
      %dma_start3A_148 = tpu.memref_slice %arg9[%dma_start3A_146, %dma_start3A_147] : memref<40x128xi32, #tpu.memory_space<vmem>> -> memref<39x128xi32, #tpu.memory_space<vmem>>
      %dma_start3A_149 = arith.constant 0 : i32
      %dma_start3A_150 = arith.constant 0 : i32
      %dma_start3A_151 = tpu.memref_slice %arg6[%add3A, %dma_start3A_149, %dma_start3A_150] : memref<32x39x128xi32, #tpu.memory_space<hbm>> -> memref<1x39x128xi32, #tpu.memory_space<hbm>>
      %dma_start3A_152 = tpu.memref_squeeze %dma_start3A_151 : memref<1x39x128xi32, #tpu.memory_space<hbm>> -> memref<39x128xi32, #tpu.memory_space<hbm>>
      %dma_start3A_153 = arith.constant 0 : i32
      %dma_start3A_154 = arith.constant 0 : i32
      %dma_start3A_155 = tpu.memref_slice %arg9[%dma_start3A_153, %dma_start3A_154] : memref<40x128xi32, #tpu.memory_space<vmem>> -> memref<39x128xi32, #tpu.memory_space<vmem>>
      %dma_start3A_156 = arith.constant 0 : i32
      %dma_start3A_157 = arith.constant 0 : i32
      %dma_start3A_158 = tpu.memref_slice %arg6[%add3A, %dma_start3A_156, %dma_start3A_157] : memref<32x39x128xi32, #tpu.memory_space<hbm>> -> memref<1x39x128xi32, #tpu.memory_space<hbm>>
      %dma_start3A_159 = tpu.memref_squeeze %dma_start3A_158 : memref<1x39x128xi32, #tpu.memory_space<hbm>> -> memref<39x128xi32, #tpu.memory_space<hbm>>
      tpu.enqueue_dma source(%dma_start3A_159 : memref<39x128xi32, #tpu.memory_space<hbm>>) target(%dma_start3A_155 : memref<39x128xi32, #tpu.memory_space<vmem>>) target_semaphore(%run_scoped3A_145 : memref<!tpu.dma_semaphore, #tpu.memory_space<semaphore_mem>>)
      %dma_wait3A_160 = arith.constant 0 : i32
      %dma_wait3A_161 = arith.constant 0 : i32
      %dma_wait3A_162 = tpu.memref_slice %arg9[%dma_wait3A_160, %dma_wait3A_161] : memref<40x128xi32, #tpu.memory_space<vmem>> -> memref<39x128xi32, #tpu.memory_space<vmem>>
      %dma_wait3A_163 = arith.constant 0 : i32
      %dma_wait3A_164 = arith.constant 0 : i32
      %dma_wait3A_165 = tpu.memref_slice %arg6[%add3A, %dma_wait3A_163, %dma_wait3A_164] : memref<32x39x128xi32, #tpu.memory_space<hbm>> -> memref<1x39x128xi32, #tpu.memory_space<hbm>>
      %dma_wait3A_166 = tpu.memref_squeeze %dma_wait3A_165 : memref<1x39x128xi32, #tpu.memory_space<hbm>> -> memref<39x128xi32, #tpu.memory_space<hbm>>
      %dma_wait3A_167 = arith.constant 0 : i32
      %dma_wait3A_168 = arith.constant 0 : i32
      %dma_wait3A_169 = tpu.memref_slice %arg9[%dma_wait3A_167, %dma_wait3A_168] : memref<40x128xi32, #tpu.memory_space<vmem>> -> memref<39x128xi32, #tpu.memory_space<vmem>>
      %dma_wait3A_170 = arith.constant 0 : i32
      %dma_wait3A_171 = arith.constant 0 : i32
      %dma_wait3A_172 = tpu.memref_slice %arg6[%add3A, %dma_wait3A_170, %dma_wait3A_171] : memref<32x39x128xi32, #tpu.memory_space<hbm>> -> memref<1x39x128xi32, #tpu.memory_space<hbm>>
      %dma_wait3A_173 = tpu.memref_squeeze %dma_wait3A_172 : memref<1x39x128xi32, #tpu.memory_space<hbm>> -> memref<39x128xi32, #tpu.memory_space<hbm>>
      tpu.wait_dma2 semaphore(%run_scoped3A_145 : memref<!tpu.dma_semaphore, #tpu.memory_space<semaphore_mem>>) src(%dma_wait3A_173 : memref<39x128xi32, #tpu.memory_space<hbm>>) dst(%dma_wait3A_169 : memref<39x128xi32, #tpu.memory_space<vmem>>)
      tpu.yield
    }) : () -> ()
    "tpu.region"() ({
      %run_scoped3A_145 = tpu.sem_alloc : memref<!tpu.dma_semaphore, #tpu.memory_space<semaphore_mem>>
      %dma_start3A_146 = arith.constant 0 : i32
      %dma_start3A_147 = arith.constant 0 : i32
      %dma_start3A_148 = tpu.memref_slice %arg10[%dma_start3A_146, %dma_start3A_147] : memref<40x128xi32, #tpu.memory_space<vmem>> -> memref<39x128xi32, #tpu.memory_space<vmem>>
      %dma_start3A_149 = arith.constant 0 : i32
      %dma_start3A_150 = arith.constant 0 : i32
      %dma_start3A_151 = tpu.memref_slice %arg7[%add3A, %dma_start3A_149, %dma_start3A_150] : memref<32x39x128xi32, #tpu.memory_space<hbm>> -> memref<1x39x128xi32, #tpu.memory_space<hbm>>
      %dma_start3A_152 = tpu.memref_squeeze %dma_start3A_151 : memref<1x39x128xi32, #tpu.memory_space<hbm>> -> memref<39x128xi32, #tpu.memory_space<hbm>>
      %dma_start3A_153 = arith.constant 0 : i32
      %dma_start3A_154 = arith.constant 0 : i32
      %dma_start3A_155 = tpu.memref_slice %arg10[%dma_start3A_153, %dma_start3A_154] : memref<40x128xi32, #tpu.memory_space<vmem>> -> memref<39x128xi32, #tpu.memory_space<vmem>>
      %dma_start3A_156 = arith.constant 0 : i32
      %dma_start3A_157 = arith.constant 0 : i32
      %dma_start3A_158 = tpu.memref_slice %arg7[%add3A, %dma_start3A_156, %dma_start3A_157] : memref<32x39x128xi32, #tpu.memory_space<hbm>> -> memref<1x39x128xi32, #tpu.memory_space<hbm>>
      %dma_start3A_159 = tpu.memref_squeeze %dma_start3A_158 : memref<1x39x128xi32, #tpu.memory_space<hbm>> -> memref<39x128xi32, #tpu.memory_space<hbm>>
      tpu.enqueue_dma source(%dma_start3A_159 : memref<39x128xi32, #tpu.memory_space<hbm>>) target(%dma_start3A_155 : memref<39x128xi32, #tpu.memory_space<vmem>>) target_semaphore(%run_scoped3A_145 : memref<!tpu.dma_semaphore, #tpu.memory_space<semaphore_mem>>)
      %dma_wait3A_160 = arith.constant 0 : i32
      %dma_wait3A_161 = arith.constant 0 : i32
      %dma_wait3A_162 = tpu.memref_slice %arg10[%dma_wait3A_160, %dma_wait3A_161] : memref<40x128xi32, #tpu.memory_space<vmem>> -> memref<39x128xi32, #tpu.memory_space<vmem>>
      %dma_wait3A_163 = arith.constant 0 : i32
      %dma_wait3A_164 = arith.constant 0 : i32
      %dma_wait3A_165 = tpu.memref_slice %arg7[%add3A, %dma_wait3A_163, %dma_wait3A_164] : memref<32x39x128xi32, #tpu.memory_space<hbm>> -> memref<1x39x128xi32, #tpu.memory_space<hbm>>
      %dma_wait3A_166 = tpu.memref_squeeze %dma_wait3A_165 : memref<1x39x128xi32, #tpu.memory_space<hbm>> -> memref<39x128xi32, #tpu.memory_space<hbm>>
      %dma_wait3A_167 = arith.constant 0 : i32
      %dma_wait3A_168 = arith.constant 0 : i32
      %dma_wait3A_169 = tpu.memref_slice %arg10[%dma_wait3A_167, %dma_wait3A_168] : memref<40x128xi32, #tpu.memory_space<vmem>> -> memref<39x128xi32, #tpu.memory_space<vmem>>
      %dma_wait3A_170 = arith.constant 0 : i32
      %dma_wait3A_171 = arith.constant 0 : i32
      %dma_wait3A_172 = tpu.memref_slice %arg7[%add3A, %dma_wait3A_170, %dma_wait3A_171] : memref<32x39x128xi32, #tpu.memory_space<hbm>> -> memref<1x39x128xi32, #tpu.memory_space<hbm>>
      %dma_wait3A_173 = tpu.memref_squeeze %dma_wait3A_172 : memref<1x39x128xi32, #tpu.memory_space<hbm>> -> memref<39x128xi32, #tpu.memory_space<hbm>>
      tpu.wait_dma2 semaphore(%run_scoped3A_145 : memref<!tpu.dma_semaphore, #tpu.memory_space<semaphore_mem>>) src(%dma_wait3A_173 : memref<39x128xi32, #tpu.memory_space<hbm>>) dst(%dma_wait3A_169 : memref<39x128xi32, #tpu.memory_space<vmem>>)
      tpu.yield
    }) : () -> ()
    %dma_start3A_56 = arith.constant 0 : i32
    %dma_start3A_57 = arith.constant 0 : i32
    %dma_start3A_58 = tpu.memref_slice %arg9[%dma_start3A_56, %dma_start3A_57] : memref<40x128xi32, #tpu.memory_space<vmem>> -> memref<1x128xi32, #tpu.memory_space<vmem>>
    %dma_start3A_59 = tpu.memref_squeeze %dma_start3A_58 : memref<1x128xi32, #tpu.memory_space<vmem>> -> memref<128xi32, #tpu.memory_space<vmem>>
    %dma_start3A_60 = arith.constant 0 : i32
    %dma_start3A_61 = arith.constant 0 : i32
    %dma_start3A_62 = tpu.memref_slice %arg2[%dma_start3A_60, %dma_start3A_61] : memref<10000x128xf32, #tpu.memory_space<hbm>> -> memref<10000x128xf32, #tpu.memory_space<hbm>>
    tpu.enqueue_indirect_dma source(%dma_start3A_62 : memref<10000x128xf32, #tpu.memory_space<hbm>>) target(%arg11 : memref<128x128xf32, #tpu.memory_space<vmem>>) offsets(%dma_start3A_59 : memref<128xi32, #tpu.memory_space<vmem>>) semaphore(%arg13 : memref<!tpu.dma_semaphore, #tpu.memory_space<semaphore_mem>>)
    %dma_start3A_63 = arith.constant 1 : i32
    %dma_start3A_64 = arith.constant 0 : i32
    %dma_start3A_65 = tpu.memref_slice %arg9[%dma_start3A_63, %dma_start3A_64] : memref<40x128xi32, #tpu.memory_space<vmem>> -> memref<1x128xi32, #tpu.memory_space<vmem>>
    %dma_start3A_66 = tpu.memref_squeeze %dma_start3A_65 : memref<1x128xi32, #tpu.memory_space<vmem>> -> memref<128xi32, #tpu.memory_space<vmem>>
    %dma_start3A_67 = arith.constant 0 : i32
    %dma_start3A_68 = arith.constant 0 : i32
    %dma_start3A_69 = tpu.memref_slice %arg2[%dma_start3A_67, %dma_start3A_68] : memref<10000x128xf32, #tpu.memory_space<hbm>> -> memref<10000x128xf32, #tpu.memory_space<hbm>>
    tpu.enqueue_indirect_dma source(%dma_start3A_69 : memref<10000x128xf32, #tpu.memory_space<hbm>>) target(%arg12 : memref<128x128xf32, #tpu.memory_space<vmem>>) offsets(%dma_start3A_66 : memref<128xi32, #tpu.memory_space<vmem>>) semaphore(%arg14 : memref<!tpu.dma_semaphore, #tpu.memory_space<semaphore_mem>>)
    %scan3A_70 = arith.constant 0 : i32
    %scan3A_71 = arith.constant 0 : i32
    %scan3A_72 = arith.constant 9 : i32
    %scan3A_73 = arith.addi %scan3A_71, %scan3A_72 : i32
    %scan3A_74 = arith.constant 1 : i32
    scf.for %scan3A_145 = %scan3A_71 to %scan3A_73 step %scan3A_74  : i32 {
      %mul3A_146 = arith.constant 4 : i32
      %mul3A_147 = arith.muli %mul3A_146, %scan3A_145 : i32
      %add3A_148 = arith.constant 1 : i32
      %add3A_149 = arith.addi %mul3A_147, %add3A_148 : i32
      %dma_wait3A_150 = arith.constant 0 : i32
      %dma_wait3A_151 = tpu.memref_slice %arg9[%mul3A_147, %dma_wait3A_150] : memref<40x128xi32, #tpu.memory_space<vmem>> -> memref<1x128xi32, #tpu.memory_space<vmem>>
      %dma_wait3A_152 = tpu.memref_squeeze %dma_wait3A_151 : memref<1x128xi32, #tpu.memory_space<vmem>> -> memref<128xi32, #tpu.memory_space<vmem>>
      %dma_wait3A_153 = arith.constant 0 : i32
      %dma_wait3A_154 = arith.constant 0 : i32
      %dma_wait3A_155 = tpu.memref_slice %arg2[%dma_wait3A_153, %dma_wait3A_154] : memref<10000x128xf32, #tpu.memory_space<hbm>> -> memref<10000x128xf32, #tpu.memory_space<hbm>>
      tpu.wait_indirect_dma semaphore(%arg13 : memref<!tpu.dma_semaphore, #tpu.memory_space<semaphore_mem>>) src(%dma_wait3A_155 : memref<10000x128xf32, #tpu.memory_space<hbm>>) dst(%arg11 : memref<128x128xf32, #tpu.memory_space<vmem>>)
      %dma_start3A_156 = arith.constant 0 : i32
      %dma_start3A_157 = tpu.memref_slice %arg10[%mul3A_147, %dma_start3A_156] : memref<40x128xi32, #tpu.memory_space<vmem>> -> memref<1x128xi32, #tpu.memory_space<vmem>>
      %dma_start3A_158 = tpu.memref_squeeze %dma_start3A_157 : memref<1x128xi32, #tpu.memory_space<vmem>> -> memref<128xi32, #tpu.memory_space<vmem>>
      %dma_start3A_159 = arith.constant 0 : i32
      %dma_start3A_160 = arith.constant 0 : i32
      %dma_start3A_161 = tpu.memref_slice %arg17[%dma_start3A_159, %dma_start3A_160] : memref<10008x128xf32, #tpu.memory_space<vmem_shared>> -> memref<10008x128xf32, #tpu.memory_space<vmem_shared>>
      tpu.enqueue_indirect_dma source(%arg11 : memref<128x128xf32, #tpu.memory_space<vmem>>) target(%dma_start3A_161 : memref<10008x128xf32, #tpu.memory_space<vmem_shared>>) offsets(%dma_start3A_158 : memref<128xi32, #tpu.memory_space<vmem>>) semaphore(%arg15 : memref<!tpu.dma_semaphore, #tpu.memory_space<semaphore_mem>>) {add = true}
      %dma_wait3A_162 = arith.constant 0 : i32
      %dma_wait3A_163 = tpu.memref_slice %arg9[%add3A_149, %dma_wait3A_162] : memref<40x128xi32, #tpu.memory_space<vmem>> -> memref<1x128xi32, #tpu.memory_space<vmem>>
      %dma_wait3A_164 = tpu.memref_squeeze %dma_wait3A_163 : memref<1x128xi32, #tpu.memory_space<vmem>> -> memref<128xi32, #tpu.memory_space<vmem>>
      %dma_wait3A_165 = arith.constant 0 : i32
      %dma_wait3A_166 = arith.constant 0 : i32
      %dma_wait3A_167 = tpu.memref_slice %arg2[%dma_wait3A_165, %dma_wait3A_166] : memref<10000x128xf32, #tpu.memory_space<hbm>> -> memref<10000x128xf32, #tpu.memory_space<hbm>>
      tpu.wait_indirect_dma semaphore(%arg14 : memref<!tpu.dma_semaphore, #tpu.memory_space<semaphore_mem>>) src(%dma_wait3A_167 : memref<10000x128xf32, #tpu.memory_space<hbm>>) dst(%arg12 : memref<128x128xf32, #tpu.memory_space<vmem>>)
      %dma_start3A_168 = arith.constant 0 : i32
      %dma_start3A_169 = tpu.memref_slice %arg10[%add3A_149, %dma_start3A_168] : memref<40x128xi32, #tpu.memory_space<vmem>> -> memref<1x128xi32, #tpu.memory_space<vmem>>
      %dma_start3A_170 = tpu.memref_squeeze %dma_start3A_169 : memref<1x128xi32, #tpu.memory_space<vmem>> -> memref<128xi32, #tpu.memory_space<vmem>>
      %dma_start3A_171 = arith.constant 0 : i32
      %dma_start3A_172 = arith.constant 0 : i32
      %dma_start3A_173 = tpu.memref_slice %arg17[%dma_start3A_171, %dma_start3A_172] : memref<10008x128xf32, #tpu.memory_space<vmem_shared>> -> memref<10008x128xf32, #tpu.memory_space<vmem_shared>>
      tpu.enqueue_indirect_dma source(%arg12 : memref<128x128xf32, #tpu.memory_space<vmem>>) target(%dma_start3A_173 : memref<10008x128xf32, #tpu.memory_space<vmem_shared>>) offsets(%dma_start3A_170 : memref<128xi32, #tpu.memory_space<vmem>>) semaphore(%arg16 : memref<!tpu.dma_semaphore, #tpu.memory_space<semaphore_mem>>) {add = true}
      %dma_wait3A_174 = arith.constant 0 : i32
      %dma_wait3A_175 = tpu.memref_slice %arg10[%mul3A_147, %dma_wait3A_174] : memref<40x128xi32, #tpu.memory_space<vmem>> -> memref<1x128xi32, #tpu.memory_space<vmem>>
      %dma_wait3A_176 = tpu.memref_squeeze %dma_wait3A_175 : memref<1x128xi32, #tpu.memory_space<vmem>> -> memref<128xi32, #tpu.memory_space<vmem>>
      %dma_wait3A_177 = arith.constant 0 : i32
      %dma_wait3A_178 = arith.constant 0 : i32
      %dma_wait3A_179 = tpu.memref_slice %arg17[%dma_wait3A_177, %dma_wait3A_178] : memref<10008x128xf32, #tpu.memory_space<vmem_shared>> -> memref<10008x128xf32, #tpu.memory_space<vmem_shared>>
      tpu.wait_indirect_dma semaphore(%arg15 : memref<!tpu.dma_semaphore, #tpu.memory_space<semaphore_mem>>) src(%arg11 : memref<128x128xf32, #tpu.memory_space<vmem>>) dst(%dma_wait3A_179 : memref<10008x128xf32, #tpu.memory_space<vmem_shared>>)
      %add3A_180 = arith.constant 2 : i32
      %add3A_181 = arith.addi %mul3A_147, %add3A_180 : i32
      %lt3A = arith.constant 39 : i32
      %lt3A_182 = arith.cmpi slt, %add3A_181, %lt3A : i32
      %convert_element_type3A_183 = arith.extui %lt3A_182 : i1 to i32
      %cond3A_184 = arith.constant 0 : i32
      %cond3A_185 = arith.cmpi ne, %convert_element_type3A_183, %cond3A_184 : i32
      scf.if %cond3A_185 {
        %add3A_255 = arith.constant 2 : i32
        %add3A_256 = arith.addi %mul3A_147, %add3A_255 : i32
        %dma_start3A_257 = arith.constant 0 : i32
        %dma_start3A_258 = tpu.memref_slice %arg9[%add3A_256, %dma_start3A_257] : memref<40x128xi32, #tpu.memory_space<vmem>> -> memref<1x128xi32, #tpu.memory_space<vmem>>
        %dma_start3A_259 = tpu.memref_squeeze %dma_start3A_258 : memref<1x128xi32, #tpu.memory_space<vmem>> -> memref<128xi32, #tpu.memory_space<vmem>>
        %dma_start3A_260 = arith.constant 0 : i32
        %dma_start3A_261 = arith.constant 0 : i32
        %dma_start3A_262 = tpu.memref_slice %arg2[%dma_start3A_260, %dma_start3A_261] : memref<10000x128xf32, #tpu.memory_space<hbm>> -> memref<10000x128xf32, #tpu.memory_space<hbm>>
        tpu.enqueue_indirect_dma source(%dma_start3A_262 : memref<10000x128xf32, #tpu.memory_space<hbm>>) target(%arg11 : memref<128x128xf32, #tpu.memory_space<vmem>>) offsets(%dma_start3A_259 : memref<128xi32, #tpu.memory_space<vmem>>) semaphore(%arg13 : memref<!tpu.dma_semaphore, #tpu.memory_space<semaphore_mem>>)
      } else {
      }
      %dma_wait3A_186 = arith.constant 0 : i32
      %dma_wait3A_187 = tpu.memref_slice %arg10[%add3A_149, %dma_wait3A_186] : memref<40x128xi32, #tpu.memory_space<vmem>> -> memref<1x128xi32, #tpu.memory_space<vmem>>
      %dma_wait3A_188 = tpu.memref_squeeze %dma_wait3A_187 : memref<1x128xi32, #tpu.memory_space<vmem>> -> memref<128xi32, #tpu.memory_space<vmem>>
      %dma_wait3A_189 = arith.constant 0 : i32
      %dma_wait3A_190 = arith.constant 0 : i32
      %dma_wait3A_191 = tpu.memref_slice %arg17[%dma_wait3A_189, %dma_wait3A_190] : memref<10008x128xf32, #tpu.memory_space<vmem_shared>> -> memref<10008x128xf32, #tpu.memory_space<vmem_shared>>
      tpu.wait_indirect_dma semaphore(%arg16 : memref<!tpu.dma_semaphore, #tpu.memory_space<semaphore_mem>>) src(%arg12 : memref<128x128xf32, #tpu.memory_space<vmem>>) dst(%dma_wait3A_191 : memref<10008x128xf32, #tpu.memory_space<vmem_shared>>)
      %add3A_192 = arith.constant 2 : i32
      %add3A_193 = arith.addi %add3A_149, %add3A_192 : i32
      %lt3A_194 = arith.constant 39 : i32
      %lt3A_195 = arith.cmpi slt, %add3A_193, %lt3A_194 : i32
      %convert_element_type3A_196 = arith.extui %lt3A_195 : i1 to i32
      %cond3A_197 = arith.constant 0 : i32
      %cond3A_198 = arith.cmpi ne, %convert_element_type3A_196, %cond3A_197 : i32
      scf.if %cond3A_198 {
        %add3A_255 = arith.constant 2 : i32
        %add3A_256 = arith.addi %add3A_149, %add3A_255 : i32
        %dma_start3A_257 = arith.constant 0 : i32
        %dma_start3A_258 = tpu.memref_slice %arg9[%add3A_256, %dma_start3A_257] : memref<40x128xi32, #tpu.memory_space<vmem>> -> memref<1x128xi32, #tpu.memory_space<vmem>>
        %dma_start3A_259 = tpu.memref_squeeze %dma_start3A_258 : memref<1x128xi32, #tpu.memory_space<vmem>> -> memref<128xi32, #tpu.memory_space<vmem>>
        %dma_start3A_260 = arith.constant 0 : i32
        %dma_start3A_261 = arith.constant 0 : i32
        %dma_start3A_262 = tpu.memref_slice %arg2[%dma_start3A_260, %dma_start3A_261] : memref<10000x128xf32, #tpu.memory_space<hbm>> -> memref<10000x128xf32, #tpu.memory_space<hbm>>
        tpu.enqueue_indirect_dma source(%dma_start3A_262 : memref<10000x128xf32, #tpu.memory_space<hbm>>) target(%arg12 : memref<128x128xf32, #tpu.memory_space<vmem>>) offsets(%dma_start3A_259 : memref<128xi32, #tpu.memory_space<vmem>>) semaphore(%arg14 : memref<!tpu.dma_semaphore, #tpu.memory_space<semaphore_mem>>)
      } else {
      }
      %mul3A_199 = arith.constant 4 : i32
      %mul3A_200 = arith.muli %mul3A_199, %scan3A_145 : i32
      %add3A_201 = arith.constant 2 : i32
      %add3A_202 = arith.addi %mul3A_200, %add3A_201 : i32
      %add3A_203 = arith.constant 1 : i32
      %add3A_204 = arith.addi %add3A_202, %add3A_203 : i32
      %dma_wait3A_205 = arith.constant 0 : i32
      %dma_wait3A_206 = tpu.memref_slice %arg9[%add3A_202, %dma_wait3A_205] : memref<40x128xi32, #tpu.memory_space<vmem>> -> memref<1x128xi32, #tpu.memory_space<vmem>>
      %dma_wait3A_207 = tpu.memref_squeeze %dma_wait3A_206 : memref<1x128xi32, #tpu.memory_space<vmem>> -> memref<128xi32, #tpu.memory_space<vmem>>
      %dma_wait3A_208 = arith.constant 0 : i32
      %dma_wait3A_209 = arith.constant 0 : i32
      %dma_wait3A_210 = tpu.memref_slice %arg2[%dma_wait3A_208, %dma_wait3A_209] : memref<10000x128xf32, #tpu.memory_space<hbm>> -> memref<10000x128xf32, #tpu.memory_space<hbm>>
      tpu.wait_indirect_dma semaphore(%arg13 : memref<!tpu.dma_semaphore, #tpu.memory_space<semaphore_mem>>) src(%dma_wait3A_210 : memref<10000x128xf32, #tpu.memory_space<hbm>>) dst(%arg11 : memref<128x128xf32, #tpu.memory_space<vmem>>)
      %dma_start3A_211 = arith.constant 0 : i32
      %dma_start3A_212 = tpu.memref_slice %arg10[%add3A_202, %dma_start3A_211] : memref<40x128xi32, #tpu.memory_space<vmem>> -> memref<1x128xi32, #tpu.memory_space<vmem>>
      %dma_start3A_213 = tpu.memref_squeeze %dma_start3A_212 : memref<1x128xi32, #tpu.memory_space<vmem>> -> memref<128xi32, #tpu.memory_space<vmem>>
      %dma_start3A_214 = arith.constant 0 : i32
      %dma_start3A_215 = arith.constant 0 : i32
      %dma_start3A_216 = tpu.memref_slice %arg17[%dma_start3A_214, %dma_start3A_215] : memref<10008x128xf32, #tpu.memory_space<vmem_shared>> -> memref<10008x128xf32, #tpu.memory_space<vmem_shared>>
      tpu.enqueue_indirect_dma source(%arg11 : memref<128x128xf32, #tpu.memory_space<vmem>>) target(%dma_start3A_216 : memref<10008x128xf32, #tpu.memory_space<vmem_shared>>) offsets(%dma_start3A_213 : memref<128xi32, #tpu.memory_space<vmem>>) semaphore(%arg15 : memref<!tpu.dma_semaphore, #tpu.memory_space<semaphore_mem>>) {add = true}
      %dma_wait3A_217 = arith.constant 0 : i32
      %dma_wait3A_218 = tpu.memref_slice %arg9[%add3A_204, %dma_wait3A_217] : memref<40x128xi32, #tpu.memory_space<vmem>> -> memref<1x128xi32, #tpu.memory_space<vmem>>
      %dma_wait3A_219 = tpu.memref_squeeze %dma_wait3A_218 : memref<1x128xi32, #tpu.memory_space<vmem>> -> memref<128xi32, #tpu.memory_space<vmem>>
      %dma_wait3A_220 = arith.constant 0 : i32
      %dma_wait3A_221 = arith.constant 0 : i32
      %dma_wait3A_222 = tpu.memref_slice %arg2[%dma_wait3A_220, %dma_wait3A_221] : memref<10000x128xf32, #tpu.memory_space<hbm>> -> memref<10000x128xf32, #tpu.memory_space<hbm>>
      tpu.wait_indirect_dma semaphore(%arg14 : memref<!tpu.dma_semaphore, #tpu.memory_space<semaphore_mem>>) src(%dma_wait3A_222 : memref<10000x128xf32, #tpu.memory_space<hbm>>) dst(%arg12 : memref<128x128xf32, #tpu.memory_space<vmem>>)
      %dma_start3A_223 = arith.constant 0 : i32
      %dma_start3A_224 = tpu.memref_slice %arg10[%add3A_204, %dma_start3A_223] : memref<40x128xi32, #tpu.memory_space<vmem>> -> memref<1x128xi32, #tpu.memory_space<vmem>>
      %dma_start3A_225 = tpu.memref_squeeze %dma_start3A_224 : memref<1x128xi32, #tpu.memory_space<vmem>> -> memref<128xi32, #tpu.memory_space<vmem>>
      %dma_start3A_226 = arith.constant 0 : i32
      %dma_start3A_227 = arith.constant 0 : i32
      %dma_start3A_228 = tpu.memref_slice %arg17[%dma_start3A_226, %dma_start3A_227] : memref<10008x128xf32, #tpu.memory_space<vmem_shared>> -> memref<10008x128xf32, #tpu.memory_space<vmem_shared>>
      tpu.enqueue_indirect_dma source(%arg12 : memref<128x128xf32, #tpu.memory_space<vmem>>) target(%dma_start3A_228 : memref<10008x128xf32, #tpu.memory_space<vmem_shared>>) offsets(%dma_start3A_225 : memref<128xi32, #tpu.memory_space<vmem>>) semaphore(%arg16 : memref<!tpu.dma_semaphore, #tpu.memory_space<semaphore_mem>>) {add = true}
      %dma_wait3A_229 = arith.constant 0 : i32
      %dma_wait3A_230 = tpu.memref_slice %arg10[%add3A_202, %dma_wait3A_229] : memref<40x128xi32, #tpu.memory_space<vmem>> -> memref<1x128xi32, #tpu.memory_space<vmem>>
      %dma_wait3A_231 = tpu.memref_squeeze %dma_wait3A_230 : memref<1x128xi32, #tpu.memory_space<vmem>> -> memref<128xi32, #tpu.memory_space<vmem>>
      %dma_wait3A_232 = arith.constant 0 : i32
      %dma_wait3A_233 = arith.constant 0 : i32
      %dma_wait3A_234 = tpu.memref_slice %arg17[%dma_wait3A_232, %dma_wait3A_233] : memref<10008x128xf32, #tpu.memory_space<vmem_shared>> -> memref<10008x128xf32, #tpu.memory_space<vmem_shared>>
      tpu.wait_indirect_dma semaphore(%arg15 : memref<!tpu.dma_semaphore, #tpu.memory_space<semaphore_mem>>) src(%arg11 : memref<128x128xf32, #tpu.memory_space<vmem>>) dst(%dma_wait3A_234 : memref<10008x128xf32, #tpu.memory_space<vmem_shared>>)
      %add3A_235 = arith.constant 2 : i32
      %add3A_236 = arith.addi %add3A_202, %add3A_235 : i32
      %lt3A_237 = arith.constant 39 : i32
      %lt3A_238 = arith.cmpi slt, %add3A_236, %lt3A_237 : i32
      %convert_element_type3A_239 = arith.extui %lt3A_238 : i1 to i32
      %cond3A_240 = arith.constant 0 : i32
      %cond3A_241 = arith.cmpi ne, %convert_element_type3A_239, %cond3A_240 : i32
      scf.if %cond3A_241 {
        %add3A_255 = arith.constant 2 : i32
        %add3A_256 = arith.addi %add3A_202, %add3A_255 : i32
        %dma_start3A_257 = arith.constant 0 : i32
        %dma_start3A_258 = tpu.memref_slice %arg9[%add3A_256, %dma_start3A_257] : memref<40x128xi32, #tpu.memory_space<vmem>> -> memref<1x128xi32, #tpu.memory_space<vmem>>
        %dma_start3A_259 = tpu.memref_squeeze %dma_start3A_258 : memref<1x128xi32, #tpu.memory_space<vmem>> -> memref<128xi32, #tpu.memory_space<vmem>>
        %dma_start3A_260 = arith.constant 0 : i32
        %dma_start3A_261 = arith.constant 0 : i32
        %dma_start3A_262 = tpu.memref_slice %arg2[%dma_start3A_260, %dma_start3A_261] : memref<10000x128xf32, #tpu.memory_space<hbm>> -> memref<10000x128xf32, #tpu.memory_space<hbm>>
        tpu.enqueue_indirect_dma source(%dma_start3A_262 : memref<10000x128xf32, #tpu.memory_space<hbm>>) target(%arg11 : memref<128x128xf32, #tpu.memory_space<vmem>>) offsets(%dma_start3A_259 : memref<128xi32, #tpu.memory_space<vmem>>) semaphore(%arg13 : memref<!tpu.dma_semaphore, #tpu.memory_space<semaphore_mem>>)
      } else {
      }
      %dma_wait3A_242 = arith.constant 0 : i32
      %dma_wait3A_243 = tpu.memref_slice %arg10[%add3A_204, %dma_wait3A_242] : memref<40x128xi32, #tpu.memory_space<vmem>> -> memref<1x128xi32, #tpu.memory_space<vmem>>
      %dma_wait3A_244 = tpu.memref_squeeze %dma_wait3A_243 : memref<1x128xi32, #tpu.memory_space<vmem>> -> memref<128xi32, #tpu.memory_space<vmem>>
      %dma_wait3A_245 = arith.constant 0 : i32
      %dma_wait3A_246 = arith.constant 0 : i32
      %dma_wait3A_247 = tpu.memref_slice %arg17[%dma_wait3A_245, %dma_wait3A_246] : memref<10008x128xf32, #tpu.memory_space<vmem_shared>> -> memref<10008x128xf32, #tpu.memory_space<vmem_shared>>
      tpu.wait_indirect_dma semaphore(%arg16 : memref<!tpu.dma_semaphore, #tpu.memory_space<semaphore_mem>>) src(%arg12 : memref<128x128xf32, #tpu.memory_space<vmem>>) dst(%dma_wait3A_247 : memref<10008x128xf32, #tpu.memory_space<vmem_shared>>)
      %add3A_248 = arith.constant 2 : i32
      %add3A_249 = arith.addi %add3A_204, %add3A_248 : i32
      %lt3A_250 = arith.constant 39 : i32
      %lt3A_251 = arith.cmpi slt, %add3A_249, %lt3A_250 : i32
      %convert_element_type3A_252 = arith.extui %lt3A_251 : i1 to i32
      %cond3A_253 = arith.constant 0 : i32
      %cond3A_254 = arith.cmpi ne, %convert_element_type3A_252, %cond3A_253 : i32
      scf.if %cond3A_254 {
        %add3A_255 = arith.constant 2 : i32
        %add3A_256 = arith.addi %add3A_204, %add3A_255 : i32
        %dma_start3A_257 = arith.constant 0 : i32
        %dma_start3A_258 = tpu.memref_slice %arg9[%add3A_256, %dma_start3A_257] : memref<40x128xi32, #tpu.memory_space<vmem>> -> memref<1x128xi32, #tpu.memory_space<vmem>>
        %dma_start3A_259 = tpu.memref_squeeze %dma_start3A_258 : memref<1x128xi32, #tpu.memory_space<vmem>> -> memref<128xi32, #tpu.memory_space<vmem>>
        %dma_start3A_260 = arith.constant 0 : i32
        %dma_start3A_261 = arith.constant 0 : i32
        %dma_start3A_262 = tpu.memref_slice %arg2[%dma_start3A_260, %dma_start3A_261] : memref<10000x128xf32, #tpu.memory_space<hbm>> -> memref<10000x128xf32, #tpu.memory_space<hbm>>
        tpu.enqueue_indirect_dma source(%dma_start3A_262 : memref<10000x128xf32, #tpu.memory_space<hbm>>) target(%arg12 : memref<128x128xf32, #tpu.memory_space<vmem>>) offsets(%dma_start3A_259 : memref<128xi32, #tpu.memory_space<vmem>>) semaphore(%arg14 : memref<!tpu.dma_semaphore, #tpu.memory_space<semaphore_mem>>)
      } else {
      }
    }
    %scan3A_75 = arith.constant 9 : i32
    %dma_wait3A_76 = arith.constant 36 : i32
    %dma_wait3A_77 = arith.constant 0 : i32
    %dma_wait3A_78 = tpu.memref_slice %arg9[%dma_wait3A_76, %dma_wait3A_77] : memref<40x128xi32, #tpu.memory_space<vmem>> -> memref<1x128xi32, #tpu.memory_space<vmem>>
    %dma_wait3A_79 = tpu.memref_squeeze %dma_wait3A_78 : memref<1x128xi32, #tpu.memory_space<vmem>> -> memref<128xi32, #tpu.memory_space<vmem>>
    %dma_wait3A_80 = arith.constant 0 : i32
    %dma_wait3A_81 = arith.constant 0 : i32
    %dma_wait3A_82 = tpu.memref_slice %arg2[%dma_wait3A_80, %dma_wait3A_81] : memref<10000x128xf32, #tpu.memory_space<hbm>> -> memref<10000x128xf32, #tpu.memory_space<hbm>>
    tpu.wait_indirect_dma semaphore(%arg13 : memref<!tpu.dma_semaphore, #tpu.memory_space<semaphore_mem>>) src(%dma_wait3A_82 : memref<10000x128xf32, #tpu.memory_space<hbm>>) dst(%arg11 : memref<128x128xf32, #tpu.memory_space<vmem>>)
    %dma_start3A_83 = arith.constant 36 : i32
    %dma_start3A_84 = arith.constant 0 : i32
    %dma_start3A_85 = tpu.memref_slice %arg10[%dma_start3A_83, %dma_start3A_84] : memref<40x128xi32, #tpu.memory_space<vmem>> -> memref<1x128xi32, #tpu.memory_space<vmem>>
    %dma_start3A_86 = tpu.memref_squeeze %dma_start3A_85 : memref<1x128xi32, #tpu.memory_space<vmem>> -> memref<128xi32, #tpu.memory_space<vmem>>
    %dma_start3A_87 = arith.constant 0 : i32
    %dma_start3A_88 = arith.constant 0 : i32
    %dma_start3A_89 = tpu.memref_slice %arg17[%dma_start3A_87, %dma_start3A_88] : memref<10008x128xf32, #tpu.memory_space<vmem_shared>> -> memref<10008x128xf32, #tpu.memory_space<vmem_shared>>
    tpu.enqueue_indirect_dma source(%arg11 : memref<128x128xf32, #tpu.memory_space<vmem>>) target(%dma_start3A_89 : memref<10008x128xf32, #tpu.memory_space<vmem_shared>>) offsets(%dma_start3A_86 : memref<128xi32, #tpu.memory_space<vmem>>) semaphore(%arg15 : memref<!tpu.dma_semaphore, #tpu.memory_space<semaphore_mem>>) {add = true}
    %dma_wait3A_90 = arith.constant 37 : i32
    %dma_wait3A_91 = arith.constant 0 : i32
    %dma_wait3A_92 = tpu.memref_slice %arg9[%dma_wait3A_90, %dma_wait3A_91] : memref<40x128xi32, #tpu.memory_space<vmem>> -> memref<1x128xi32, #tpu.memory_space<vmem>>
    %dma_wait3A_93 = tpu.memref_squeeze %dma_wait3A_92 : memref<1x128xi32, #tpu.memory_space<vmem>> -> memref<128xi32, #tpu.memory_space<vmem>>
    %dma_wait3A_94 = arith.constant 0 : i32
    %dma_wait3A_95 = arith.constant 0 : i32
    %dma_wait3A_96 = tpu.memref_slice %arg2[%dma_wait3A_94, %dma_wait3A_95] : memref<10000x128xf32, #tpu.memory_space<hbm>> -> memref<10000x128xf32, #tpu.memory_space<hbm>>
    tpu.wait_indirect_dma semaphore(%arg14 : memref<!tpu.dma_semaphore, #tpu.memory_space<semaphore_mem>>) src(%dma_wait3A_96 : memref<10000x128xf32, #tpu.memory_space<hbm>>) dst(%arg12 : memref<128x128xf32, #tpu.memory_space<vmem>>)
    %dma_start3A_97 = arith.constant 37 : i32
    %dma_start3A_98 = arith.constant 0 : i32
    %dma_start3A_99 = tpu.memref_slice %arg10[%dma_start3A_97, %dma_start3A_98] : memref<40x128xi32, #tpu.memory_space<vmem>> -> memref<1x128xi32, #tpu.memory_space<vmem>>
    %dma_start3A_100 = tpu.memref_squeeze %dma_start3A_99 : memref<1x128xi32, #tpu.memory_space<vmem>> -> memref<128xi32, #tpu.memory_space<vmem>>
    %dma_start3A_101 = arith.constant 0 : i32
    %dma_start3A_102 = arith.constant 0 : i32
    %dma_start3A_103 = tpu.memref_slice %arg17[%dma_start3A_101, %dma_start3A_102] : memref<10008x128xf32, #tpu.memory_space<vmem_shared>> -> memref<10008x128xf32, #tpu.memory_space<vmem_shared>>
    tpu.enqueue_indirect_dma source(%arg12 : memref<128x128xf32, #tpu.memory_space<vmem>>) target(%dma_start3A_103 : memref<10008x128xf32, #tpu.memory_space<vmem_shared>>) offsets(%dma_start3A_100 : memref<128xi32, #tpu.memory_space<vmem>>) semaphore(%arg16 : memref<!tpu.dma_semaphore, #tpu.memory_space<semaphore_mem>>) {add = true}
    %dma_wait3A_104 = arith.constant 36 : i32
    %dma_wait3A_105 = arith.constant 0 : i32
    %dma_wait3A_106 = tpu.memref_slice %arg10[%dma_wait3A_104, %dma_wait3A_105] : memref<40x128xi32, #tpu.memory_space<vmem>> -> memref<1x128xi32, #tpu.memory_space<vmem>>
    %dma_wait3A_107 = tpu.memref_squeeze %dma_wait3A_106 : memref<1x128xi32, #tpu.memory_space<vmem>> -> memref<128xi32, #tpu.memory_space<vmem>>
    %dma_wait3A_108 = arith.constant 0 : i32
    %dma_wait3A_109 = arith.constant 0 : i32
    %dma_wait3A_110 = tpu.memref_slice %arg17[%dma_wait3A_108, %dma_wait3A_109] : memref<10008x128xf32, #tpu.memory_space<vmem_shared>> -> memref<10008x128xf32, #tpu.memory_space<vmem_shared>>
    tpu.wait_indirect_dma semaphore(%arg15 : memref<!tpu.dma_semaphore, #tpu.memory_space<semaphore_mem>>) src(%arg11 : memref<128x128xf32, #tpu.memory_space<vmem>>) dst(%dma_wait3A_110 : memref<10008x128xf32, #tpu.memory_space<vmem_shared>>)
    %dma_start3A_111 = arith.constant 38 : i32
    %dma_start3A_112 = arith.constant 0 : i32
    %dma_start3A_113 = tpu.memref_slice %arg9[%dma_start3A_111, %dma_start3A_112] : memref<40x128xi32, #tpu.memory_space<vmem>> -> memref<1x128xi32, #tpu.memory_space<vmem>>
    %dma_start3A_114 = tpu.memref_squeeze %dma_start3A_113 : memref<1x128xi32, #tpu.memory_space<vmem>> -> memref<128xi32, #tpu.memory_space<vmem>>
    %dma_start3A_115 = arith.constant 0 : i32
    %dma_start3A_116 = arith.constant 0 : i32
    %dma_start3A_117 = tpu.memref_slice %arg2[%dma_start3A_115, %dma_start3A_116] : memref<10000x128xf32, #tpu.memory_space<hbm>> -> memref<10000x128xf32, #tpu.memory_space<hbm>>
    tpu.enqueue_indirect_dma source(%dma_start3A_117 : memref<10000x128xf32, #tpu.memory_space<hbm>>) target(%arg11 : memref<128x128xf32, #tpu.memory_space<vmem>>) offsets(%dma_start3A_114 : memref<128xi32, #tpu.memory_space<vmem>>) semaphore(%arg13 : memref<!tpu.dma_semaphore, #tpu.memory_space<semaphore_mem>>)
    %dma_wait3A_118 = arith.constant 37 : i32
    %dma_wait3A_119 = arith.constant 0 : i32
    %dma_wait3A_120 = tpu.memref_slice %arg10[%dma_wait3A_118, %dma_wait3A_119] : memref<40x128xi32, #tpu.memory_space<vmem>> -> memref<1x128xi32, #tpu.memory_space<vmem>>
    %dma_wait3A_121 = tpu.memref_squeeze %dma_wait3A_120 : memref<1x128xi32, #tpu.memory_space<vmem>> -> memref<128xi32, #tpu.memory_space<vmem>>
    %dma_wait3A_122 = arith.constant 0 : i32
    %dma_wait3A_123 = arith.constant 0 : i32
    %dma_wait3A_124 = tpu.memref_slice %arg17[%dma_wait3A_122, %dma_wait3A_123] : memref<10008x128xf32, #tpu.memory_space<vmem_shared>> -> memref<10008x128xf32, #tpu.memory_space<vmem_shared>>
    tpu.wait_indirect_dma semaphore(%arg16 : memref<!tpu.dma_semaphore, #tpu.memory_space<semaphore_mem>>) src(%arg12 : memref<128x128xf32, #tpu.memory_space<vmem>>) dst(%dma_wait3A_124 : memref<10008x128xf32, #tpu.memory_space<vmem_shared>>)
    %dma_wait3A_125 = arith.constant 38 : i32
    %dma_wait3A_126 = arith.constant 0 : i32
    %dma_wait3A_127 = tpu.memref_slice %arg9[%dma_wait3A_125, %dma_wait3A_126] : memref<40x128xi32, #tpu.memory_space<vmem>> -> memref<1x128xi32, #tpu.memory_space<vmem>>
    %dma_wait3A_128 = tpu.memref_squeeze %dma_wait3A_127 : memref<1x128xi32, #tpu.memory_space<vmem>> -> memref<128xi32, #tpu.memory_space<vmem>>
    %dma_wait3A_129 = arith.constant 0 : i32
    %dma_wait3A_130 = arith.constant 0 : i32
    %dma_wait3A_131 = tpu.memref_slice %arg2[%dma_wait3A_129, %dma_wait3A_130] : memref<10000x128xf32, #tpu.memory_space<hbm>> -> memref<10000x128xf32, #tpu.memory_space<hbm>>
    tpu.wait_indirect_dma semaphore(%arg13 : memref<!tpu.dma_semaphore, #tpu.memory_space<semaphore_mem>>) src(%dma_wait3A_131 : memref<10000x128xf32, #tpu.memory_space<hbm>>) dst(%arg11 : memref<128x128xf32, #tpu.memory_space<vmem>>)
    %run_scoped3A = arith.constant 38 : i32
    "tpu.region"() ({
      %run_scoped3A_145 = tpu.sem_alloc : memref<!tpu.dma_semaphore, #tpu.memory_space<semaphore_mem>>
      %dma_start3A_146 = arith.constant 0 : i32
      %dma_start3A_147 = tpu.memref_slice %arg10[%run_scoped3A, %dma_start3A_146] : memref<40x128xi32, #tpu.memory_space<vmem>> -> memref<1x128xi32, #tpu.memory_space<vmem>>
      %dma_start3A_148 = tpu.memref_squeeze %dma_start3A_147 : memref<1x128xi32, #tpu.memory_space<vmem>> -> memref<128xi32, #tpu.memory_space<vmem>>
      %dma_start3A_149 = arith.constant 0 : i32
      %dma_start3A_150 = arith.constant 0 : i32
      %dma_start3A_151 = tpu.memref_slice %arg17[%dma_start3A_149, %dma_start3A_150] : memref<10008x128xf32, #tpu.memory_space<vmem_shared>> -> memref<10008x128xf32, #tpu.memory_space<vmem_shared>>
      tpu.enqueue_indirect_dma source(%arg11 : memref<128x128xf32, #tpu.memory_space<vmem>>) target(%dma_start3A_151 : memref<10008x128xf32, #tpu.memory_space<vmem_shared>>) offsets(%dma_start3A_148 : memref<128xi32, #tpu.memory_space<vmem>>) semaphore(%run_scoped3A_145 : memref<!tpu.dma_semaphore, #tpu.memory_space<semaphore_mem>>) {add = true}
      %dma_wait3A_152 = arith.constant 0 : i32
      %dma_wait3A_153 = tpu.memref_slice %arg10[%run_scoped3A, %dma_wait3A_152] : memref<40x128xi32, #tpu.memory_space<vmem>> -> memref<1x128xi32, #tpu.memory_space<vmem>>
      %dma_wait3A_154 = tpu.memref_squeeze %dma_wait3A_153 : memref<1x128xi32, #tpu.memory_space<vmem>> -> memref<128xi32, #tpu.memory_space<vmem>>
      %dma_wait3A_155 = arith.constant 0 : i32
      %dma_wait3A_156 = arith.constant 0 : i32
      %dma_wait3A_157 = tpu.memref_slice %arg17[%dma_wait3A_155, %dma_wait3A_156] : memref<10008x128xf32, #tpu.memory_space<vmem_shared>> -> memref<10008x128xf32, #tpu.memory_space<vmem_shared>>
      tpu.wait_indirect_dma semaphore(%run_scoped3A_145 : memref<!tpu.dma_semaphore, #tpu.memory_space<semaphore_mem>>) src(%arg11 : memref<128x128xf32, #tpu.memory_space<vmem>>) dst(%dma_wait3A_157 : memref<10008x128xf32, #tpu.memory_space<vmem_shared>>)
      tpu.yield
    }) : () -> ()
    %barrier3A_132 = arith.constant 0 : index
    tpu.barrier barrier_id(%barrier3A_132)
    %mul3A_133 = arith.constant 624 : i32
    %mul3A_134 = arith.muli %arg1, %mul3A_133 : i32
    %mul3A_135 = arith.constant 10000 : i32
    %mul3A_136 = arith.muli %arg0, %mul3A_135 : i32
    %mul3A_137 = arith.constant 624 : i32
    %mul3A_138 = arith.muli %arg1, %mul3A_137 : i32
    %add3A_139 = arith.addi %mul3A_136, %mul3A_138 : i32
    "tpu.region"() ({
      %run_scoped3A_145 = tpu.sem_alloc : memref<!tpu.dma_semaphore, #tpu.memory_space<semaphore_mem>>
      %dma_start3A_146 = arith.constant 0 : i32
      %dma_start3A_147 = tpu.memref_slice %arg8[%add3A_139, %dma_start3A_146] : memref<20000x128xf32, #tpu.memory_space<hbm>> -> memref<624x128xf32, #tpu.memory_space<hbm>>
      %dma_start3A_148 = arith.constant 0 : i32
      %dma_start3A_149 = tpu.memref_slice %arg17[%mul3A_134, %dma_start3A_148] : memref<10008x128xf32, #tpu.memory_space<vmem_shared>> -> memref<624x128xf32, #tpu.memory_space<vmem_shared>>
      tpu.enqueue_dma source(%dma_start3A_149 : memref<624x128xf32, #tpu.memory_space<vmem_shared>>) target(%dma_start3A_147 : memref<624x128xf32, #tpu.memory_space<hbm>>) target_semaphore(%run_scoped3A_145 : memref<!tpu.dma_semaphore, #tpu.memory_space<semaphore_mem>>)
      %dma_wait3A_150 = arith.constant 0 : i32
      %dma_wait3A_151 = tpu.memref_slice %arg8[%add3A_139, %dma_wait3A_150] : memref<20000x128xf32, #tpu.memory_space<hbm>> -> memref<624x128xf32, #tpu.memory_space<hbm>>
      %dma_wait3A_152 = arith.constant 0 : i32
      %dma_wait3A_153 = tpu.memref_slice %arg17[%mul3A_134, %dma_wait3A_152] : memref<10008x128xf32, #tpu.memory_space<vmem_shared>> -> memref<624x128xf32, #tpu.memory_space<vmem_shared>>
      tpu.wait_dma2 semaphore(%run_scoped3A_145 : memref<!tpu.dma_semaphore, #tpu.memory_space<semaphore_mem>>) src(%dma_wait3A_153 : memref<624x128xf32, #tpu.memory_space<vmem_shared>>) dst(%dma_wait3A_151 : memref<624x128xf32, #tpu.memory_space<hbm>>)
      tpu.yield
    }) : () -> ()
    %eq3A_140 = arith.constant 0 : i32
    %eq3A_141 = arith.cmpi eq, %arg1, %eq3A_140 : i32
    %convert_element_type3A_142 = arith.extui %eq3A_141 : i1 to i32
    %cond3A_143 = arith.constant 0 : i32
    %cond3A_144 = arith.cmpi ne, %convert_element_type3A_142, %cond3A_143 : i32
    scf.if %cond3A_144 {
      %mul3A_145 = arith.constant 10000 : i32
      %mul3A_146 = arith.muli %arg0, %mul3A_145 : i32
      %add3A_147 = arith.constant 9984 : i32
      %add3A_148 = arith.addi %mul3A_146, %add3A_147 : i32
      "tpu.region"() ({
        %run_scoped3A_149 = tpu.sem_alloc : memref<!tpu.dma_semaphore, #tpu.memory_space<semaphore_mem>>
        %dma_start3A_150 = arith.constant 0 : i32
        %dma_start3A_151 = tpu.memref_slice %arg8[%add3A_148, %dma_start3A_150] : memref<20000x128xf32, #tpu.memory_space<hbm>> -> memref<16x128xf32, #tpu.memory_space<hbm>>
        %dma_start3A_152 = arith.constant 9984 : i32
        %dma_start3A_153 = arith.constant 0 : i32
        %dma_start3A_154 = tpu.memref_slice %arg17[%dma_start3A_152, %dma_start3A_153] : memref<10008x128xf32, #tpu.memory_space<vmem_shared>> -> memref<16x128xf32, #tpu.memory_space<vmem_shared>>
        tpu.enqueue_dma source(%dma_start3A_154 : memref<16x128xf32, #tpu.memory_space<vmem_shared>>) target(%dma_start3A_151 : memref<16x128xf32, #tpu.memory_space<hbm>>) target_semaphore(%run_scoped3A_149 : memref<!tpu.dma_semaphore, #tpu.memory_space<semaphore_mem>>)
        %dma_wait3A_155 = arith.constant 0 : i32
        %dma_wait3A_156 = tpu.memref_slice %arg8[%add3A_148, %dma_wait3A_155] : memref<20000x128xf32, #tpu.memory_space<hbm>> -> memref<16x128xf32, #tpu.memory_space<hbm>>
        %dma_wait3A_157 = arith.constant 9984 : i32
        %dma_wait3A_158 = arith.constant 0 : i32
        %dma_wait3A_159 = tpu.memref_slice %arg17[%dma_wait3A_157, %dma_wait3A_158] : memref<10008x128xf32, #tpu.memory_space<vmem_shared>> -> memref<16x128xf32, #tpu.memory_space<vmem_shared>>
        tpu.wait_dma2 semaphore(%run_scoped3A_149 : memref<!tpu.dma_semaphore, #tpu.memory_space<semaphore_mem>>) src(%dma_wait3A_159 : memref<16x128xf32, #tpu.memory_space<vmem_shared>>) dst(%dma_wait3A_156 : memref<16x128xf32, #tpu.memory_space<hbm>>)
        tpu.yield
      }) : () -> ()
    } else {
    }
    return
  }
}

#map = affine_map<(d0, d1) -> (0, 0)>
#map1 = affine_map<(d0, d1) -> (0, 0, 0)>
module attributes {stable_mosaic.version = 14 : i64} {
  func.func @_agg_body(%arg0: i32, %arg1: i32, %arg2: memref<10000x128xf32, #tpu.memory_space<hbm>>, %arg3: memref<10000x128xf32, #tpu.memory_space<hbm>>, %arg4: memref<32x40x128xi32, #tpu.memory_space<hbm>>, %arg5: memref<32x40x128xi32, #tpu.memory_space<hbm>>, %arg6: memref<32x39x128xi32, #tpu.memory_space<hbm>>, %arg7: memref<32x39x128xi32, #tpu.memory_space<hbm>>, %arg8: memref<20000x128xf32, #tpu.memory_space<hbm>>, %arg9: memref<40x128xi32, #tpu.memory_space<vmem>>, %arg10: memref<40x128xi32, #tpu.memory_space<vmem>>, %arg11: memref<128x128xf32, #tpu.memory_space<vmem>>, %arg12: memref<128x128xf32, #tpu.memory_space<vmem>>, %arg13: memref<!tpu.dma_semaphore, #tpu.memory_space<semaphore_mem>>, %arg14: memref<!tpu.dma_semaphore, #tpu.memory_space<semaphore_mem>>, %arg15: memref<!tpu.dma_semaphore, #tpu.memory_space<semaphore_mem>>, %arg16: memref<!tpu.dma_semaphore, #tpu.memory_space<semaphore_mem>>, %arg17: memref<10008x128xf32, #tpu.memory_space<vmem_shared>>, %arg18: memref<!tpu.dma_semaphore, #tpu.memory_space<semaphore_mem>>) attributes {dimension_semantics = [#tpu.dimension_semantics<core_parallel>, #tpu.dimension_semantics<subcore_parallel>], iteration_bounds = array<i64: 2, 16>, scalar_prefetch = 0 : i64, scratch_operands = 10 : i64, tpu.core_type = #tpu.core_type<sc_vector_subcore>, window_params = [{transform_indices = #map}, {transform_indices = #map}, {transform_indices = #map1}, {transform_indices = #map1}, {transform_indices = #map1}, {transform_indices = #map1}, {transform_indices = #map}]} {
    %mul3A = arith.constant 16 : i32
    %mul3A_0 = arith.muli %arg0, %mul3A : i32
    %add3A = arith.addi %mul3A_0, %arg1 : i32
    %dma_start3A = arith.constant 0 : i32
    %dma_start3A_1 = arith.constant 0 : i32
    %dma_start3A_2 = tpu.memref_slice %arg4[%add3A, %dma_start3A, %dma_start3A_1] : memref<32x40x128xi32, #tpu.memory_space<hbm>> -> memref<1x40x128xi32, #tpu.memory_space<hbm>>
    %dma_start3A_3 = tpu.memref_squeeze %dma_start3A_2 : memref<1x40x128xi32, #tpu.memory_space<hbm>> -> memref<40x128xi32, #tpu.memory_space<hbm>>
    %dma_start3A_4 = arith.constant 0 : i32
    %dma_start3A_5 = arith.constant 0 : i32
    %dma_start3A_6 = tpu.memref_slice %arg4[%add3A, %dma_start3A_4, %dma_start3A_5] : memref<32x40x128xi32, #tpu.memory_space<hbm>> -> memref<1x40x128xi32, #tpu.memory_space<hbm>>
    %dma_start3A_7 = tpu.memref_squeeze %dma_start3A_6 : memref<1x40x128xi32, #tpu.memory_space<hbm>> -> memref<40x128xi32, #tpu.memory_space<hbm>>
    tpu.enqueue_dma source(%dma_start3A_7 : memref<40x128xi32, #tpu.memory_space<hbm>>) target(%arg9 : memref<40x128xi32, #tpu.memory_space<vmem>>) target_semaphore(%arg18 : memref<!tpu.dma_semaphore, #tpu.memory_space<semaphore_mem>>)
    %dma_start3A_8 = arith.constant 0 : i32
    %dma_start3A_9 = arith.constant 0 : i32
    %dma_start3A_10 = tpu.memref_slice %arg5[%add3A, %dma_start3A_8, %dma_start3A_9] : memref<32x40x128xi32, #tpu.memory_space<hbm>> -> memref<1x40x128xi32, #tpu.memory_space<hbm>>
    %dma_start3A_11 = tpu.memref_squeeze %dma_start3A_10 : memref<1x40x128xi32, #tpu.memory_space<hbm>> -> memref<40x128xi32, #tpu.memory_space<hbm>>
    %dma_start3A_12 = arith.constant 0 : i32
    %dma_start3A_13 = arith.constant 0 : i32
    %dma_start3A_14 = tpu.memref_slice %arg5[%add3A, %dma_start3A_12, %dma_start3A_13] : memref<32x40x128xi32, #tpu.memory_space<hbm>> -> memref<1x40x128xi32, #tpu.memory_space<hbm>>
    %dma_start3A_15 = tpu.memref_squeeze %dma_start3A_14 : memref<1x40x128xi32, #tpu.memory_space<hbm>> -> memref<40x128xi32, #tpu.memory_space<hbm>>
    tpu.enqueue_dma source(%dma_start3A_15 : memref<40x128xi32, #tpu.memory_space<hbm>>) target(%arg10 : memref<40x128xi32, #tpu.memory_space<vmem>>) target_semaphore(%arg13 : memref<!tpu.dma_semaphore, #tpu.memory_space<semaphore_mem>>)
    %mul3A_16 = arith.constant 624 : i32
    %mul3A_17 = arith.muli %arg1, %mul3A_16 : i32
    %mul3A_18 = arith.constant 624 : i32
    %mul3A_19 = arith.muli %arg1, %mul3A_18 : i32
    "tpu.region"() ({
      %run_scoped3A_145 = tpu.sem_alloc : memref<!tpu.dma_semaphore, #tpu.memory_space<semaphore_mem>>
      %dma_start3A_146 = arith.constant 0 : i32
      %dma_start3A_147 = tpu.memref_slice %arg17[%mul3A_19, %dma_start3A_146] : memref<10008x128xf32, #tpu.memory_space<vmem_shared>> -> memref<624x128xf32, #tpu.memory_space<vmem_shared>>
      %dma_start3A_148 = arith.constant 0 : i32
      %dma_start3A_149 = tpu.memref_slice %arg3[%mul3A_17, %dma_start3A_148] : memref<10000x128xf32, #tpu.memory_space<hbm>> -> memref<624x128xf32, #tpu.memory_space<hbm>>
      tpu.enqueue_dma source(%dma_start3A_149 : memref<624x128xf32, #tpu.memory_space<hbm>>) target(%dma_start3A_147 : memref<624x128xf32, #tpu.memory_space<vmem_shared>>) target_semaphore(%run_scoped3A_145 : memref<!tpu.dma_semaphore, #tpu.memory_space<semaphore_mem>>)
      %dma_wait3A_150 = arith.constant 0 : i32
      %dma_wait3A_151 = tpu.memref_slice %arg17[%mul3A_19, %dma_wait3A_150] : memref<10008x128xf32, #tpu.memory_space<vmem_shared>> -> memref<624x128xf32, #tpu.memory_space<vmem_shared>>
      %dma_wait3A_152 = arith.constant 0 : i32
      %dma_wait3A_153 = tpu.memref_slice %arg3[%mul3A_17, %dma_wait3A_152] : memref<10000x128xf32, #tpu.memory_space<hbm>> -> memref<624x128xf32, #tpu.memory_space<hbm>>
      tpu.wait_dma2 semaphore(%run_scoped3A_145 : memref<!tpu.dma_semaphore, #tpu.memory_space<semaphore_mem>>) src(%dma_wait3A_153 : memref<624x128xf32, #tpu.memory_space<hbm>>) dst(%dma_wait3A_151 : memref<624x128xf32, #tpu.memory_space<vmem_shared>>)
      tpu.yield
    }) : () -> ()
    %eq3A = arith.constant 0 : i32
    %eq3A_20 = arith.cmpi eq, %arg1, %eq3A : i32
    %convert_element_type3A = arith.extui %eq3A_20 : i1 to i32
    %cond3A = arith.constant 0 : i32
    %cond3A_21 = arith.cmpi ne, %convert_element_type3A, %cond3A : i32
    scf.if %cond3A_21 {
      "tpu.region"() ({
        %run_scoped3A_145 = tpu.sem_alloc : memref<!tpu.dma_semaphore, #tpu.memory_space<semaphore_mem>>
        %dma_start3A_146 = arith.constant 9984 : i32
        %dma_start3A_147 = arith.constant 0 : i32
        %dma_start3A_148 = tpu.memref_slice %arg17[%dma_start3A_146, %dma_start3A_147] : memref<10008x128xf32, #tpu.memory_space<vmem_shared>> -> memref<16x128xf32, #tpu.memory_space<vmem_shared>>
        %dma_start3A_149 = arith.constant 9984 : i32
        %dma_start3A_150 = arith.constant 0 : i32
        %dma_start3A_151 = tpu.memref_slice %arg3[%dma_start3A_149, %dma_start3A_150] : memref<10000x128xf32, #tpu.memory_space<hbm>> -> memref<16x128xf32, #tpu.memory_space<hbm>>
        tpu.enqueue_dma source(%dma_start3A_151 : memref<16x128xf32, #tpu.memory_space<hbm>>) target(%dma_start3A_148 : memref<16x128xf32, #tpu.memory_space<vmem_shared>>) target_semaphore(%run_scoped3A_145 : memref<!tpu.dma_semaphore, #tpu.memory_space<semaphore_mem>>)
        %dma_wait3A_152 = arith.constant 9984 : i32
        %dma_wait3A_153 = arith.constant 0 : i32
        %dma_wait3A_154 = tpu.memref_slice %arg17[%dma_wait3A_152, %dma_wait3A_153] : memref<10008x128xf32, #tpu.memory_space<vmem_shared>> -> memref<16x128xf32, #tpu.memory_space<vmem_shared>>
        %dma_wait3A_155 = arith.constant 9984 : i32
        %dma_wait3A_156 = arith.constant 0 : i32
        %dma_wait3A_157 = tpu.memref_slice %arg3[%dma_wait3A_155, %dma_wait3A_156] : memref<10000x128xf32, #tpu.memory_space<hbm>> -> memref<16x128xf32, #tpu.memory_space<hbm>>
        tpu.wait_dma2 semaphore(%run_scoped3A_145 : memref<!tpu.dma_semaphore, #tpu.memory_space<semaphore_mem>>) src(%dma_wait3A_157 : memref<16x128xf32, #tpu.memory_space<hbm>>) dst(%dma_wait3A_154 : memref<16x128xf32, #tpu.memory_space<vmem_shared>>)
        tpu.yield
      }) : () -> ()
    } else {
    }
    %dma_wait3A = arith.constant 0 : i32
    %dma_wait3A_22 = arith.constant 0 : i32
    %dma_wait3A_23 = tpu.memref_slice %arg4[%add3A, %dma_wait3A, %dma_wait3A_22] : memref<32x40x128xi32, #tpu.memory_space<hbm>> -> memref<1x40x128xi32, #tpu.memory_space<hbm>>
    %dma_wait3A_24 = tpu.memref_squeeze %dma_wait3A_23 : memref<1x40x128xi32, #tpu.memory_space<hbm>> -> memref<40x128xi32, #tpu.memory_space<hbm>>
    %dma_wait3A_25 = arith.constant 0 : i32
    %dma_wait3A_26 = arith.constant 0 : i32
    %dma_wait3A_27 = tpu.memref_slice %arg4[%add3A, %dma_wait3A_25, %dma_wait3A_26] : memref<32x40x128xi32, #tpu.memory_space<hbm>> -> memref<1x40x128xi32, #tpu.memory_space<hbm>>
    %dma_wait3A_28 = tpu.memref_squeeze %dma_wait3A_27 : memref<1x40x128xi32, #tpu.memory_space<hbm>> -> memref<40x128xi32, #tpu.memory_space<hbm>>
    tpu.wait_dma2 semaphore(%arg18 : memref<!tpu.dma_semaphore, #tpu.memory_space<semaphore_mem>>) src(%dma_wait3A_28 : memref<40x128xi32, #tpu.memory_space<hbm>>) dst(%arg9 : memref<40x128xi32, #tpu.memory_space<vmem>>)
    %dma_wait3A_29 = arith.constant 0 : i32
    %dma_wait3A_30 = arith.constant 0 : i32
    %dma_wait3A_31 = tpu.memref_slice %arg5[%add3A, %dma_wait3A_29, %dma_wait3A_30] : memref<32x40x128xi32, #tpu.memory_space<hbm>> -> memref<1x40x128xi32, #tpu.memory_space<hbm>>
    %dma_wait3A_32 = tpu.memref_squeeze %dma_wait3A_31 : memref<1x40x128xi32, #tpu.memory_space<hbm>> -> memref<40x128xi32, #tpu.memory_space<hbm>>
    %dma_wait3A_33 = arith.constant 0 : i32
    %dma_wait3A_34 = arith.constant 0 : i32
    %dma_wait3A_35 = tpu.memref_slice %arg5[%add3A, %dma_wait3A_33, %dma_wait3A_34] : memref<32x40x128xi32, #tpu.memory_space<hbm>> -> memref<1x40x128xi32, #tpu.memory_space<hbm>>
    %dma_wait3A_36 = tpu.memref_squeeze %dma_wait3A_35 : memref<1x40x128xi32, #tpu.memory_space<hbm>> -> memref<40x128xi32, #tpu.memory_space<hbm>>
    tpu.wait_dma2 semaphore(%arg13 : memref<!tpu.dma_semaphore, #tpu.memory_space<semaphore_mem>>) src(%dma_wait3A_36 : memref<40x128xi32, #tpu.memory_space<hbm>>) dst(%arg10 : memref<40x128xi32, #tpu.memory_space<vmem>>)
    %barrier3A = arith.constant 0 : index
    tpu.barrier barrier_id(%barrier3A)
    %dma_start3A_37 = arith.constant 0 : i32
    %dma_start3A_38 = arith.constant 0 : i32
    %dma_start3A_39 = tpu.memref_slice %arg9[%dma_start3A_37, %dma_start3A_38] : memref<40x128xi32, #tpu.memory_space<vmem>> -> memref<1x128xi32, #tpu.memory_space<vmem>>
    %dma_start3A_40 = tpu.memref_squeeze %dma_start3A_39 : memref<1x128xi32, #tpu.memory_space<vmem>> -> memref<128xi32, #tpu.memory_space<vmem>>
    %dma_start3A_41 = arith.constant 0 : i32
    %dma_start3A_42 = arith.constant 0 : i32
    %dma_start3A_43 = tpu.memref_slice %arg2[%dma_start3A_41, %dma_start3A_42] : memref<10000x128xf32, #tpu.memory_space<hbm>> -> memref<10000x128xf32, #tpu.memory_space<hbm>>
    tpu.enqueue_indirect_dma source(%dma_start3A_43 : memref<10000x128xf32, #tpu.memory_space<hbm>>) target(%arg11 : memref<128x128xf32, #tpu.memory_space<vmem>>) offsets(%dma_start3A_40 : memref<128xi32, #tpu.memory_space<vmem>>) semaphore(%arg13 : memref<!tpu.dma_semaphore, #tpu.memory_space<semaphore_mem>>)
    %dma_start3A_44 = arith.constant 1 : i32
    %dma_start3A_45 = arith.constant 0 : i32
    %dma_start3A_46 = tpu.memref_slice %arg9[%dma_start3A_44, %dma_start3A_45] : memref<40x128xi32, #tpu.memory_space<vmem>> -> memref<1x128xi32, #tpu.memory_space<vmem>>
    %dma_start3A_47 = tpu.memref_squeeze %dma_start3A_46 : memref<1x128xi32, #tpu.memory_space<vmem>> -> memref<128xi32, #tpu.memory_space<vmem>>
    %dma_start3A_48 = arith.constant 0 : i32
    %dma_start3A_49 = arith.constant 0 : i32
    %dma_start3A_50 = tpu.memref_slice %arg2[%dma_start3A_48, %dma_start3A_49] : memref<10000x128xf32, #tpu.memory_space<hbm>> -> memref<10000x128xf32, #tpu.memory_space<hbm>>
    tpu.enqueue_indirect_dma source(%dma_start3A_50 : memref<10000x128xf32, #tpu.memory_space<hbm>>) target(%arg12 : memref<128x128xf32, #tpu.memory_space<vmem>>) offsets(%dma_start3A_47 : memref<128xi32, #tpu.memory_space<vmem>>) semaphore(%arg14 : memref<!tpu.dma_semaphore, #tpu.memory_space<semaphore_mem>>)
    %scan3A = arith.constant 0 : i32
    %scan3A_51 = arith.constant 0 : i32
    %scan3A_52 = arith.constant 10 : i32
    %scan3A_53 = arith.addi %scan3A_51, %scan3A_52 : i32
    %scan3A_54 = arith.constant 1 : i32
    scf.for %scan3A_145 = %scan3A_51 to %scan3A_53 step %scan3A_54  : i32 {
      %mul3A_146 = arith.constant 4 : i32
      %mul3A_147 = arith.muli %mul3A_146, %scan3A_145 : i32
      %add3A_148 = arith.constant 1 : i32
      %add3A_149 = arith.addi %mul3A_147, %add3A_148 : i32
      %dma_wait3A_150 = arith.constant 0 : i32
      %dma_wait3A_151 = tpu.memref_slice %arg9[%mul3A_147, %dma_wait3A_150] : memref<40x128xi32, #tpu.memory_space<vmem>> -> memref<1x128xi32, #tpu.memory_space<vmem>>
      %dma_wait3A_152 = tpu.memref_squeeze %dma_wait3A_151 : memref<1x128xi32, #tpu.memory_space<vmem>> -> memref<128xi32, #tpu.memory_space<vmem>>
      %dma_wait3A_153 = arith.constant 0 : i32
      %dma_wait3A_154 = arith.constant 0 : i32
      %dma_wait3A_155 = tpu.memref_slice %arg2[%dma_wait3A_153, %dma_wait3A_154] : memref<10000x128xf32, #tpu.memory_space<hbm>> -> memref<10000x128xf32, #tpu.memory_space<hbm>>
      tpu.wait_indirect_dma semaphore(%arg13 : memref<!tpu.dma_semaphore, #tpu.memory_space<semaphore_mem>>) src(%dma_wait3A_155 : memref<10000x128xf32, #tpu.memory_space<hbm>>) dst(%arg11 : memref<128x128xf32, #tpu.memory_space<vmem>>)
      %dma_start3A_156 = arith.constant 0 : i32
      %dma_start3A_157 = tpu.memref_slice %arg10[%mul3A_147, %dma_start3A_156] : memref<40x128xi32, #tpu.memory_space<vmem>> -> memref<1x128xi32, #tpu.memory_space<vmem>>
      %dma_start3A_158 = tpu.memref_squeeze %dma_start3A_157 : memref<1x128xi32, #tpu.memory_space<vmem>> -> memref<128xi32, #tpu.memory_space<vmem>>
      %dma_start3A_159 = arith.constant 0 : i32
      %dma_start3A_160 = arith.constant 0 : i32
      %dma_start3A_161 = tpu.memref_slice %arg17[%dma_start3A_159, %dma_start3A_160] : memref<10008x128xf32, #tpu.memory_space<vmem_shared>> -> memref<10008x128xf32, #tpu.memory_space<vmem_shared>>
      tpu.enqueue_indirect_dma source(%arg11 : memref<128x128xf32, #tpu.memory_space<vmem>>) target(%dma_start3A_161 : memref<10008x128xf32, #tpu.memory_space<vmem_shared>>) offsets(%dma_start3A_158 : memref<128xi32, #tpu.memory_space<vmem>>) semaphore(%arg15 : memref<!tpu.dma_semaphore, #tpu.memory_space<semaphore_mem>>) {add = true}
      %dma_wait3A_162 = arith.constant 0 : i32
      %dma_wait3A_163 = tpu.memref_slice %arg9[%add3A_149, %dma_wait3A_162] : memref<40x128xi32, #tpu.memory_space<vmem>> -> memref<1x128xi32, #tpu.memory_space<vmem>>
      %dma_wait3A_164 = tpu.memref_squeeze %dma_wait3A_163 : memref<1x128xi32, #tpu.memory_space<vmem>> -> memref<128xi32, #tpu.memory_space<vmem>>
      %dma_wait3A_165 = arith.constant 0 : i32
      %dma_wait3A_166 = arith.constant 0 : i32
      %dma_wait3A_167 = tpu.memref_slice %arg2[%dma_wait3A_165, %dma_wait3A_166] : memref<10000x128xf32, #tpu.memory_space<hbm>> -> memref<10000x128xf32, #tpu.memory_space<hbm>>
      tpu.wait_indirect_dma semaphore(%arg14 : memref<!tpu.dma_semaphore, #tpu.memory_space<semaphore_mem>>) src(%dma_wait3A_167 : memref<10000x128xf32, #tpu.memory_space<hbm>>) dst(%arg12 : memref<128x128xf32, #tpu.memory_space<vmem>>)
      %dma_start3A_168 = arith.constant 0 : i32
      %dma_start3A_169 = tpu.memref_slice %arg10[%add3A_149, %dma_start3A_168] : memref<40x128xi32, #tpu.memory_space<vmem>> -> memref<1x128xi32, #tpu.memory_space<vmem>>
      %dma_start3A_170 = tpu.memref_squeeze %dma_start3A_169 : memref<1x128xi32, #tpu.memory_space<vmem>> -> memref<128xi32, #tpu.memory_space<vmem>>
      %dma_start3A_171 = arith.constant 0 : i32
      %dma_start3A_172 = arith.constant 0 : i32
      %dma_start3A_173 = tpu.memref_slice %arg17[%dma_start3A_171, %dma_start3A_172] : memref<10008x128xf32, #tpu.memory_space<vmem_shared>> -> memref<10008x128xf32, #tpu.memory_space<vmem_shared>>
      tpu.enqueue_indirect_dma source(%arg12 : memref<128x128xf32, #tpu.memory_space<vmem>>) target(%dma_start3A_173 : memref<10008x128xf32, #tpu.memory_space<vmem_shared>>) offsets(%dma_start3A_170 : memref<128xi32, #tpu.memory_space<vmem>>) semaphore(%arg16 : memref<!tpu.dma_semaphore, #tpu.memory_space<semaphore_mem>>) {add = true}
      %dma_wait3A_174 = arith.constant 0 : i32
      %dma_wait3A_175 = tpu.memref_slice %arg10[%mul3A_147, %dma_wait3A_174] : memref<40x128xi32, #tpu.memory_space<vmem>> -> memref<1x128xi32, #tpu.memory_space<vmem>>
      %dma_wait3A_176 = tpu.memref_squeeze %dma_wait3A_175 : memref<1x128xi32, #tpu.memory_space<vmem>> -> memref<128xi32, #tpu.memory_space<vmem>>
      %dma_wait3A_177 = arith.constant 0 : i32
      %dma_wait3A_178 = arith.constant 0 : i32
      %dma_wait3A_179 = tpu.memref_slice %arg17[%dma_wait3A_177, %dma_wait3A_178] : memref<10008x128xf32, #tpu.memory_space<vmem_shared>> -> memref<10008x128xf32, #tpu.memory_space<vmem_shared>>
      tpu.wait_indirect_dma semaphore(%arg15 : memref<!tpu.dma_semaphore, #tpu.memory_space<semaphore_mem>>) src(%arg11 : memref<128x128xf32, #tpu.memory_space<vmem>>) dst(%dma_wait3A_179 : memref<10008x128xf32, #tpu.memory_space<vmem_shared>>)
      %add3A_180 = arith.constant 2 : i32
      %add3A_181 = arith.addi %mul3A_147, %add3A_180 : i32
      %lt3A = arith.constant 40 : i32
      %lt3A_182 = arith.cmpi slt, %add3A_181, %lt3A : i32
      %convert_element_type3A_183 = arith.extui %lt3A_182 : i1 to i32
      %cond3A_184 = arith.constant 0 : i32
      %cond3A_185 = arith.cmpi ne, %convert_element_type3A_183, %cond3A_184 : i32
      scf.if %cond3A_185 {
        %add3A_255 = arith.constant 2 : i32
        %add3A_256 = arith.addi %mul3A_147, %add3A_255 : i32
        %dma_start3A_257 = arith.constant 0 : i32
        %dma_start3A_258 = tpu.memref_slice %arg9[%add3A_256, %dma_start3A_257] : memref<40x128xi32, #tpu.memory_space<vmem>> -> memref<1x128xi32, #tpu.memory_space<vmem>>
        %dma_start3A_259 = tpu.memref_squeeze %dma_start3A_258 : memref<1x128xi32, #tpu.memory_space<vmem>> -> memref<128xi32, #tpu.memory_space<vmem>>
        %dma_start3A_260 = arith.constant 0 : i32
        %dma_start3A_261 = arith.constant 0 : i32
        %dma_start3A_262 = tpu.memref_slice %arg2[%dma_start3A_260, %dma_start3A_261] : memref<10000x128xf32, #tpu.memory_space<hbm>> -> memref<10000x128xf32, #tpu.memory_space<hbm>>
        tpu.enqueue_indirect_dma source(%dma_start3A_262 : memref<10000x128xf32, #tpu.memory_space<hbm>>) target(%arg11 : memref<128x128xf32, #tpu.memory_space<vmem>>) offsets(%dma_start3A_259 : memref<128xi32, #tpu.memory_space<vmem>>) semaphore(%arg13 : memref<!tpu.dma_semaphore, #tpu.memory_space<semaphore_mem>>)
      } else {
      }
      %dma_wait3A_186 = arith.constant 0 : i32
      %dma_wait3A_187 = tpu.memref_slice %arg10[%add3A_149, %dma_wait3A_186] : memref<40x128xi32, #tpu.memory_space<vmem>> -> memref<1x128xi32, #tpu.memory_space<vmem>>
      %dma_wait3A_188 = tpu.memref_squeeze %dma_wait3A_187 : memref<1x128xi32, #tpu.memory_space<vmem>> -> memref<128xi32, #tpu.memory_space<vmem>>
      %dma_wait3A_189 = arith.constant 0 : i32
      %dma_wait3A_190 = arith.constant 0 : i32
      %dma_wait3A_191 = tpu.memref_slice %arg17[%dma_wait3A_189, %dma_wait3A_190] : memref<10008x128xf32, #tpu.memory_space<vmem_shared>> -> memref<10008x128xf32, #tpu.memory_space<vmem_shared>>
      tpu.wait_indirect_dma semaphore(%arg16 : memref<!tpu.dma_semaphore, #tpu.memory_space<semaphore_mem>>) src(%arg12 : memref<128x128xf32, #tpu.memory_space<vmem>>) dst(%dma_wait3A_191 : memref<10008x128xf32, #tpu.memory_space<vmem_shared>>)
      %add3A_192 = arith.constant 2 : i32
      %add3A_193 = arith.addi %add3A_149, %add3A_192 : i32
      %lt3A_194 = arith.constant 40 : i32
      %lt3A_195 = arith.cmpi slt, %add3A_193, %lt3A_194 : i32
      %convert_element_type3A_196 = arith.extui %lt3A_195 : i1 to i32
      %cond3A_197 = arith.constant 0 : i32
      %cond3A_198 = arith.cmpi ne, %convert_element_type3A_196, %cond3A_197 : i32
      scf.if %cond3A_198 {
        %add3A_255 = arith.constant 2 : i32
        %add3A_256 = arith.addi %add3A_149, %add3A_255 : i32
        %dma_start3A_257 = arith.constant 0 : i32
        %dma_start3A_258 = tpu.memref_slice %arg9[%add3A_256, %dma_start3A_257] : memref<40x128xi32, #tpu.memory_space<vmem>> -> memref<1x128xi32, #tpu.memory_space<vmem>>
        %dma_start3A_259 = tpu.memref_squeeze %dma_start3A_258 : memref<1x128xi32, #tpu.memory_space<vmem>> -> memref<128xi32, #tpu.memory_space<vmem>>
        %dma_start3A_260 = arith.constant 0 : i32
        %dma_start3A_261 = arith.constant 0 : i32
        %dma_start3A_262 = tpu.memref_slice %arg2[%dma_start3A_260, %dma_start3A_261] : memref<10000x128xf32, #tpu.memory_space<hbm>> -> memref<10000x128xf32, #tpu.memory_space<hbm>>
        tpu.enqueue_indirect_dma source(%dma_start3A_262 : memref<10000x128xf32, #tpu.memory_space<hbm>>) target(%arg12 : memref<128x128xf32, #tpu.memory_space<vmem>>) offsets(%dma_start3A_259 : memref<128xi32, #tpu.memory_space<vmem>>) semaphore(%arg14 : memref<!tpu.dma_semaphore, #tpu.memory_space<semaphore_mem>>)
      } else {
      }
      %mul3A_199 = arith.constant 4 : i32
      %mul3A_200 = arith.muli %mul3A_199, %scan3A_145 : i32
      %add3A_201 = arith.constant 2 : i32
      %add3A_202 = arith.addi %mul3A_200, %add3A_201 : i32
      %add3A_203 = arith.constant 1 : i32
      %add3A_204 = arith.addi %add3A_202, %add3A_203 : i32
      %dma_wait3A_205 = arith.constant 0 : i32
      %dma_wait3A_206 = tpu.memref_slice %arg9[%add3A_202, %dma_wait3A_205] : memref<40x128xi32, #tpu.memory_space<vmem>> -> memref<1x128xi32, #tpu.memory_space<vmem>>
      %dma_wait3A_207 = tpu.memref_squeeze %dma_wait3A_206 : memref<1x128xi32, #tpu.memory_space<vmem>> -> memref<128xi32, #tpu.memory_space<vmem>>
      %dma_wait3A_208 = arith.constant 0 : i32
      %dma_wait3A_209 = arith.constant 0 : i32
      %dma_wait3A_210 = tpu.memref_slice %arg2[%dma_wait3A_208, %dma_wait3A_209] : memref<10000x128xf32, #tpu.memory_space<hbm>> -> memref<10000x128xf32, #tpu.memory_space<hbm>>
      tpu.wait_indirect_dma semaphore(%arg13 : memref<!tpu.dma_semaphore, #tpu.memory_space<semaphore_mem>>) src(%dma_wait3A_210 : memref<10000x128xf32, #tpu.memory_space<hbm>>) dst(%arg11 : memref<128x128xf32, #tpu.memory_space<vmem>>)
      %dma_start3A_211 = arith.constant 0 : i32
      %dma_start3A_212 = tpu.memref_slice %arg10[%add3A_202, %dma_start3A_211] : memref<40x128xi32, #tpu.memory_space<vmem>> -> memref<1x128xi32, #tpu.memory_space<vmem>>
      %dma_start3A_213 = tpu.memref_squeeze %dma_start3A_212 : memref<1x128xi32, #tpu.memory_space<vmem>> -> memref<128xi32, #tpu.memory_space<vmem>>
      %dma_start3A_214 = arith.constant 0 : i32
      %dma_start3A_215 = arith.constant 0 : i32
      %dma_start3A_216 = tpu.memref_slice %arg17[%dma_start3A_214, %dma_start3A_215] : memref<10008x128xf32, #tpu.memory_space<vmem_shared>> -> memref<10008x128xf32, #tpu.memory_space<vmem_shared>>
      tpu.enqueue_indirect_dma source(%arg11 : memref<128x128xf32, #tpu.memory_space<vmem>>) target(%dma_start3A_216 : memref<10008x128xf32, #tpu.memory_space<vmem_shared>>) offsets(%dma_start3A_213 : memref<128xi32, #tpu.memory_space<vmem>>) semaphore(%arg15 : memref<!tpu.dma_semaphore, #tpu.memory_space<semaphore_mem>>) {add = true}
      %dma_wait3A_217 = arith.constant 0 : i32
      %dma_wait3A_218 = tpu.memref_slice %arg9[%add3A_204, %dma_wait3A_217] : memref<40x128xi32, #tpu.memory_space<vmem>> -> memref<1x128xi32, #tpu.memory_space<vmem>>
      %dma_wait3A_219 = tpu.memref_squeeze %dma_wait3A_218 : memref<1x128xi32, #tpu.memory_space<vmem>> -> memref<128xi32, #tpu.memory_space<vmem>>
      %dma_wait3A_220 = arith.constant 0 : i32
      %dma_wait3A_221 = arith.constant 0 : i32
      %dma_wait3A_222 = tpu.memref_slice %arg2[%dma_wait3A_220, %dma_wait3A_221] : memref<10000x128xf32, #tpu.memory_space<hbm>> -> memref<10000x128xf32, #tpu.memory_space<hbm>>
      tpu.wait_indirect_dma semaphore(%arg14 : memref<!tpu.dma_semaphore, #tpu.memory_space<semaphore_mem>>) src(%dma_wait3A_222 : memref<10000x128xf32, #tpu.memory_space<hbm>>) dst(%arg12 : memref<128x128xf32, #tpu.memory_space<vmem>>)
      %dma_start3A_223 = arith.constant 0 : i32
      %dma_start3A_224 = tpu.memref_slice %arg10[%add3A_204, %dma_start3A_223] : memref<40x128xi32, #tpu.memory_space<vmem>> -> memref<1x128xi32, #tpu.memory_space<vmem>>
      %dma_start3A_225 = tpu.memref_squeeze %dma_start3A_224 : memref<1x128xi32, #tpu.memory_space<vmem>> -> memref<128xi32, #tpu.memory_space<vmem>>
      %dma_start3A_226 = arith.constant 0 : i32
      %dma_start3A_227 = arith.constant 0 : i32
      %dma_start3A_228 = tpu.memref_slice %arg17[%dma_start3A_226, %dma_start3A_227] : memref<10008x128xf32, #tpu.memory_space<vmem_shared>> -> memref<10008x128xf32, #tpu.memory_space<vmem_shared>>
      tpu.enqueue_indirect_dma source(%arg12 : memref<128x128xf32, #tpu.memory_space<vmem>>) target(%dma_start3A_228 : memref<10008x128xf32, #tpu.memory_space<vmem_shared>>) offsets(%dma_start3A_225 : memref<128xi32, #tpu.memory_space<vmem>>) semaphore(%arg16 : memref<!tpu.dma_semaphore, #tpu.memory_space<semaphore_mem>>) {add = true}
      %dma_wait3A_229 = arith.constant 0 : i32
      %dma_wait3A_230 = tpu.memref_slice %arg10[%add3A_202, %dma_wait3A_229] : memref<40x128xi32, #tpu.memory_space<vmem>> -> memref<1x128xi32, #tpu.memory_space<vmem>>
      %dma_wait3A_231 = tpu.memref_squeeze %dma_wait3A_230 : memref<1x128xi32, #tpu.memory_space<vmem>> -> memref<128xi32, #tpu.memory_space<vmem>>
      %dma_wait3A_232 = arith.constant 0 : i32
      %dma_wait3A_233 = arith.constant 0 : i32
      %dma_wait3A_234 = tpu.memref_slice %arg17[%dma_wait3A_232, %dma_wait3A_233] : memref<10008x128xf32, #tpu.memory_space<vmem_shared>> -> memref<10008x128xf32, #tpu.memory_space<vmem_shared>>
      tpu.wait_indirect_dma semaphore(%arg15 : memref<!tpu.dma_semaphore, #tpu.memory_space<semaphore_mem>>) src(%arg11 : memref<128x128xf32, #tpu.memory_space<vmem>>) dst(%dma_wait3A_234 : memref<10008x128xf32, #tpu.memory_space<vmem_shared>>)
      %add3A_235 = arith.constant 2 : i32
      %add3A_236 = arith.addi %add3A_202, %add3A_235 : i32
      %lt3A_237 = arith.constant 40 : i32
      %lt3A_238 = arith.cmpi slt, %add3A_236, %lt3A_237 : i32
      %convert_element_type3A_239 = arith.extui %lt3A_238 : i1 to i32
      %cond3A_240 = arith.constant 0 : i32
      %cond3A_241 = arith.cmpi ne, %convert_element_type3A_239, %cond3A_240 : i32
      scf.if %cond3A_241 {
        %add3A_255 = arith.constant 2 : i32
        %add3A_256 = arith.addi %add3A_202, %add3A_255 : i32
        %dma_start3A_257 = arith.constant 0 : i32
        %dma_start3A_258 = tpu.memref_slice %arg9[%add3A_256, %dma_start3A_257] : memref<40x128xi32, #tpu.memory_space<vmem>> -> memref<1x128xi32, #tpu.memory_space<vmem>>
        %dma_start3A_259 = tpu.memref_squeeze %dma_start3A_258 : memref<1x128xi32, #tpu.memory_space<vmem>> -> memref<128xi32, #tpu.memory_space<vmem>>
        %dma_start3A_260 = arith.constant 0 : i32
        %dma_start3A_261 = arith.constant 0 : i32
        %dma_start3A_262 = tpu.memref_slice %arg2[%dma_start3A_260, %dma_start3A_261] : memref<10000x128xf32, #tpu.memory_space<hbm>> -> memref<10000x128xf32, #tpu.memory_space<hbm>>
        tpu.enqueue_indirect_dma source(%dma_start3A_262 : memref<10000x128xf32, #tpu.memory_space<hbm>>) target(%arg11 : memref<128x128xf32, #tpu.memory_space<vmem>>) offsets(%dma_start3A_259 : memref<128xi32, #tpu.memory_space<vmem>>) semaphore(%arg13 : memref<!tpu.dma_semaphore, #tpu.memory_space<semaphore_mem>>)
      } else {
      }
      %dma_wait3A_242 = arith.constant 0 : i32
      %dma_wait3A_243 = tpu.memref_slice %arg10[%add3A_204, %dma_wait3A_242] : memref<40x128xi32, #tpu.memory_space<vmem>> -> memref<1x128xi32, #tpu.memory_space<vmem>>
      %dma_wait3A_244 = tpu.memref_squeeze %dma_wait3A_243 : memref<1x128xi32, #tpu.memory_space<vmem>> -> memref<128xi32, #tpu.memory_space<vmem>>
      %dma_wait3A_245 = arith.constant 0 : i32
      %dma_wait3A_246 = arith.constant 0 : i32
      %dma_wait3A_247 = tpu.memref_slice %arg17[%dma_wait3A_245, %dma_wait3A_246] : memref<10008x128xf32, #tpu.memory_space<vmem_shared>> -> memref<10008x128xf32, #tpu.memory_space<vmem_shared>>
      tpu.wait_indirect_dma semaphore(%arg16 : memref<!tpu.dma_semaphore, #tpu.memory_space<semaphore_mem>>) src(%arg12 : memref<128x128xf32, #tpu.memory_space<vmem>>) dst(%dma_wait3A_247 : memref<10008x128xf32, #tpu.memory_space<vmem_shared>>)
      %add3A_248 = arith.constant 2 : i32
      %add3A_249 = arith.addi %add3A_204, %add3A_248 : i32
      %lt3A_250 = arith.constant 40 : i32
      %lt3A_251 = arith.cmpi slt, %add3A_249, %lt3A_250 : i32
      %convert_element_type3A_252 = arith.extui %lt3A_251 : i1 to i32
      %cond3A_253 = arith.constant 0 : i32
      %cond3A_254 = arith.cmpi ne, %convert_element_type3A_252, %cond3A_253 : i32
      scf.if %cond3A_254 {
        %add3A_255 = arith.constant 2 : i32
        %add3A_256 = arith.addi %add3A_204, %add3A_255 : i32
        %dma_start3A_257 = arith.constant 0 : i32
        %dma_start3A_258 = tpu.memref_slice %arg9[%add3A_256, %dma_start3A_257] : memref<40x128xi32, #tpu.memory_space<vmem>> -> memref<1x128xi32, #tpu.memory_space<vmem>>
        %dma_start3A_259 = tpu.memref_squeeze %dma_start3A_258 : memref<1x128xi32, #tpu.memory_space<vmem>> -> memref<128xi32, #tpu.memory_space<vmem>>
        %dma_start3A_260 = arith.constant 0 : i32
        %dma_start3A_261 = arith.constant 0 : i32
        %dma_start3A_262 = tpu.memref_slice %arg2[%dma_start3A_260, %dma_start3A_261] : memref<10000x128xf32, #tpu.memory_space<hbm>> -> memref<10000x128xf32, #tpu.memory_space<hbm>>
        tpu.enqueue_indirect_dma source(%dma_start3A_262 : memref<10000x128xf32, #tpu.memory_space<hbm>>) target(%arg12 : memref<128x128xf32, #tpu.memory_space<vmem>>) offsets(%dma_start3A_259 : memref<128xi32, #tpu.memory_space<vmem>>) semaphore(%arg14 : memref<!tpu.dma_semaphore, #tpu.memory_space<semaphore_mem>>)
      } else {
      }
    }
    %scan3A_55 = arith.constant 10 : i32
    "tpu.region"() ({
      %run_scoped3A_145 = tpu.sem_alloc : memref<!tpu.dma_semaphore, #tpu.memory_space<semaphore_mem>>
      %dma_start3A_146 = arith.constant 0 : i32
      %dma_start3A_147 = arith.constant 0 : i32
      %dma_start3A_148 = tpu.memref_slice %arg9[%dma_start3A_146, %dma_start3A_147] : memref<40x128xi32, #tpu.memory_space<vmem>> -> memref<39x128xi32, #tpu.memory_space<vmem>>
      %dma_start3A_149 = arith.constant 0 : i32
      %dma_start3A_150 = arith.constant 0 : i32
      %dma_start3A_151 = tpu.memref_slice %arg6[%add3A, %dma_start3A_149, %dma_start3A_150] : memref<32x39x128xi32, #tpu.memory_space<hbm>> -> memref<1x39x128xi32, #tpu.memory_space<hbm>>
      %dma_start3A_152 = tpu.memref_squeeze %dma_start3A_151 : memref<1x39x128xi32, #tpu.memory_space<hbm>> -> memref<39x128xi32, #tpu.memory_space<hbm>>
      %dma_start3A_153 = arith.constant 0 : i32
      %dma_start3A_154 = arith.constant 0 : i32
      %dma_start3A_155 = tpu.memref_slice %arg9[%dma_start3A_153, %dma_start3A_154] : memref<40x128xi32, #tpu.memory_space<vmem>> -> memref<39x128xi32, #tpu.memory_space<vmem>>
      %dma_start3A_156 = arith.constant 0 : i32
      %dma_start3A_157 = arith.constant 0 : i32
      %dma_start3A_158 = tpu.memref_slice %arg6[%add3A, %dma_start3A_156, %dma_start3A_157] : memref<32x39x128xi32, #tpu.memory_space<hbm>> -> memref<1x39x128xi32, #tpu.memory_space<hbm>>
      %dma_start3A_159 = tpu.memref_squeeze %dma_start3A_158 : memref<1x39x128xi32, #tpu.memory_space<hbm>> -> memref<39x128xi32, #tpu.memory_space<hbm>>
      tpu.enqueue_dma source(%dma_start3A_159 : memref<39x128xi32, #tpu.memory_space<hbm>>) target(%dma_start3A_155 : memref<39x128xi32, #tpu.memory_space<vmem>>) target_semaphore(%run_scoped3A_145 : memref<!tpu.dma_semaphore, #tpu.memory_space<semaphore_mem>>)
      %dma_wait3A_160 = arith.constant 0 : i32
      %dma_wait3A_161 = arith.constant 0 : i32
      %dma_wait3A_162 = tpu.memref_slice %arg9[%dma_wait3A_160, %dma_wait3A_161] : memref<40x128xi32, #tpu.memory_space<vmem>> -> memref<39x128xi32, #tpu.memory_space<vmem>>
      %dma_wait3A_163 = arith.constant 0 : i32
      %dma_wait3A_164 = arith.constant 0 : i32
      %dma_wait3A_165 = tpu.memref_slice %arg6[%add3A, %dma_wait3A_163, %dma_wait3A_164] : memref<32x39x128xi32, #tpu.memory_space<hbm>> -> memref<1x39x128xi32, #tpu.memory_space<hbm>>
      %dma_wait3A_166 = tpu.memref_squeeze %dma_wait3A_165 : memref<1x39x128xi32, #tpu.memory_space<hbm>> -> memref<39x128xi32, #tpu.memory_space<hbm>>
      %dma_wait3A_167 = arith.constant 0 : i32
      %dma_wait3A_168 = arith.constant 0 : i32
      %dma_wait3A_169 = tpu.memref_slice %arg9[%dma_wait3A_167, %dma_wait3A_168] : memref<40x128xi32, #tpu.memory_space<vmem>> -> memref<39x128xi32, #tpu.memory_space<vmem>>
      %dma_wait3A_170 = arith.constant 0 : i32
      %dma_wait3A_171 = arith.constant 0 : i32
      %dma_wait3A_172 = tpu.memref_slice %arg6[%add3A, %dma_wait3A_170, %dma_wait3A_171] : memref<32x39x128xi32, #tpu.memory_space<hbm>> -> memref<1x39x128xi32, #tpu.memory_space<hbm>>
      %dma_wait3A_173 = tpu.memref_squeeze %dma_wait3A_172 : memref<1x39x128xi32, #tpu.memory_space<hbm>> -> memref<39x128xi32, #tpu.memory_space<hbm>>
      tpu.wait_dma2 semaphore(%run_scoped3A_145 : memref<!tpu.dma_semaphore, #tpu.memory_space<semaphore_mem>>) src(%dma_wait3A_173 : memref<39x128xi32, #tpu.memory_space<hbm>>) dst(%dma_wait3A_169 : memref<39x128xi32, #tpu.memory_space<vmem>>)
      tpu.yield
    }) : () -> ()
    "tpu.region"() ({
      %run_scoped3A_145 = tpu.sem_alloc : memref<!tpu.dma_semaphore, #tpu.memory_space<semaphore_mem>>
      %dma_start3A_146 = arith.constant 0 : i32
      %dma_start3A_147 = arith.constant 0 : i32
      %dma_start3A_148 = tpu.memref_slice %arg10[%dma_start3A_146, %dma_start3A_147] : memref<40x128xi32, #tpu.memory_space<vmem>> -> memref<39x128xi32, #tpu.memory_space<vmem>>
      %dma_start3A_149 = arith.constant 0 : i32
      %dma_start3A_150 = arith.constant 0 : i32
      %dma_start3A_151 = tpu.memref_slice %arg7[%add3A, %dma_start3A_149, %dma_start3A_150] : memref<32x39x128xi32, #tpu.memory_space<hbm>> -> memref<1x39x128xi32, #tpu.memory_space<hbm>>
      %dma_start3A_152 = tpu.memref_squeeze %dma_start3A_151 : memref<1x39x128xi32, #tpu.memory_space<hbm>> -> memref<39x128xi32, #tpu.memory_space<hbm>>
      %dma_start3A_153 = arith.constant 0 : i32
      %dma_start3A_154 = arith.constant 0 : i32
      %dma_start3A_155 = tpu.memref_slice %arg10[%dma_start3A_153, %dma_start3A_154] : memref<40x128xi32, #tpu.memory_space<vmem>> -> memref<39x128xi32, #tpu.memory_space<vmem>>
      %dma_start3A_156 = arith.constant 0 : i32
      %dma_start3A_157 = arith.constant 0 : i32
      %dma_start3A_158 = tpu.memref_slice %arg7[%add3A, %dma_start3A_156, %dma_start3A_157] : memref<32x39x128xi32, #tpu.memory_space<hbm>> -> memref<1x39x128xi32, #tpu.memory_space<hbm>>
      %dma_start3A_159 = tpu.memref_squeeze %dma_start3A_158 : memref<1x39x128xi32, #tpu.memory_space<hbm>> -> memref<39x128xi32, #tpu.memory_space<hbm>>
      tpu.enqueue_dma source(%dma_start3A_159 : memref<39x128xi32, #tpu.memory_space<hbm>>) target(%dma_start3A_155 : memref<39x128xi32, #tpu.memory_space<vmem>>) target_semaphore(%run_scoped3A_145 : memref<!tpu.dma_semaphore, #tpu.memory_space<semaphore_mem>>)
      %dma_wait3A_160 = arith.constant 0 : i32
      %dma_wait3A_161 = arith.constant 0 : i32
      %dma_wait3A_162 = tpu.memref_slice %arg10[%dma_wait3A_160, %dma_wait3A_161] : memref<40x128xi32, #tpu.memory_space<vmem>> -> memref<39x128xi32, #tpu.memory_space<vmem>>
      %dma_wait3A_163 = arith.constant 0 : i32
      %dma_wait3A_164 = arith.constant 0 : i32
      %dma_wait3A_165 = tpu.memref_slice %arg7[%add3A, %dma_wait3A_163, %dma_wait3A_164] : memref<32x39x128xi32, #tpu.memory_space<hbm>> -> memref<1x39x128xi32, #tpu.memory_space<hbm>>
      %dma_wait3A_166 = tpu.memref_squeeze %dma_wait3A_165 : memref<1x39x128xi32, #tpu.memory_space<hbm>> -> memref<39x128xi32, #tpu.memory_space<hbm>>
      %dma_wait3A_167 = arith.constant 0 : i32
      %dma_wait3A_168 = arith.constant 0 : i32
      %dma_wait3A_169 = tpu.memref_slice %arg10[%dma_wait3A_167, %dma_wait3A_168] : memref<40x128xi32, #tpu.memory_space<vmem>> -> memref<39x128xi32, #tpu.memory_space<vmem>>
      %dma_wait3A_170 = arith.constant 0 : i32
      %dma_wait3A_171 = arith.constant 0 : i32
      %dma_wait3A_172 = tpu.memref_slice %arg7[%add3A, %dma_wait3A_170, %dma_wait3A_171] : memref<32x39x128xi32, #tpu.memory_space<hbm>> -> memref<1x39x128xi32, #tpu.memory_space<hbm>>
      %dma_wait3A_173 = tpu.memref_squeeze %dma_wait3A_172 : memref<1x39x128xi32, #tpu.memory_space<hbm>> -> memref<39x128xi32, #tpu.memory_space<hbm>>
      tpu.wait_dma2 semaphore(%run_scoped3A_145 : memref<!tpu.dma_semaphore, #tpu.memory_space<semaphore_mem>>) src(%dma_wait3A_173 : memref<39x128xi32, #tpu.memory_space<hbm>>) dst(%dma_wait3A_169 : memref<39x128xi32, #tpu.memory_space<vmem>>)
      tpu.yield
    }) : () -> ()
    %dma_start3A_56 = arith.constant 0 : i32
    %dma_start3A_57 = arith.constant 0 : i32
    %dma_start3A_58 = tpu.memref_slice %arg9[%dma_start3A_56, %dma_start3A_57] : memref<40x128xi32, #tpu.memory_space<vmem>> -> memref<1x128xi32, #tpu.memory_space<vmem>>
    %dma_start3A_59 = tpu.memref_squeeze %dma_start3A_58 : memref<1x128xi32, #tpu.memory_space<vmem>> -> memref<128xi32, #tpu.memory_space<vmem>>
    %dma_start3A_60 = arith.constant 0 : i32
    %dma_start3A_61 = arith.constant 0 : i32
    %dma_start3A_62 = tpu.memref_slice %arg2[%dma_start3A_60, %dma_start3A_61] : memref<10000x128xf32, #tpu.memory_space<hbm>> -> memref<10000x128xf32, #tpu.memory_space<hbm>>
    tpu.enqueue_indirect_dma source(%dma_start3A_62 : memref<10000x128xf32, #tpu.memory_space<hbm>>) target(%arg11 : memref<128x128xf32, #tpu.memory_space<vmem>>) offsets(%dma_start3A_59 : memref<128xi32, #tpu.memory_space<vmem>>) semaphore(%arg13 : memref<!tpu.dma_semaphore, #tpu.memory_space<semaphore_mem>>)
    %dma_start3A_63 = arith.constant 1 : i32
    %dma_start3A_64 = arith.constant 0 : i32
    %dma_start3A_65 = tpu.memref_slice %arg9[%dma_start3A_63, %dma_start3A_64] : memref<40x128xi32, #tpu.memory_space<vmem>> -> memref<1x128xi32, #tpu.memory_space<vmem>>
    %dma_start3A_66 = tpu.memref_squeeze %dma_start3A_65 : memref<1x128xi32, #tpu.memory_space<vmem>> -> memref<128xi32, #tpu.memory_space<vmem>>
    %dma_start3A_67 = arith.constant 0 : i32
    %dma_start3A_68 = arith.constant 0 : i32
    %dma_start3A_69 = tpu.memref_slice %arg2[%dma_start3A_67, %dma_start3A_68] : memref<10000x128xf32, #tpu.memory_space<hbm>> -> memref<10000x128xf32, #tpu.memory_space<hbm>>
    tpu.enqueue_indirect_dma source(%dma_start3A_69 : memref<10000x128xf32, #tpu.memory_space<hbm>>) target(%arg12 : memref<128x128xf32, #tpu.memory_space<vmem>>) offsets(%dma_start3A_66 : memref<128xi32, #tpu.memory_space<vmem>>) semaphore(%arg14 : memref<!tpu.dma_semaphore, #tpu.memory_space<semaphore_mem>>)
    %scan3A_70 = arith.constant 0 : i32
    %scan3A_71 = arith.constant 0 : i32
    %scan3A_72 = arith.constant 9 : i32
    %scan3A_73 = arith.addi %scan3A_71, %scan3A_72 : i32
    %scan3A_74 = arith.constant 1 : i32
    scf.for %scan3A_145 = %scan3A_71 to %scan3A_73 step %scan3A_74  : i32 {
      %mul3A_146 = arith.constant 4 : i32
      %mul3A_147 = arith.muli %mul3A_146, %scan3A_145 : i32
      %add3A_148 = arith.constant 1 : i32
      %add3A_149 = arith.addi %mul3A_147, %add3A_148 : i32
      %dma_wait3A_150 = arith.constant 0 : i32
      %dma_wait3A_151 = tpu.memref_slice %arg9[%mul3A_147, %dma_wait3A_150] : memref<40x128xi32, #tpu.memory_space<vmem>> -> memref<1x128xi32, #tpu.memory_space<vmem>>
      %dma_wait3A_152 = tpu.memref_squeeze %dma_wait3A_151 : memref<1x128xi32, #tpu.memory_space<vmem>> -> memref<128xi32, #tpu.memory_space<vmem>>
      %dma_wait3A_153 = arith.constant 0 : i32
      %dma_wait3A_154 = arith.constant 0 : i32
      %dma_wait3A_155 = tpu.memref_slice %arg2[%dma_wait3A_153, %dma_wait3A_154] : memref<10000x128xf32, #tpu.memory_space<hbm>> -> memref<10000x128xf32, #tpu.memory_space<hbm>>
      tpu.wait_indirect_dma semaphore(%arg13 : memref<!tpu.dma_semaphore, #tpu.memory_space<semaphore_mem>>) src(%dma_wait3A_155 : memref<10000x128xf32, #tpu.memory_space<hbm>>) dst(%arg11 : memref<128x128xf32, #tpu.memory_space<vmem>>)
      %dma_start3A_156 = arith.constant 0 : i32
      %dma_start3A_157 = tpu.memref_slice %arg10[%mul3A_147, %dma_start3A_156] : memref<40x128xi32, #tpu.memory_space<vmem>> -> memref<1x128xi32, #tpu.memory_space<vmem>>
      %dma_start3A_158 = tpu.memref_squeeze %dma_start3A_157 : memref<1x128xi32, #tpu.memory_space<vmem>> -> memref<128xi32, #tpu.memory_space<vmem>>
      %dma_start3A_159 = arith.constant 0 : i32
      %dma_start3A_160 = arith.constant 0 : i32
      %dma_start3A_161 = tpu.memref_slice %arg17[%dma_start3A_159, %dma_start3A_160] : memref<10008x128xf32, #tpu.memory_space<vmem_shared>> -> memref<10008x128xf32, #tpu.memory_space<vmem_shared>>
      tpu.enqueue_indirect_dma source(%arg11 : memref<128x128xf32, #tpu.memory_space<vmem>>) target(%dma_start3A_161 : memref<10008x128xf32, #tpu.memory_space<vmem_shared>>) offsets(%dma_start3A_158 : memref<128xi32, #tpu.memory_space<vmem>>) semaphore(%arg15 : memref<!tpu.dma_semaphore, #tpu.memory_space<semaphore_mem>>) {add = true}
      %dma_wait3A_162 = arith.constant 0 : i32
      %dma_wait3A_163 = tpu.memref_slice %arg9[%add3A_149, %dma_wait3A_162] : memref<40x128xi32, #tpu.memory_space<vmem>> -> memref<1x128xi32, #tpu.memory_space<vmem>>
      %dma_wait3A_164 = tpu.memref_squeeze %dma_wait3A_163 : memref<1x128xi32, #tpu.memory_space<vmem>> -> memref<128xi32, #tpu.memory_space<vmem>>
      %dma_wait3A_165 = arith.constant 0 : i32
      %dma_wait3A_166 = arith.constant 0 : i32
      %dma_wait3A_167 = tpu.memref_slice %arg2[%dma_wait3A_165, %dma_wait3A_166] : memref<10000x128xf32, #tpu.memory_space<hbm>> -> memref<10000x128xf32, #tpu.memory_space<hbm>>
      tpu.wait_indirect_dma semaphore(%arg14 : memref<!tpu.dma_semaphore, #tpu.memory_space<semaphore_mem>>) src(%dma_wait3A_167 : memref<10000x128xf32, #tpu.memory_space<hbm>>) dst(%arg12 : memref<128x128xf32, #tpu.memory_space<vmem>>)
      %dma_start3A_168 = arith.constant 0 : i32
      %dma_start3A_169 = tpu.memref_slice %arg10[%add3A_149, %dma_start3A_168] : memref<40x128xi32, #tpu.memory_space<vmem>> -> memref<1x128xi32, #tpu.memory_space<vmem>>
      %dma_start3A_170 = tpu.memref_squeeze %dma_start3A_169 : memref<1x128xi32, #tpu.memory_space<vmem>> -> memref<128xi32, #tpu.memory_space<vmem>>
      %dma_start3A_171 = arith.constant 0 : i32
      %dma_start3A_172 = arith.constant 0 : i32
      %dma_start3A_173 = tpu.memref_slice %arg17[%dma_start3A_171, %dma_start3A_172] : memref<10008x128xf32, #tpu.memory_space<vmem_shared>> -> memref<10008x128xf32, #tpu.memory_space<vmem_shared>>
      tpu.enqueue_indirect_dma source(%arg12 : memref<128x128xf32, #tpu.memory_space<vmem>>) target(%dma_start3A_173 : memref<10008x128xf32, #tpu.memory_space<vmem_shared>>) offsets(%dma_start3A_170 : memref<128xi32, #tpu.memory_space<vmem>>) semaphore(%arg16 : memref<!tpu.dma_semaphore, #tpu.memory_space<semaphore_mem>>) {add = true}
      %dma_wait3A_174 = arith.constant 0 : i32
      %dma_wait3A_175 = tpu.memref_slice %arg10[%mul3A_147, %dma_wait3A_174] : memref<40x128xi32, #tpu.memory_space<vmem>> -> memref<1x128xi32, #tpu.memory_space<vmem>>
      %dma_wait3A_176 = tpu.memref_squeeze %dma_wait3A_175 : memref<1x128xi32, #tpu.memory_space<vmem>> -> memref<128xi32, #tpu.memory_space<vmem>>
      %dma_wait3A_177 = arith.constant 0 : i32
      %dma_wait3A_178 = arith.constant 0 : i32
      %dma_wait3A_179 = tpu.memref_slice %arg17[%dma_wait3A_177, %dma_wait3A_178] : memref<10008x128xf32, #tpu.memory_space<vmem_shared>> -> memref<10008x128xf32, #tpu.memory_space<vmem_shared>>
      tpu.wait_indirect_dma semaphore(%arg15 : memref<!tpu.dma_semaphore, #tpu.memory_space<semaphore_mem>>) src(%arg11 : memref<128x128xf32, #tpu.memory_space<vmem>>) dst(%dma_wait3A_179 : memref<10008x128xf32, #tpu.memory_space<vmem_shared>>)
      %add3A_180 = arith.constant 2 : i32
      %add3A_181 = arith.addi %mul3A_147, %add3A_180 : i32
      %lt3A = arith.constant 39 : i32
      %lt3A_182 = arith.cmpi slt, %add3A_181, %lt3A : i32
      %convert_element_type3A_183 = arith.extui %lt3A_182 : i1 to i32
      %cond3A_184 = arith.constant 0 : i32
      %cond3A_185 = arith.cmpi ne, %convert_element_type3A_183, %cond3A_184 : i32
      scf.if %cond3A_185 {
        %add3A_255 = arith.constant 2 : i32
        %add3A_256 = arith.addi %mul3A_147, %add3A_255 : i32
        %dma_start3A_257 = arith.constant 0 : i32
        %dma_start3A_258 = tpu.memref_slice %arg9[%add3A_256, %dma_start3A_257] : memref<40x128xi32, #tpu.memory_space<vmem>> -> memref<1x128xi32, #tpu.memory_space<vmem>>
        %dma_start3A_259 = tpu.memref_squeeze %dma_start3A_258 : memref<1x128xi32, #tpu.memory_space<vmem>> -> memref<128xi32, #tpu.memory_space<vmem>>
        %dma_start3A_260 = arith.constant 0 : i32
        %dma_start3A_261 = arith.constant 0 : i32
        %dma_start3A_262 = tpu.memref_slice %arg2[%dma_start3A_260, %dma_start3A_261] : memref<10000x128xf32, #tpu.memory_space<hbm>> -> memref<10000x128xf32, #tpu.memory_space<hbm>>
        tpu.enqueue_indirect_dma source(%dma_start3A_262 : memref<10000x128xf32, #tpu.memory_space<hbm>>) target(%arg11 : memref<128x128xf32, #tpu.memory_space<vmem>>) offsets(%dma_start3A_259 : memref<128xi32, #tpu.memory_space<vmem>>) semaphore(%arg13 : memref<!tpu.dma_semaphore, #tpu.memory_space<semaphore_mem>>)
      } else {
      }
      %dma_wait3A_186 = arith.constant 0 : i32
      %dma_wait3A_187 = tpu.memref_slice %arg10[%add3A_149, %dma_wait3A_186] : memref<40x128xi32, #tpu.memory_space<vmem>> -> memref<1x128xi32, #tpu.memory_space<vmem>>
      %dma_wait3A_188 = tpu.memref_squeeze %dma_wait3A_187 : memref<1x128xi32, #tpu.memory_space<vmem>> -> memref<128xi32, #tpu.memory_space<vmem>>
      %dma_wait3A_189 = arith.constant 0 : i32
      %dma_wait3A_190 = arith.constant 0 : i32
      %dma_wait3A_191 = tpu.memref_slice %arg17[%dma_wait3A_189, %dma_wait3A_190] : memref<10008x128xf32, #tpu.memory_space<vmem_shared>> -> memref<10008x128xf32, #tpu.memory_space<vmem_shared>>
      tpu.wait_indirect_dma semaphore(%arg16 : memref<!tpu.dma_semaphore, #tpu.memory_space<semaphore_mem>>) src(%arg12 : memref<128x128xf32, #tpu.memory_space<vmem>>) dst(%dma_wait3A_191 : memref<10008x128xf32, #tpu.memory_space<vmem_shared>>)
      %add3A_192 = arith.constant 2 : i32
      %add3A_193 = arith.addi %add3A_149, %add3A_192 : i32
      %lt3A_194 = arith.constant 39 : i32
      %lt3A_195 = arith.cmpi slt, %add3A_193, %lt3A_194 : i32
      %convert_element_type3A_196 = arith.extui %lt3A_195 : i1 to i32
      %cond3A_197 = arith.constant 0 : i32
      %cond3A_198 = arith.cmpi ne, %convert_element_type3A_196, %cond3A_197 : i32
      scf.if %cond3A_198 {
        %add3A_255 = arith.constant 2 : i32
        %add3A_256 = arith.addi %add3A_149, %add3A_255 : i32
        %dma_start3A_257 = arith.constant 0 : i32
        %dma_start3A_258 = tpu.memref_slice %arg9[%add3A_256, %dma_start3A_257] : memref<40x128xi32, #tpu.memory_space<vmem>> -> memref<1x128xi32, #tpu.memory_space<vmem>>
        %dma_start3A_259 = tpu.memref_squeeze %dma_start3A_258 : memref<1x128xi32, #tpu.memory_space<vmem>> -> memref<128xi32, #tpu.memory_space<vmem>>
        %dma_start3A_260 = arith.constant 0 : i32
        %dma_start3A_261 = arith.constant 0 : i32
        %dma_start3A_262 = tpu.memref_slice %arg2[%dma_start3A_260, %dma_start3A_261] : memref<10000x128xf32, #tpu.memory_space<hbm>> -> memref<10000x128xf32, #tpu.memory_space<hbm>>
        tpu.enqueue_indirect_dma source(%dma_start3A_262 : memref<10000x128xf32, #tpu.memory_space<hbm>>) target(%arg12 : memref<128x128xf32, #tpu.memory_space<vmem>>) offsets(%dma_start3A_259 : memref<128xi32, #tpu.memory_space<vmem>>) semaphore(%arg14 : memref<!tpu.dma_semaphore, #tpu.memory_space<semaphore_mem>>)
      } else {
      }
      %mul3A_199 = arith.constant 4 : i32
      %mul3A_200 = arith.muli %mul3A_199, %scan3A_145 : i32
      %add3A_201 = arith.constant 2 : i32
      %add3A_202 = arith.addi %mul3A_200, %add3A_201 : i32
      %add3A_203 = arith.constant 1 : i32
      %add3A_204 = arith.addi %add3A_202, %add3A_203 : i32
      %dma_wait3A_205 = arith.constant 0 : i32
      %dma_wait3A_206 = tpu.memref_slice %arg9[%add3A_202, %dma_wait3A_205] : memref<40x128xi32, #tpu.memory_space<vmem>> -> memref<1x128xi32, #tpu.memory_space<vmem>>
      %dma_wait3A_207 = tpu.memref_squeeze %dma_wait3A_206 : memref<1x128xi32, #tpu.memory_space<vmem>> -> memref<128xi32, #tpu.memory_space<vmem>>
      %dma_wait3A_208 = arith.constant 0 : i32
      %dma_wait3A_209 = arith.constant 0 : i32
      %dma_wait3A_210 = tpu.memref_slice %arg2[%dma_wait3A_208, %dma_wait3A_209] : memref<10000x128xf32, #tpu.memory_space<hbm>> -> memref<10000x128xf32, #tpu.memory_space<hbm>>
      tpu.wait_indirect_dma semaphore(%arg13 : memref<!tpu.dma_semaphore, #tpu.memory_space<semaphore_mem>>) src(%dma_wait3A_210 : memref<10000x128xf32, #tpu.memory_space<hbm>>) dst(%arg11 : memref<128x128xf32, #tpu.memory_space<vmem>>)
      %dma_start3A_211 = arith.constant 0 : i32
      %dma_start3A_212 = tpu.memref_slice %arg10[%add3A_202, %dma_start3A_211] : memref<40x128xi32, #tpu.memory_space<vmem>> -> memref<1x128xi32, #tpu.memory_space<vmem>>
      %dma_start3A_213 = tpu.memref_squeeze %dma_start3A_212 : memref<1x128xi32, #tpu.memory_space<vmem>> -> memref<128xi32, #tpu.memory_space<vmem>>
      %dma_start3A_214 = arith.constant 0 : i32
      %dma_start3A_215 = arith.constant 0 : i32
      %dma_start3A_216 = tpu.memref_slice %arg17[%dma_start3A_214, %dma_start3A_215] : memref<10008x128xf32, #tpu.memory_space<vmem_shared>> -> memref<10008x128xf32, #tpu.memory_space<vmem_shared>>
      tpu.enqueue_indirect_dma source(%arg11 : memref<128x128xf32, #tpu.memory_space<vmem>>) target(%dma_start3A_216 : memref<10008x128xf32, #tpu.memory_space<vmem_shared>>) offsets(%dma_start3A_213 : memref<128xi32, #tpu.memory_space<vmem>>) semaphore(%arg15 : memref<!tpu.dma_semaphore, #tpu.memory_space<semaphore_mem>>) {add = true}
      %dma_wait3A_217 = arith.constant 0 : i32
      %dma_wait3A_218 = tpu.memref_slice %arg9[%add3A_204, %dma_wait3A_217] : memref<40x128xi32, #tpu.memory_space<vmem>> -> memref<1x128xi32, #tpu.memory_space<vmem>>
      %dma_wait3A_219 = tpu.memref_squeeze %dma_wait3A_218 : memref<1x128xi32, #tpu.memory_space<vmem>> -> memref<128xi32, #tpu.memory_space<vmem>>
      %dma_wait3A_220 = arith.constant 0 : i32
      %dma_wait3A_221 = arith.constant 0 : i32
      %dma_wait3A_222 = tpu.memref_slice %arg2[%dma_wait3A_220, %dma_wait3A_221] : memref<10000x128xf32, #tpu.memory_space<hbm>> -> memref<10000x128xf32, #tpu.memory_space<hbm>>
      tpu.wait_indirect_dma semaphore(%arg14 : memref<!tpu.dma_semaphore, #tpu.memory_space<semaphore_mem>>) src(%dma_wait3A_222 : memref<10000x128xf32, #tpu.memory_space<hbm>>) dst(%arg12 : memref<128x128xf32, #tpu.memory_space<vmem>>)
      %dma_start3A_223 = arith.constant 0 : i32
      %dma_start3A_224 = tpu.memref_slice %arg10[%add3A_204, %dma_start3A_223] : memref<40x128xi32, #tpu.memory_space<vmem>> -> memref<1x128xi32, #tpu.memory_space<vmem>>
      %dma_start3A_225 = tpu.memref_squeeze %dma_start3A_224 : memref<1x128xi32, #tpu.memory_space<vmem>> -> memref<128xi32, #tpu.memory_space<vmem>>
      %dma_start3A_226 = arith.constant 0 : i32
      %dma_start3A_227 = arith.constant 0 : i32
      %dma_start3A_228 = tpu.memref_slice %arg17[%dma_start3A_226, %dma_start3A_227] : memref<10008x128xf32, #tpu.memory_space<vmem_shared>> -> memref<10008x128xf32, #tpu.memory_space<vmem_shared>>
      tpu.enqueue_indirect_dma source(%arg12 : memref<128x128xf32, #tpu.memory_space<vmem>>) target(%dma_start3A_228 : memref<10008x128xf32, #tpu.memory_space<vmem_shared>>) offsets(%dma_start3A_225 : memref<128xi32, #tpu.memory_space<vmem>>) semaphore(%arg16 : memref<!tpu.dma_semaphore, #tpu.memory_space<semaphore_mem>>) {add = true}
      %dma_wait3A_229 = arith.constant 0 : i32
      %dma_wait3A_230 = tpu.memref_slice %arg10[%add3A_202, %dma_wait3A_229] : memref<40x128xi32, #tpu.memory_space<vmem>> -> memref<1x128xi32, #tpu.memory_space<vmem>>
      %dma_wait3A_231 = tpu.memref_squeeze %dma_wait3A_230 : memref<1x128xi32, #tpu.memory_space<vmem>> -> memref<128xi32, #tpu.memory_space<vmem>>
      %dma_wait3A_232 = arith.constant 0 : i32
      %dma_wait3A_233 = arith.constant 0 : i32
      %dma_wait3A_234 = tpu.memref_slice %arg17[%dma_wait3A_232, %dma_wait3A_233] : memref<10008x128xf32, #tpu.memory_space<vmem_shared>> -> memref<10008x128xf32, #tpu.memory_space<vmem_shared>>
      tpu.wait_indirect_dma semaphore(%arg15 : memref<!tpu.dma_semaphore, #tpu.memory_space<semaphore_mem>>) src(%arg11 : memref<128x128xf32, #tpu.memory_space<vmem>>) dst(%dma_wait3A_234 : memref<10008x128xf32, #tpu.memory_space<vmem_shared>>)
      %add3A_235 = arith.constant 2 : i32
      %add3A_236 = arith.addi %add3A_202, %add3A_235 : i32
      %lt3A_237 = arith.constant 39 : i32
      %lt3A_238 = arith.cmpi slt, %add3A_236, %lt3A_237 : i32
      %convert_element_type3A_239 = arith.extui %lt3A_238 : i1 to i32
      %cond3A_240 = arith.constant 0 : i32
      %cond3A_241 = arith.cmpi ne, %convert_element_type3A_239, %cond3A_240 : i32
      scf.if %cond3A_241 {
        %add3A_255 = arith.constant 2 : i32
        %add3A_256 = arith.addi %add3A_202, %add3A_255 : i32
        %dma_start3A_257 = arith.constant 0 : i32
        %dma_start3A_258 = tpu.memref_slice %arg9[%add3A_256, %dma_start3A_257] : memref<40x128xi32, #tpu.memory_space<vmem>> -> memref<1x128xi32, #tpu.memory_space<vmem>>
        %dma_start3A_259 = tpu.memref_squeeze %dma_start3A_258 : memref<1x128xi32, #tpu.memory_space<vmem>> -> memref<128xi32, #tpu.memory_space<vmem>>
        %dma_start3A_260 = arith.constant 0 : i32
        %dma_start3A_261 = arith.constant 0 : i32
        %dma_start3A_262 = tpu.memref_slice %arg2[%dma_start3A_260, %dma_start3A_261] : memref<10000x128xf32, #tpu.memory_space<hbm>> -> memref<10000x128xf32, #tpu.memory_space<hbm>>
        tpu.enqueue_indirect_dma source(%dma_start3A_262 : memref<10000x128xf32, #tpu.memory_space<hbm>>) target(%arg11 : memref<128x128xf32, #tpu.memory_space<vmem>>) offsets(%dma_start3A_259 : memref<128xi32, #tpu.memory_space<vmem>>) semaphore(%arg13 : memref<!tpu.dma_semaphore, #tpu.memory_space<semaphore_mem>>)
      } else {
      }
      %dma_wait3A_242 = arith.constant 0 : i32
      %dma_wait3A_243 = tpu.memref_slice %arg10[%add3A_204, %dma_wait3A_242] : memref<40x128xi32, #tpu.memory_space<vmem>> -> memref<1x128xi32, #tpu.memory_space<vmem>>
      %dma_wait3A_244 = tpu.memref_squeeze %dma_wait3A_243 : memref<1x128xi32, #tpu.memory_space<vmem>> -> memref<128xi32, #tpu.memory_space<vmem>>
      %dma_wait3A_245 = arith.constant 0 : i32
      %dma_wait3A_246 = arith.constant 0 : i32
      %dma_wait3A_247 = tpu.memref_slice %arg17[%dma_wait3A_245, %dma_wait3A_246] : memref<10008x128xf32, #tpu.memory_space<vmem_shared>> -> memref<10008x128xf32, #tpu.memory_space<vmem_shared>>
      tpu.wait_indirect_dma semaphore(%arg16 : memref<!tpu.dma_semaphore, #tpu.memory_space<semaphore_mem>>) src(%arg12 : memref<128x128xf32, #tpu.memory_space<vmem>>) dst(%dma_wait3A_247 : memref<10008x128xf32, #tpu.memory_space<vmem_shared>>)
      %add3A_248 = arith.constant 2 : i32
      %add3A_249 = arith.addi %add3A_204, %add3A_248 : i32
      %lt3A_250 = arith.constant 39 : i32
      %lt3A_251 = arith.cmpi slt, %add3A_249, %lt3A_250 : i32
      %convert_element_type3A_252 = arith.extui %lt3A_251 : i1 to i32
      %cond3A_253 = arith.constant 0 : i32
      %cond3A_254 = arith.cmpi ne, %convert_element_type3A_252, %cond3A_253 : i32
      scf.if %cond3A_254 {
        %add3A_255 = arith.constant 2 : i32
        %add3A_256 = arith.addi %add3A_204, %add3A_255 : i32
        %dma_start3A_257 = arith.constant 0 : i32
        %dma_start3A_258 = tpu.memref_slice %arg9[%add3A_256, %dma_start3A_257] : memref<40x128xi32, #tpu.memory_space<vmem>> -> memref<1x128xi32, #tpu.memory_space<vmem>>
        %dma_start3A_259 = tpu.memref_squeeze %dma_start3A_258 : memref<1x128xi32, #tpu.memory_space<vmem>> -> memref<128xi32, #tpu.memory_space<vmem>>
        %dma_start3A_260 = arith.constant 0 : i32
        %dma_start3A_261 = arith.constant 0 : i32
        %dma_start3A_262 = tpu.memref_slice %arg2[%dma_start3A_260, %dma_start3A_261] : memref<10000x128xf32, #tpu.memory_space<hbm>> -> memref<10000x128xf32, #tpu.memory_space<hbm>>
        tpu.enqueue_indirect_dma source(%dma_start3A_262 : memref<10000x128xf32, #tpu.memory_space<hbm>>) target(%arg12 : memref<128x128xf32, #tpu.memory_space<vmem>>) offsets(%dma_start3A_259 : memref<128xi32, #tpu.memory_space<vmem>>) semaphore(%arg14 : memref<!tpu.dma_semaphore, #tpu.memory_space<semaphore_mem>>)
      } else {
      }
    }
    %scan3A_75 = arith.constant 9 : i32
    %dma_wait3A_76 = arith.constant 36 : i32
    %dma_wait3A_77 = arith.constant 0 : i32
    %dma_wait3A_78 = tpu.memref_slice %arg9[%dma_wait3A_76, %dma_wait3A_77] : memref<40x128xi32, #tpu.memory_space<vmem>> -> memref<1x128xi32, #tpu.memory_space<vmem>>
    %dma_wait3A_79 = tpu.memref_squeeze %dma_wait3A_78 : memref<1x128xi32, #tpu.memory_space<vmem>> -> memref<128xi32, #tpu.memory_space<vmem>>
    %dma_wait3A_80 = arith.constant 0 : i32
    %dma_wait3A_81 = arith.constant 0 : i32
    %dma_wait3A_82 = tpu.memref_slice %arg2[%dma_wait3A_80, %dma_wait3A_81] : memref<10000x128xf32, #tpu.memory_space<hbm>> -> memref<10000x128xf32, #tpu.memory_space<hbm>>
    tpu.wait_indirect_dma semaphore(%arg13 : memref<!tpu.dma_semaphore, #tpu.memory_space<semaphore_mem>>) src(%dma_wait3A_82 : memref<10000x128xf32, #tpu.memory_space<hbm>>) dst(%arg11 : memref<128x128xf32, #tpu.memory_space<vmem>>)
    %dma_start3A_83 = arith.constant 36 : i32
    %dma_start3A_84 = arith.constant 0 : i32
    %dma_start3A_85 = tpu.memref_slice %arg10[%dma_start3A_83, %dma_start3A_84] : memref<40x128xi32, #tpu.memory_space<vmem>> -> memref<1x128xi32, #tpu.memory_space<vmem>>
    %dma_start3A_86 = tpu.memref_squeeze %dma_start3A_85 : memref<1x128xi32, #tpu.memory_space<vmem>> -> memref<128xi32, #tpu.memory_space<vmem>>
    %dma_start3A_87 = arith.constant 0 : i32
    %dma_start3A_88 = arith.constant 0 : i32
    %dma_start3A_89 = tpu.memref_slice %arg17[%dma_start3A_87, %dma_start3A_88] : memref<10008x128xf32, #tpu.memory_space<vmem_shared>> -> memref<10008x128xf32, #tpu.memory_space<vmem_shared>>
    tpu.enqueue_indirect_dma source(%arg11 : memref<128x128xf32, #tpu.memory_space<vmem>>) target(%dma_start3A_89 : memref<10008x128xf32, #tpu.memory_space<vmem_shared>>) offsets(%dma_start3A_86 : memref<128xi32, #tpu.memory_space<vmem>>) semaphore(%arg15 : memref<!tpu.dma_semaphore, #tpu.memory_space<semaphore_mem>>) {add = true}
    %dma_wait3A_90 = arith.constant 37 : i32
    %dma_wait3A_91 = arith.constant 0 : i32
    %dma_wait3A_92 = tpu.memref_slice %arg9[%dma_wait3A_90, %dma_wait3A_91] : memref<40x128xi32, #tpu.memory_space<vmem>> -> memref<1x128xi32, #tpu.memory_space<vmem>>
    %dma_wait3A_93 = tpu.memref_squeeze %dma_wait3A_92 : memref<1x128xi32, #tpu.memory_space<vmem>> -> memref<128xi32, #tpu.memory_space<vmem>>
    %dma_wait3A_94 = arith.constant 0 : i32
    %dma_wait3A_95 = arith.constant 0 : i32
    %dma_wait3A_96 = tpu.memref_slice %arg2[%dma_wait3A_94, %dma_wait3A_95] : memref<10000x128xf32, #tpu.memory_space<hbm>> -> memref<10000x128xf32, #tpu.memory_space<hbm>>
    tpu.wait_indirect_dma semaphore(%arg14 : memref<!tpu.dma_semaphore, #tpu.memory_space<semaphore_mem>>) src(%dma_wait3A_96 : memref<10000x128xf32, #tpu.memory_space<hbm>>) dst(%arg12 : memref<128x128xf32, #tpu.memory_space<vmem>>)
    %dma_start3A_97 = arith.constant 37 : i32
    %dma_start3A_98 = arith.constant 0 : i32
    %dma_start3A_99 = tpu.memref_slice %arg10[%dma_start3A_97, %dma_start3A_98] : memref<40x128xi32, #tpu.memory_space<vmem>> -> memref<1x128xi32, #tpu.memory_space<vmem>>
    %dma_start3A_100 = tpu.memref_squeeze %dma_start3A_99 : memref<1x128xi32, #tpu.memory_space<vmem>> -> memref<128xi32, #tpu.memory_space<vmem>>
    %dma_start3A_101 = arith.constant 0 : i32
    %dma_start3A_102 = arith.constant 0 : i32
    %dma_start3A_103 = tpu.memref_slice %arg17[%dma_start3A_101, %dma_start3A_102] : memref<10008x128xf32, #tpu.memory_space<vmem_shared>> -> memref<10008x128xf32, #tpu.memory_space<vmem_shared>>
    tpu.enqueue_indirect_dma source(%arg12 : memref<128x128xf32, #tpu.memory_space<vmem>>) target(%dma_start3A_103 : memref<10008x128xf32, #tpu.memory_space<vmem_shared>>) offsets(%dma_start3A_100 : memref<128xi32, #tpu.memory_space<vmem>>) semaphore(%arg16 : memref<!tpu.dma_semaphore, #tpu.memory_space<semaphore_mem>>) {add = true}
    %dma_wait3A_104 = arith.constant 36 : i32
    %dma_wait3A_105 = arith.constant 0 : i32
    %dma_wait3A_106 = tpu.memref_slice %arg10[%dma_wait3A_104, %dma_wait3A_105] : memref<40x128xi32, #tpu.memory_space<vmem>> -> memref<1x128xi32, #tpu.memory_space<vmem>>
    %dma_wait3A_107 = tpu.memref_squeeze %dma_wait3A_106 : memref<1x128xi32, #tpu.memory_space<vmem>> -> memref<128xi32, #tpu.memory_space<vmem>>
    %dma_wait3A_108 = arith.constant 0 : i32
    %dma_wait3A_109 = arith.constant 0 : i32
    %dma_wait3A_110 = tpu.memref_slice %arg17[%dma_wait3A_108, %dma_wait3A_109] : memref<10008x128xf32, #tpu.memory_space<vmem_shared>> -> memref<10008x128xf32, #tpu.memory_space<vmem_shared>>
    tpu.wait_indirect_dma semaphore(%arg15 : memref<!tpu.dma_semaphore, #tpu.memory_space<semaphore_mem>>) src(%arg11 : memref<128x128xf32, #tpu.memory_space<vmem>>) dst(%dma_wait3A_110 : memref<10008x128xf32, #tpu.memory_space<vmem_shared>>)
    %dma_start3A_111 = arith.constant 38 : i32
    %dma_start3A_112 = arith.constant 0 : i32
    %dma_start3A_113 = tpu.memref_slice %arg9[%dma_start3A_111, %dma_start3A_112] : memref<40x128xi32, #tpu.memory_space<vmem>> -> memref<1x128xi32, #tpu.memory_space<vmem>>
    %dma_start3A_114 = tpu.memref_squeeze %dma_start3A_113 : memref<1x128xi32, #tpu.memory_space<vmem>> -> memref<128xi32, #tpu.memory_space<vmem>>
    %dma_start3A_115 = arith.constant 0 : i32
    %dma_start3A_116 = arith.constant 0 : i32
    %dma_start3A_117 = tpu.memref_slice %arg2[%dma_start3A_115, %dma_start3A_116] : memref<10000x128xf32, #tpu.memory_space<hbm>> -> memref<10000x128xf32, #tpu.memory_space<hbm>>
    tpu.enqueue_indirect_dma source(%dma_start3A_117 : memref<10000x128xf32, #tpu.memory_space<hbm>>) target(%arg11 : memref<128x128xf32, #tpu.memory_space<vmem>>) offsets(%dma_start3A_114 : memref<128xi32, #tpu.memory_space<vmem>>) semaphore(%arg13 : memref<!tpu.dma_semaphore, #tpu.memory_space<semaphore_mem>>)
    %dma_wait3A_118 = arith.constant 37 : i32
    %dma_wait3A_119 = arith.constant 0 : i32
    %dma_wait3A_120 = tpu.memref_slice %arg10[%dma_wait3A_118, %dma_wait3A_119] : memref<40x128xi32, #tpu.memory_space<vmem>> -> memref<1x128xi32, #tpu.memory_space<vmem>>
    %dma_wait3A_121 = tpu.memref_squeeze %dma_wait3A_120 : memref<1x128xi32, #tpu.memory_space<vmem>> -> memref<128xi32, #tpu.memory_space<vmem>>
    %dma_wait3A_122 = arith.constant 0 : i32
    %dma_wait3A_123 = arith.constant 0 : i32
    %dma_wait3A_124 = tpu.memref_slice %arg17[%dma_wait3A_122, %dma_wait3A_123] : memref<10008x128xf32, #tpu.memory_space<vmem_shared>> -> memref<10008x128xf32, #tpu.memory_space<vmem_shared>>
    tpu.wait_indirect_dma semaphore(%arg16 : memref<!tpu.dma_semaphore, #tpu.memory_space<semaphore_mem>>) src(%arg12 : memref<128x128xf32, #tpu.memory_space<vmem>>) dst(%dma_wait3A_124 : memref<10008x128xf32, #tpu.memory_space<vmem_shared>>)
    %dma_wait3A_125 = arith.constant 38 : i32
    %dma_wait3A_126 = arith.constant 0 : i32
    %dma_wait3A_127 = tpu.memref_slice %arg9[%dma_wait3A_125, %dma_wait3A_126] : memref<40x128xi32, #tpu.memory_space<vmem>> -> memref<1x128xi32, #tpu.memory_space<vmem>>
    %dma_wait3A_128 = tpu.memref_squeeze %dma_wait3A_127 : memref<1x128xi32, #tpu.memory_space<vmem>> -> memref<128xi32, #tpu.memory_space<vmem>>
    %dma_wait3A_129 = arith.constant 0 : i32
    %dma_wait3A_130 = arith.constant 0 : i32
    %dma_wait3A_131 = tpu.memref_slice %arg2[%dma_wait3A_129, %dma_wait3A_130] : memref<10000x128xf32, #tpu.memory_space<hbm>> -> memref<10000x128xf32, #tpu.memory_space<hbm>>
    tpu.wait_indirect_dma semaphore(%arg13 : memref<!tpu.dma_semaphore, #tpu.memory_space<semaphore_mem>>) src(%dma_wait3A_131 : memref<10000x128xf32, #tpu.memory_space<hbm>>) dst(%arg11 : memref<128x128xf32, #tpu.memory_space<vmem>>)
    %run_scoped3A = arith.constant 38 : i32
    "tpu.region"() ({
      %run_scoped3A_145 = tpu.sem_alloc : memref<!tpu.dma_semaphore, #tpu.memory_space<semaphore_mem>>
      %dma_start3A_146 = arith.constant 0 : i32
      %dma_start3A_147 = tpu.memref_slice %arg10[%run_scoped3A, %dma_start3A_146] : memref<40x128xi32, #tpu.memory_space<vmem>> -> memref<1x128xi32, #tpu.memory_space<vmem>>
      %dma_start3A_148 = tpu.memref_squeeze %dma_start3A_147 : memref<1x128xi32, #tpu.memory_space<vmem>> -> memref<128xi32, #tpu.memory_space<vmem>>
      %dma_start3A_149 = arith.constant 0 : i32
      %dma_start3A_150 = arith.constant 0 : i32
      %dma_start3A_151 = tpu.memref_slice %arg17[%dma_start3A_149, %dma_start3A_150] : memref<10008x128xf32, #tpu.memory_space<vmem_shared>> -> memref<10008x128xf32, #tpu.memory_space<vmem_shared>>
      tpu.enqueue_indirect_dma source(%arg11 : memref<128x128xf32, #tpu.memory_space<vmem>>) target(%dma_start3A_151 : memref<10008x128xf32, #tpu.memory_space<vmem_shared>>) offsets(%dma_start3A_148 : memref<128xi32, #tpu.memory_space<vmem>>) semaphore(%run_scoped3A_145 : memref<!tpu.dma_semaphore, #tpu.memory_space<semaphore_mem>>) {add = true}
      %dma_wait3A_152 = arith.constant 0 : i32
      %dma_wait3A_153 = tpu.memref_slice %arg10[%run_scoped3A, %dma_wait3A_152] : memref<40x128xi32, #tpu.memory_space<vmem>> -> memref<1x128xi32, #tpu.memory_space<vmem>>
      %dma_wait3A_154 = tpu.memref_squeeze %dma_wait3A_153 : memref<1x128xi32, #tpu.memory_space<vmem>> -> memref<128xi32, #tpu.memory_space<vmem>>
      %dma_wait3A_155 = arith.constant 0 : i32
      %dma_wait3A_156 = arith.constant 0 : i32
      %dma_wait3A_157 = tpu.memref_slice %arg17[%dma_wait3A_155, %dma_wait3A_156] : memref<10008x128xf32, #tpu.memory_space<vmem_shared>> -> memref<10008x128xf32, #tpu.memory_space<vmem_shared>>
      tpu.wait_indirect_dma semaphore(%run_scoped3A_145 : memref<!tpu.dma_semaphore, #tpu.memory_space<semaphore_mem>>) src(%arg11 : memref<128x128xf32, #tpu.memory_space<vmem>>) dst(%dma_wait3A_157 : memref<10008x128xf32, #tpu.memory_space<vmem_shared>>)
      tpu.yield
    }) : () -> ()
    %barrier3A_132 = arith.constant 0 : index
    tpu.barrier barrier_id(%barrier3A_132)
    %mul3A_133 = arith.constant 624 : i32
    %mul3A_134 = arith.muli %arg1, %mul3A_133 : i32
    %mul3A_135 = arith.constant 10000 : i32
    %mul3A_136 = arith.muli %arg0, %mul3A_135 : i32
    %mul3A_137 = arith.constant 624 : i32
    %mul3A_138 = arith.muli %arg1, %mul3A_137 : i32
    %add3A_139 = arith.addi %mul3A_136, %mul3A_138 : i32
    "tpu.region"() ({
      %run_scoped3A_145 = tpu.sem_alloc : memref<!tpu.dma_semaphore, #tpu.memory_space<semaphore_mem>>
      %dma_start3A_146 = arith.constant 0 : i32
      %dma_start3A_147 = tpu.memref_slice %arg8[%add3A_139, %dma_start3A_146] : memref<20000x128xf32, #tpu.memory_space<hbm>> -> memref<624x128xf32, #tpu.memory_space<hbm>>
      %dma_start3A_148 = arith.constant 0 : i32
      %dma_start3A_149 = tpu.memref_slice %arg17[%mul3A_134, %dma_start3A_148] : memref<10008x128xf32, #tpu.memory_space<vmem_shared>> -> memref<624x128xf32, #tpu.memory_space<vmem_shared>>
      tpu.enqueue_dma source(%dma_start3A_149 : memref<624x128xf32, #tpu.memory_space<vmem_shared>>) target(%dma_start3A_147 : memref<624x128xf32, #tpu.memory_space<hbm>>) target_semaphore(%run_scoped3A_145 : memref<!tpu.dma_semaphore, #tpu.memory_space<semaphore_mem>>)
      %dma_wait3A_150 = arith.constant 0 : i32
      %dma_wait3A_151 = tpu.memref_slice %arg8[%add3A_139, %dma_wait3A_150] : memref<20000x128xf32, #tpu.memory_space<hbm>> -> memref<624x128xf32, #tpu.memory_space<hbm>>
      %dma_wait3A_152 = arith.constant 0 : i32
      %dma_wait3A_153 = tpu.memref_slice %arg17[%mul3A_134, %dma_wait3A_152] : memref<10008x128xf32, #tpu.memory_space<vmem_shared>> -> memref<624x128xf32, #tpu.memory_space<vmem_shared>>
      tpu.wait_dma2 semaphore(%run_scoped3A_145 : memref<!tpu.dma_semaphore, #tpu.memory_space<semaphore_mem>>) src(%dma_wait3A_153 : memref<624x128xf32, #tpu.memory_space<vmem_shared>>) dst(%dma_wait3A_151 : memref<624x128xf32, #tpu.memory_space<hbm>>)
      tpu.yield
    }) : () -> ()
    %eq3A_140 = arith.constant 0 : i32
    %eq3A_141 = arith.cmpi eq, %arg1, %eq3A_140 : i32
    %convert_element_type3A_142 = arith.extui %eq3A_141 : i1 to i32
    %cond3A_143 = arith.constant 0 : i32
    %cond3A_144 = arith.cmpi ne, %convert_element_type3A_142, %cond3A_143 : i32
    scf.if %cond3A_144 {
      %mul3A_145 = arith.constant 10000 : i32
      %mul3A_146 = arith.muli %arg0, %mul3A_145 : i32
      %add3A_147 = arith.constant 9984 : i32
      %add3A_148 = arith.addi %mul3A_146, %add3A_147 : i32
      "tpu.region"() ({
        %run_scoped3A_149 = tpu.sem_alloc : memref<!tpu.dma_semaphore, #tpu.memory_space<semaphore_mem>>
        %dma_start3A_150 = arith.constant 0 : i32
        %dma_start3A_151 = tpu.memref_slice %arg8[%add3A_148, %dma_start3A_150] : memref<20000x128xf32, #tpu.memory_space<hbm>> -> memref<16x128xf32, #tpu.memory_space<hbm>>
        %dma_start3A_152 = arith.constant 9984 : i32
        %dma_start3A_153 = arith.constant 0 : i32
        %dma_start3A_154 = tpu.memref_slice %arg17[%dma_start3A_152, %dma_start3A_153] : memref<10008x128xf32, #tpu.memory_space<vmem_shared>> -> memref<16x128xf32, #tpu.memory_space<vmem_shared>>
        tpu.enqueue_dma source(%dma_start3A_154 : memref<16x128xf32, #tpu.memory_space<vmem_shared>>) target(%dma_start3A_151 : memref<16x128xf32, #tpu.memory_space<hbm>>) target_semaphore(%run_scoped3A_149 : memref<!tpu.dma_semaphore, #tpu.memory_space<semaphore_mem>>)
        %dma_wait3A_155 = arith.constant 0 : i32
        %dma_wait3A_156 = tpu.memref_slice %arg8[%add3A_148, %dma_wait3A_155] : memref<20000x128xf32, #tpu.memory_space<hbm>> -> memref<16x128xf32, #tpu.memory_space<hbm>>
        %dma_wait3A_157 = arith.constant 9984 : i32
        %dma_wait3A_158 = arith.constant 0 : i32
        %dma_wait3A_159 = tpu.memref_slice %arg17[%dma_wait3A_157, %dma_wait3A_158] : memref<10008x128xf32, #tpu.memory_space<vmem_shared>> -> memref<16x128xf32, #tpu.memory_space<vmem_shared>>
        tpu.wait_dma2 semaphore(%run_scoped3A_149 : memref<!tpu.dma_semaphore, #tpu.memory_space<semaphore_mem>>) src(%dma_wait3A_159 : memref<16x128xf32, #tpu.memory_space<vmem_shared>>) dst(%dma_wait3A_156 : memref<16x128xf32, #tpu.memory_space<hbm>>)
        tpu.yield
      }) : () -> ()
    } else {
    }
    return
  }
}

module attributes {stable_mosaic.version = 14 : i64} {
  func.func @_mlp_kernel(%arg0: i32, %arg1: memref<2000x128xf32, #tpu.memory_space<vmem>>, %arg2: memref<2000x128xf32, #tpu.memory_space<vmem>>, %arg3: memref<2000x128xf32, #tpu.memory_space<vmem>>, %arg4: memref<128x128xf32, #tpu.memory_space<vmem>>, %arg5: memref<1x128xf32, #tpu.memory_space<vmem>>, %arg6: memref<128x128xf32, #tpu.memory_space<vmem>>, %arg7: memref<1x128xf32, #tpu.memory_space<vmem>>, %arg8: memref<2000x128xf32, #tpu.memory_space<vmem>>) attributes {dimension_semantics = [#tpu.dimension_semantics<arbitrary>], iteration_bounds = array<i64: 5>, scalar_prefetch = 0 : i64, scratch_operands = 0 : i64, tpu.core_type = #tpu.core_type<tc>, window_params = [{transform_indices = @transform_0, window_bounds = array<i64: 2000, 128>}, {transform_indices = @transform_1, window_bounds = array<i64: 2000, 128>}, {transform_indices = @transform_2, window_bounds = array<i64: 2000, 128>}, {pipeline_mode = #tpu.pipeline_mode<synchronous>, transform_indices = @transform_3, window_bounds = array<i64: 128, 128>}, {pipeline_mode = #tpu.pipeline_mode<synchronous>, transform_indices = @transform_4, window_bounds = array<i64: 1, 128>}, {pipeline_mode = #tpu.pipeline_mode<synchronous>, transform_indices = @transform_5, window_bounds = array<i64: 128, 128>}, {pipeline_mode = #tpu.pipeline_mode<synchronous>, transform_indices = @transform_6, window_bounds = array<i64: 1, 128>}, {transform_indices = @transform_7, window_bounds = array<i64: 2000, 128>}]} {
    %get3A = arith.constant 0 : index
    %get3A_0 = arith.constant 0 : index
    %get3A_1 = vector.load %arg1[%get3A, %get3A_0] : memref<2000x128xf32, #tpu.memory_space<vmem>>, vector<2000x128xf32>
    %get3A_2 = arith.constant 0 : index
    %get3A_3 = arith.constant 0 : index
    %get3A_4 = vector.load %arg2[%get3A_2, %get3A_3] : memref<2000x128xf32, #tpu.memory_space<vmem>>, vector<2000x128xf32>
    %add3A = arith.addf %get3A_1, %get3A_4 : vector<2000x128xf32>
    %get3A_5 = arith.constant 0 : index
    %get3A_6 = arith.constant 0 : index
    %get3A_7 = vector.load %arg3[%get3A_5, %get3A_6] : memref<2000x128xf32, #tpu.memory_space<vmem>>, vector<2000x128xf32>
    %add3A_8 = arith.addf %add3A, %get3A_7 : vector<2000x128xf32>
    %get3A_9 = arith.constant 0 : index
    %get3A_10 = arith.constant 0 : index
    %get3A_11 = vector.load %arg4[%get3A_9, %get3A_10] : memref<128x128xf32, #tpu.memory_space<vmem>>, vector<128x128xf32>
    %dot_general3A = arith.constant dense<0.000000e+00> : vector<2000x128xf32>
    %dot_general3A_12 = tpu.matmul %add3A_8, %get3A_11, %dot_general3A {dimension_numbers = #tpu.dot_dimension_numbers<[1], [0], [0], [1], [0, 0, 1, 1], [], []>, transpose_lhs_hint = false} : vector<2000x128xf32>, vector<128x128xf32>, vector<2000x128xf32> -> vector<2000x128xf32>
    %get3A_13 = arith.constant 0 : index
    %get3A_14 = arith.constant 0 : index
    %get3A_15 = vector.load %arg5[%get3A_13, %get3A_14] : memref<1x128xf32, #tpu.memory_space<vmem>>, vector<1x128xf32>
    %add3A_16 = vector.broadcast %get3A_15 : vector<1x128xf32> to vector<2000x128xf32>
    %add3A_17 = arith.addf %dot_general3A_12, %add3A_16 : vector<2000x128xf32>
    %max3A = arith.constant 0.000000e+00 : f32
    %max3A_18 = vector.broadcast %max3A : f32 to vector<2000x128xf32>
    %max3A_19 = arith.maximumf %add3A_17, %max3A_18 : vector<2000x128xf32>
    %get3A_20 = arith.constant 0 : index
    %get3A_21 = arith.constant 0 : index
    %get3A_22 = vector.load %arg6[%get3A_20, %get3A_21] : memref<128x128xf32, #tpu.memory_space<vmem>>, vector<128x128xf32>
    %dot_general3A_23 = arith.constant dense<0.000000e+00> : vector<2000x128xf32>
    %dot_general3A_24 = tpu.matmul %max3A_19, %get3A_22, %dot_general3A_23 {dimension_numbers = #tpu.dot_dimension_numbers<[1], [0], [0], [1], [0, 0, 1, 1], [], []>, transpose_lhs_hint = false} : vector<2000x128xf32>, vector<128x128xf32>, vector<2000x128xf32> -> vector<2000x128xf32>
    %get3A_25 = arith.constant 0 : index
    %get3A_26 = arith.constant 0 : index
    %get3A_27 = vector.load %arg7[%get3A_25, %get3A_26] : memref<1x128xf32, #tpu.memory_space<vmem>>, vector<1x128xf32>
    %add3A_28 = vector.broadcast %get3A_27 : vector<1x128xf32> to vector<2000x128xf32>
    %add3A_29 = arith.addf %dot_general3A_24, %add3A_28 : vector<2000x128xf32>
    %max3A_30 = arith.constant 0.000000e+00 : f32
    %max3A_31 = vector.broadcast %max3A_30 : f32 to vector<2000x128xf32>
    %max3A_32 = arith.maximumf %add3A_29, %max3A_31 : vector<2000x128xf32>
    %swap3A = arith.constant 0 : index
    %swap3A_33 = arith.constant 0 : index
    %swap3A_34 = vector.load %arg8[%swap3A, %swap3A_33] : memref<2000x128xf32, #tpu.memory_space<vmem>>, vector<2000x128xf32>
    tpu.vector_store %arg8[%swap3A, %swap3A_33], %max3A_32 {strides = array<i32>} : memref<2000x128xf32, #tpu.memory_space<vmem>>, vector<2000x128xf32>,
    return
  }
  func.func @transform_0(%arg0: i32) -> (i32, i32) {
    %c0_i32 = arith.constant 0 : i32
    %c0_i32_0 = arith.constant 0 : i32
    return %arg0, %c0_i32 : i32, i32
  }
  func.func @transform_1(%arg0: i32) -> (i32, i32) {
    %c0_i32 = arith.constant 0 : i32
    %c0_i32_0 = arith.constant 0 : i32
    return %arg0, %c0_i32 : i32, i32
  }
  func.func @transform_2(%arg0: i32) -> (i32, i32) {
    %add3A = arith.constant 5 : i32
    %add3A_0 = arith.addi %add3A, %arg0 : i32
    %c0_i32 = arith.constant 0 : i32
    %c0_i32_1 = arith.constant 0 : i32
    return %add3A_0, %c0_i32 : i32, i32
  }
  func.func @transform_3(%arg0: i32) -> (i32, i32) {
    %c0_i32 = arith.constant 0 : i32
    %c0_i32_0 = arith.constant 0 : i32
    %c0_i32_1 = arith.constant 0 : i32
    return %c0_i32, %c0_i32_0 : i32, i32
  }
  func.func @transform_4(%arg0: i32) -> (i32, i32) {
    %c0_i32 = arith.constant 0 : i32
    %c0_i32_0 = arith.constant 0 : i32
    %c0_i32_1 = arith.constant 0 : i32
    return %c0_i32, %c0_i32_0 : i32, i32
  }
  func.func @transform_5(%arg0: i32) -> (i32, i32) {
    %c0_i32 = arith.constant 0 : i32
    %c0_i32_0 = arith.constant 0 : i32
    %c0_i32_1 = arith.constant 0 : i32
    return %c0_i32, %c0_i32_0 : i32, i32
  }
  func.func @transform_6(%arg0: i32) -> (i32, i32) {
    %c0_i32 = arith.constant 0 : i32
    %c0_i32_0 = arith.constant 0 : i32
    %c0_i32_1 = arith.constant 0 : i32
    return %c0_i32, %c0_i32_0 : i32, i32
  }
  func.func @transform_7(%arg0: i32) -> (i32, i32) {
    %c0_i32 = arith.constant 0 : i32
    %c0_i32_0 = arith.constant 0 : i32
    return %arg0, %c0_i32 : i32, i32
  }
}

module attributes {stable_mosaic.version = 14 : i64} {
  func.func @_final_kernel(%arg0: i32, %arg1: memref<2000x128xf32, #tpu.memory_space<vmem>>, %arg2: memref<2000x128xf32, #tpu.memory_space<vmem>>, %arg3: memref<2000x128xf32, #tpu.memory_space<vmem>>, %arg4: memref<128x128xf32, #tpu.memory_space<vmem>>, %arg5: memref<1x128xf32, #tpu.memory_space<vmem>>, %arg6: memref<128x128xf32, #tpu.memory_space<vmem>>, %arg7: memref<1x128xf32, #tpu.memory_space<vmem>>, %arg8: memref<2000x1xi32, #tpu.memory_space<vmem>>, %arg9: memref<128x10xf32, #tpu.memory_space<vmem>>, %arg10: memref<128x256xf32, #tpu.memory_space<vmem>>, %arg11: memref<10x256xf32, #tpu.memory_space<vmem>>, %arg12: memref<1x256xf32, #tpu.memory_space<vmem>>, %arg13: memref<1x256xf32, #tpu.memory_space<vmem>>, %arg14: memref<1x256xf32, #tpu.memory_space<vmem>>, %arg15: memref<256x128xf32, #tpu.memory_space<vmem>>, %arg16: memref<1x128xf32, #tpu.memory_space<vmem>>, %arg17: memref<128x128xf32, #tpu.memory_space<vmem>>, %arg18: memref<128x128xf32, #tpu.memory_space<vmem>>, %arg19: memref<128x128xf32, #tpu.memory_space<vmem>>) attributes {dimension_semantics = [#tpu.dimension_semantics<arbitrary>], iteration_bounds = array<i64: 5>, scalar_prefetch = 0 : i64, scratch_operands = 2 : i64, tpu.core_type = #tpu.core_type<tc>, window_params = [{transform_indices = @transform_0, window_bounds = array<i64: 2000, 128>}, {transform_indices = @transform_1, window_bounds = array<i64: 2000, 128>}, {transform_indices = @transform_2, window_bounds = array<i64: 2000, 128>}, {pipeline_mode = #tpu.pipeline_mode<synchronous>, transform_indices = @transform_3, window_bounds = array<i64: 128, 128>}, {pipeline_mode = #tpu.pipeline_mode<synchronous>, transform_indices = @transform_4, window_bounds = array<i64: 1, 128>}, {pipeline_mode = #tpu.pipeline_mode<synchronous>, transform_indices = @transform_5, window_bounds = array<i64: 128, 128>}, {pipeline_mode = #tpu.pipeline_mode<synchronous>, transform_indices = @transform_6, window_bounds = array<i64: 1, 128>}, {transform_indices = @transform_7, window_bounds = array<i64: 2000, 1>}, {pipeline_mode = #tpu.pipeline_mode<synchronous>, transform_indices = @transform_8, window_bounds = array<i64: 128, 10>}, {pipeline_mode = #tpu.pipeline_mode<synchronous>, transform_indices = @transform_9, window_bounds = array<i64: 128, 256>}, {pipeline_mode = #tpu.pipeline_mode<synchronous>, transform_indices = @transform_10, window_bounds = array<i64: 10, 256>}, {pipeline_mode = #tpu.pipeline_mode<synchronous>, transform_indices = @transform_11, window_bounds = array<i64: 1, 256>}, {pipeline_mode = #tpu.pipeline_mode<synchronous>, transform_indices = @transform_12, window_bounds = array<i64: 1, 256>}, {pipeline_mode = #tpu.pipeline_mode<synchronous>, transform_indices = @transform_13, window_bounds = array<i64: 1, 256>}, {pipeline_mode = #tpu.pipeline_mode<synchronous>, transform_indices = @transform_14, window_bounds = array<i64: 256, 128>}, {pipeline_mode = #tpu.pipeline_mode<synchronous>, transform_indices = @transform_15, window_bounds = array<i64: 1, 128>}, {pipeline_mode = #tpu.pipeline_mode<synchronous>, transform_indices = @transform_16, window_bounds = array<i64: 128, 128>}]} {
    %eq3A = arith.constant 0 : i32
    %eq3A_0 = arith.cmpi eq, %arg0, %eq3A : i32
    %convert_element_type3A = arith.extui %eq3A_0 : i1 to i32
    %cond3A = arith.constant 0 : i32
    %cond3A_1 = arith.cmpi ne, %convert_element_type3A, %cond3A : i32
    scf.if %cond3A_1 {
      %broadcast_in_dim3A_62 = arith.constant 0.000000e+00 : f32
      %broadcast_in_dim3A_63 = vector.broadcast %broadcast_in_dim3A_62 : f32 to vector<128x128xf32>
      %swap3A_64 = arith.constant 0 : index
      %swap3A_65 = arith.constant 0 : index
      %swap3A_66 = vector.load %arg18[%swap3A_64, %swap3A_65] : memref<128x128xf32, #tpu.memory_space<vmem>>, vector<128x128xf32>
      tpu.vector_store %arg18[%swap3A_64, %swap3A_65], %broadcast_in_dim3A_63 {strides = array<i32>} : memref<128x128xf32, #tpu.memory_space<vmem>>, vector<128x128xf32>,
      %broadcast_in_dim3A_67 = arith.constant 0.000000e+00 : f32
      %broadcast_in_dim3A_68 = vector.broadcast %broadcast_in_dim3A_67 : f32 to vector<128x128xf32>
      %swap3A_69 = arith.constant 0 : index
      %swap3A_70 = arith.constant 0 : index
      %swap3A_71 = vector.load %arg19[%swap3A_69, %swap3A_70] : memref<128x128xf32, #tpu.memory_space<vmem>>, vector<128x128xf32>
      tpu.vector_store %arg19[%swap3A_69, %swap3A_70], %broadcast_in_dim3A_68 {strides = array<i32>} : memref<128x128xf32, #tpu.memory_space<vmem>>, vector<128x128xf32>,
    } else {
    }
    %get3A = arith.constant 0 : index
    %get3A_2 = arith.constant 0 : index
    %get3A_3 = vector.load %arg1[%get3A, %get3A_2] : memref<2000x128xf32, #tpu.memory_space<vmem>>, vector<2000x128xf32>
    %get3A_4 = arith.constant 0 : index
    %get3A_5 = arith.constant 0 : index
    %get3A_6 = vector.load %arg2[%get3A_4, %get3A_5] : memref<2000x128xf32, #tpu.memory_space<vmem>>, vector<2000x128xf32>
    %add3A = arith.addf %get3A_3, %get3A_6 : vector<2000x128xf32>
    %get3A_7 = arith.constant 0 : index
    %get3A_8 = arith.constant 0 : index
    %get3A_9 = vector.load %arg3[%get3A_7, %get3A_8] : memref<2000x128xf32, #tpu.memory_space<vmem>>, vector<2000x128xf32>
    %add3A_10 = arith.addf %add3A, %get3A_9 : vector<2000x128xf32>
    %get3A_11 = arith.constant 0 : index
    %get3A_12 = arith.constant 0 : index
    %get3A_13 = vector.load %arg4[%get3A_11, %get3A_12] : memref<128x128xf32, #tpu.memory_space<vmem>>, vector<128x128xf32>
    %dot_general3A = arith.constant dense<0.000000e+00> : vector<2000x128xf32>
    %dot_general3A_14 = tpu.matmul %add3A_10, %get3A_13, %dot_general3A {dimension_numbers = #tpu.dot_dimension_numbers<[1], [0], [0], [1], [0, 0, 1, 1], [], []>, transpose_lhs_hint = false} : vector<2000x128xf32>, vector<128x128xf32>, vector<2000x128xf32> -> vector<2000x128xf32>
    %get3A_15 = arith.constant 0 : index
    %get3A_16 = arith.constant 0 : index
    %get3A_17 = vector.load %arg5[%get3A_15, %get3A_16] : memref<1x128xf32, #tpu.memory_space<vmem>>, vector<1x128xf32>
    %add3A_18 = vector.broadcast %get3A_17 : vector<1x128xf32> to vector<2000x128xf32>
    %add3A_19 = arith.addf %dot_general3A_14, %add3A_18 : vector<2000x128xf32>
    %max3A = arith.constant 0.000000e+00 : f32
    %max3A_20 = vector.broadcast %max3A : f32 to vector<2000x128xf32>
    %max3A_21 = arith.maximumf %add3A_19, %max3A_20 : vector<2000x128xf32>
    %get3A_22 = arith.constant 0 : index
    %get3A_23 = arith.constant 0 : index
    %get3A_24 = vector.load %arg6[%get3A_22, %get3A_23] : memref<128x128xf32, #tpu.memory_space<vmem>>, vector<128x128xf32>
    %dot_general3A_25 = arith.constant dense<0.000000e+00> : vector<2000x128xf32>
    %dot_general3A_26 = tpu.matmul %max3A_21, %get3A_24, %dot_general3A_25 {dimension_numbers = #tpu.dot_dimension_numbers<[1], [0], [0], [1], [0, 0, 1, 1], [], []>, transpose_lhs_hint = false} : vector<2000x128xf32>, vector<128x128xf32>, vector<2000x128xf32> -> vector<2000x128xf32>
    %get3A_27 = arith.constant 0 : index
    %get3A_28 = arith.constant 0 : index
    %get3A_29 = vector.load %arg7[%get3A_27, %get3A_28] : memref<1x128xf32, #tpu.memory_space<vmem>>, vector<1x128xf32>
    %add3A_30 = vector.broadcast %get3A_29 : vector<1x128xf32> to vector<2000x128xf32>
    %add3A_31 = arith.addf %dot_general3A_26, %add3A_30 : vector<2000x128xf32>
    %get3A_32 = arith.constant 0 : index
    %get3A_33 = arith.constant 0 : index
    %get3A_34 = vector.load %arg8[%get3A_32, %get3A_33] : memref<2000x1xi32, #tpu.memory_space<vmem>>, vector<2000x1xi32>
    %iota3A = tpu.iota {dimensions = array<i32: 1>} : vector<2000x128xi32>
    %eq3A_35 = vector.broadcast %get3A_34 : vector<2000x1xi32> to vector<2000x128xi32>
    %eq3A_36 = arith.cmpi eq, %eq3A_35, %iota3A : vector<2000x128xi32>
    %convert_element_type3A_37 = arith.extui %eq3A_36 : vector<2000x128xi1> to vector<2000x128xi32>
    %convert_element_type3A_38 = arith.sitofp %convert_element_type3A_37 : vector<2000x128xi32> to vector<2000x128xf32>
    %get3A_39 = arith.constant 0 : index
    %get3A_40 = arith.constant 0 : index
    %get3A_41 = vector.load %arg18[%get3A_39, %get3A_40] : memref<128x128xf32, #tpu.memory_space<vmem>>, vector<128x128xf32>
    %dot_general3A_42 = arith.constant dense<0.000000e+00> : vector<128x128xf32>
    %dot_general3A_43 = tpu.matmul %convert_element_type3A_38, %add3A_31, %dot_general3A_42 {dimension_numbers = #tpu.dot_dimension_numbers<[0], [0], [1], [1], [0, 1, 1, 1], [], []>, precision = #tpu.contract_precision<fp32>, transpose_lhs_hint = false} : vector<2000x128xf32>, vector<2000x128xf32>, vector<128x128xf32> -> vector<128x128xf32>
    %add3A_44 = arith.addf %get3A_41, %dot_general3A_43 : vector<128x128xf32>
    %swap3A = arith.constant 0 : index
    %swap3A_45 = arith.constant 0 : index
    %swap3A_46 = vector.load %arg18[%swap3A, %swap3A_45] : memref<128x128xf32, #tpu.memory_space<vmem>>, vector<128x128xf32>
    tpu.vector_store %arg18[%swap3A, %swap3A_45], %add3A_44 {strides = array<i32>} : memref<128x128xf32, #tpu.memory_space<vmem>>, vector<128x128xf32>,
    %get3A_47 = arith.constant 0 : index
    %get3A_48 = arith.constant 0 : index
    %get3A_49 = vector.load %arg19[%get3A_47, %get3A_48] : memref<128x128xf32, #tpu.memory_space<vmem>>, vector<128x128xf32>
    %broadcast_in_dim3A = arith.constant 1.000000e+00 : f32
    %broadcast_in_dim3A_50 = vector.broadcast %broadcast_in_dim3A : f32 to vector<2000x128xf32>
    %dot_general3A_51 = arith.constant dense<0.000000e+00> : vector<128x128xf32>
    %dot_general3A_52 = tpu.matmul %convert_element_type3A_38, %broadcast_in_dim3A_50, %dot_general3A_51 {dimension_numbers = #tpu.dot_dimension_numbers<[0], [0], [1], [1], [0, 1, 1, 1], [], []>, precision = #tpu.contract_precision<fp32>, transpose_lhs_hint = false} : vector<2000x128xf32>, vector<2000x128xf32>, vector<128x128xf32> -> vector<128x128xf32>
    %add3A_53 = arith.addf %get3A_49, %dot_general3A_52 : vector<128x128xf32>
    %swap3A_54 = arith.constant 0 : index
    %swap3A_55 = arith.constant 0 : index
    %swap3A_56 = vector.load %arg19[%swap3A_54, %swap3A_55] : memref<128x128xf32, #tpu.memory_space<vmem>>, vector<128x128xf32>
    tpu.vector_store %arg19[%swap3A_54, %swap3A_55], %add3A_53 {strides = array<i32>} : memref<128x128xf32, #tpu.memory_space<vmem>>, vector<128x128xf32>,
    %eq3A_57 = arith.constant 4 : i32
    %eq3A_58 = arith.cmpi eq, %arg0, %eq3A_57 : i32
    %convert_element_type3A_59 = arith.extui %eq3A_58 : i1 to i32
    %cond3A_60 = arith.constant 0 : i32
    %cond3A_61 = arith.cmpi ne, %convert_element_type3A_59, %cond3A_60 : i32
    scf.if %cond3A_61 {
      %get3A_62 = arith.constant 0 : index
      %get3A_63 = arith.constant 0 : index
      %get3A_64 = vector.load %arg19[%get3A_62, %get3A_63] : memref<128x128xf32, #tpu.memory_space<vmem>>, vector<128x128xf32>
      %max3A_65 = arith.constant 1.000000e+00 : f32
      %max3A_66 = vector.broadcast %max3A_65 : f32 to vector<128x128xf32>
      %max3A_67 = arith.maximumf %get3A_64, %max3A_66 : vector<128x128xf32>
      %get3A_68 = arith.constant 0 : index
      %get3A_69 = arith.constant 0 : index
      %get3A_70 = vector.load %arg18[%get3A_68, %get3A_69] : memref<128x128xf32, #tpu.memory_space<vmem>>, vector<128x128xf32>
      %div3A = arith.divf %get3A_70, %max3A_67 : vector<128x128xf32>
      %get3A_71 = arith.constant 0 : index
      %get3A_72 = arith.constant 0 : index
      %get3A_73 = vector.load %arg10[%get3A_71, %get3A_72] : memref<128x256xf32, #tpu.memory_space<vmem>>, vector<128x256xf32>
      %dot_general3A_74 = arith.constant dense<0.000000e+00> : vector<128x256xf32>
      %dot_general3A_75 = tpu.matmul %div3A, %get3A_73, %dot_general3A_74 {dimension_numbers = #tpu.dot_dimension_numbers<[1], [0], [0], [1], [0, 0, 1, 1], [], []>, transpose_lhs_hint = false} : vector<128x128xf32>, vector<128x256xf32>, vector<128x256xf32> -> vector<128x256xf32>
      %get3A_76 = arith.constant 0 : index
      %get3A_77 = arith.constant 0 : index
      %get3A_78 = vector.load %arg9[%get3A_76, %get3A_77] : memref<128x10xf32, #tpu.memory_space<vmem>>, vector<128x10xf32>
      %get3A_79 = arith.constant 0 : index
      %get3A_80 = arith.constant 0 : index
      %get3A_81 = vector.load %arg11[%get3A_79, %get3A_80] : memref<10x256xf32, #tpu.memory_space<vmem>>, vector<10x256xf32>
      %dot_general3A_82 = arith.constant dense<0.000000e+00> : vector<128x256xf32>
      %dot_general3A_83 = tpu.matmul %get3A_78, %get3A_81, %dot_general3A_82 {dimension_numbers = #tpu.dot_dimension_numbers<[1], [0], [0], [1], [0, 0, 1, 1], [], []>, transpose_lhs_hint = false} : vector<128x10xf32>, vector<10x256xf32>, vector<128x256xf32> -> vector<128x256xf32>
      %add3A_84 = arith.addf %dot_general3A_75, %dot_general3A_83 : vector<128x256xf32>
      %get3A_85 = arith.constant 0 : index
      %get3A_86 = arith.constant 0 : index
      %get3A_87 = vector.load %arg12[%get3A_85, %get3A_86] : memref<1x256xf32, #tpu.memory_space<vmem>>, vector<1x256xf32>
      %add3A_88 = vector.broadcast %get3A_87 : vector<1x256xf32> to vector<128x256xf32>
      %add3A_89 = arith.addf %add3A_84, %add3A_88 : vector<128x256xf32>
      %reduce_sum3A = arith.constant dense<0.000000e+00> : vector<256xf32>
      %reduce_sum3A_90 = vector.multi_reduction <add>, %add3A_89, %reduce_sum3A [0] : vector<128x256xf32> to vector<256xf32>
      %broadcast_in_dim3A_91 = vector.shape_cast %reduce_sum3A_90 : vector<256xf32> to vector<1x256xf32>
      %div3A_92 = arith.constant 1.280000e+02 : f32
      %div3A_93 = vector.broadcast %div3A_92 : f32 to vector<1x256xf32>
      %div3A_94 = arith.divf %broadcast_in_dim3A_91, %div3A_93 : vector<1x256xf32>
      %sub3A = vector.broadcast %div3A_94 : vector<1x256xf32> to vector<128x256xf32>
      %sub3A_95 = arith.subf %add3A_89, %sub3A : vector<128x256xf32>
      %integer_pow3A = arith.mulf %sub3A_95, %sub3A_95 : vector<128x256xf32>
      %reduce_sum3A_96 = arith.constant dense<0.000000e+00> : vector<256xf32>
      %reduce_sum3A_97 = vector.multi_reduction <add>, %integer_pow3A, %reduce_sum3A_96 [0] : vector<128x256xf32> to vector<256xf32>
      %broadcast_in_dim3A_98 = vector.shape_cast %reduce_sum3A_97 : vector<256xf32> to vector<1x256xf32>
      %div3A_99 = arith.constant 1.280000e+02 : f32
      %div3A_100 = vector.broadcast %div3A_99 : f32 to vector<1x256xf32>
      %div3A_101 = arith.divf %broadcast_in_dim3A_98, %div3A_100 : vector<1x256xf32>
      %sub3A_102 = vector.broadcast %div3A_94 : vector<1x256xf32> to vector<128x256xf32>
      %sub3A_103 = arith.subf %add3A_89, %sub3A_102 : vector<128x256xf32>
      %add3A_104 = arith.constant 9.99999974E-6 : f32
      %add3A_105 = vector.broadcast %add3A_104 : f32 to vector<1x256xf32>
      %add3A_106 = arith.addf %div3A_101, %add3A_105 : vector<1x256xf32>
      %sqrt3A = math.sqrt %add3A_106 : vector<1x256xf32>
      %div3A_107 = vector.broadcast %sqrt3A : vector<1x256xf32> to vector<128x256xf32>
      %div3A_108 = arith.divf %sub3A_103, %div3A_107 : vector<128x256xf32>
      %get3A_109 = arith.constant 0 : index
      %get3A_110 = arith.constant 0 : index
      %get3A_111 = vector.load %arg13[%get3A_109, %get3A_110] : memref<1x256xf32, #tpu.memory_space<vmem>>, vector<1x256xf32>
      %mul3A = vector.broadcast %get3A_111 : vector<1x256xf32> to vector<128x256xf32>
      %mul3A_112 = arith.mulf %div3A_108, %mul3A : vector<128x256xf32>
      %get3A_113 = arith.constant 0 : index
      %get3A_114 = arith.constant 0 : index
      %get3A_115 = vector.load %arg14[%get3A_113, %get3A_114] : memref<1x256xf32, #tpu.memory_space<vmem>>, vector<1x256xf32>
      %add3A_116 = vector.broadcast %get3A_115 : vector<1x256xf32> to vector<128x256xf32>
      %add3A_117 = arith.addf %mul3A_112, %add3A_116 : vector<128x256xf32>
      %max3A_118 = arith.constant 0.000000e+00 : f32
      %max3A_119 = vector.broadcast %max3A_118 : f32 to vector<128x256xf32>
      %max3A_120 = arith.maximumf %add3A_117, %max3A_119 : vector<128x256xf32>
      %get3A_121 = arith.constant 0 : index
      %get3A_122 = arith.constant 0 : index
      %get3A_123 = vector.load %arg15[%get3A_121, %get3A_122] : memref<256x128xf32, #tpu.memory_space<vmem>>, vector<256x128xf32>
      %dot_general3A_124 = arith.constant dense<0.000000e+00> : vector<128x128xf32>
      %dot_general3A_125 = tpu.matmul %max3A_120, %get3A_123, %dot_general3A_124 {dimension_numbers = #tpu.dot_dimension_numbers<[1], [0], [0], [1], [0, 0, 1, 1], [], []>, transpose_lhs_hint = false} : vector<128x256xf32>, vector<256x128xf32>, vector<128x128xf32> -> vector<128x128xf32>
      %get3A_126 = arith.constant 0 : index
      %get3A_127 = arith.constant 0 : index
      %get3A_128 = vector.load %arg16[%get3A_126, %get3A_127] : memref<1x128xf32, #tpu.memory_space<vmem>>, vector<1x128xf32>
      %add3A_129 = vector.broadcast %get3A_128 : vector<1x128xf32> to vector<128x128xf32>
      %add3A_130 = arith.addf %dot_general3A_125, %add3A_129 : vector<128x128xf32>
      %logistic3A = arith.negf %add3A_130 : vector<128x128xf32>
      %logistic3A_131 = math.exp %logistic3A : vector<128x128xf32>
      %logistic3A_132 = arith.constant 1.000000e+00 : f32
      %logistic3A_133 = vector.broadcast %logistic3A_132 : f32 to vector<128x128xf32>
      %logistic3A_134 = arith.addf %logistic3A_133, %logistic3A_131 : vector<128x128xf32>
      %logistic3A_135 = arith.divf %logistic3A_133, %logistic3A_134 : vector<128x128xf32>
      %swap3A_136 = arith.constant 0 : index
      %swap3A_137 = arith.constant 0 : index
      %swap3A_138 = vector.load %arg17[%swap3A_136, %swap3A_137] : memref<128x128xf32, #tpu.memory_space<vmem>>, vector<128x128xf32>
      tpu.vector_store %arg17[%swap3A_136, %swap3A_137], %logistic3A_135 {strides = array<i32>} : memref<128x128xf32, #tpu.memory_space<vmem>>, vector<128x128xf32>,
    } else {
    }
    return
  }
  func.func @transform_0(%arg0: i32) -> (i32, i32) {
    %c0_i32 = arith.constant 0 : i32
    %c0_i32_0 = arith.constant 0 : i32
    return %arg0, %c0_i32 : i32, i32
  }
  func.func @transform_1(%arg0: i32) -> (i32, i32) {
    %c0_i32 = arith.constant 0 : i32
    %c0_i32_0 = arith.constant 0 : i32
    return %arg0, %c0_i32 : i32, i32
  }
  func.func @transform_2(%arg0: i32) -> (i32, i32) {
    %add3A = arith.constant 5 : i32
    %add3A_0 = arith.addi %add3A, %arg0 : i32
    %c0_i32 = arith.constant 0 : i32
    %c0_i32_1 = arith.constant 0 : i32
    return %add3A_0, %c0_i32 : i32, i32
  }
  func.func @transform_3(%arg0: i32) -> (i32, i32) {
    %c0_i32 = arith.constant 0 : i32
    %c0_i32_0 = arith.constant 0 : i32
    %c0_i32_1 = arith.constant 0 : i32
    return %c0_i32, %c0_i32_0 : i32, i32
  }
  func.func @transform_4(%arg0: i32) -> (i32, i32) {
    %c0_i32 = arith.constant 0 : i32
    %c0_i32_0 = arith.constant 0 : i32
    %c0_i32_1 = arith.constant 0 : i32
    return %c0_i32, %c0_i32_0 : i32, i32
  }
  func.func @transform_5(%arg0: i32) -> (i32, i32) {
    %c0_i32 = arith.constant 0 : i32
    %c0_i32_0 = arith.constant 0 : i32
    %c0_i32_1 = arith.constant 0 : i32
    return %c0_i32, %c0_i32_0 : i32, i32
  }
  func.func @transform_6(%arg0: i32) -> (i32, i32) {
    %c0_i32 = arith.constant 0 : i32
    %c0_i32_0 = arith.constant 0 : i32
    %c0_i32_1 = arith.constant 0 : i32
    return %c0_i32, %c0_i32_0 : i32, i32
  }
  func.func @transform_7(%arg0: i32) -> (i32, i32) {
    %c0_i32 = arith.constant 0 : i32
    %c0_i32_0 = arith.constant 0 : i32
    return %arg0, %c0_i32 : i32, i32
  }
  func.func @transform_8(%arg0: i32) -> (i32, i32) {
    %c0_i32 = arith.constant 0 : i32
    %c0_i32_0 = arith.constant 0 : i32
    %c0_i32_1 = arith.constant 0 : i32
    return %c0_i32, %c0_i32_0 : i32, i32
  }
  func.func @transform_9(%arg0: i32) -> (i32, i32) {
    %c0_i32 = arith.constant 0 : i32
    %c0_i32_0 = arith.constant 0 : i32
    %c0_i32_1 = arith.constant 0 : i32
    return %c0_i32, %c0_i32_0 : i32, i32
  }
  func.func @transform_10(%arg0: i32) -> (i32, i32) {
    %c0_i32 = arith.constant 0 : i32
    %c0_i32_0 = arith.constant 0 : i32
    %c0_i32_1 = arith.constant 0 : i32
    return %c0_i32, %c0_i32_0 : i32, i32
  }
  func.func @transform_11(%arg0: i32) -> (i32, i32) {
    %c0_i32 = arith.constant 0 : i32
    %c0_i32_0 = arith.constant 0 : i32
    %c0_i32_1 = arith.constant 0 : i32
    return %c0_i32, %c0_i32_0 : i32, i32
  }
  func.func @transform_12(%arg0: i32) -> (i32, i32) {
    %c0_i32 = arith.constant 0 : i32
    %c0_i32_0 = arith.constant 0 : i32
    %c0_i32_1 = arith.constant 0 : i32
    return %c0_i32, %c0_i32_0 : i32, i32
  }
  func.func @transform_13(%arg0: i32) -> (i32, i32) {
    %c0_i32 = arith.constant 0 : i32
    %c0_i32_0 = arith.constant 0 : i32
    %c0_i32_1 = arith.constant 0 : i32
    return %c0_i32, %c0_i32_0 : i32, i32
  }
  func.func @transform_14(%arg0: i32) -> (i32, i32) {
    %c0_i32 = arith.constant 0 : i32
    %c0_i32_0 = arith.constant 0 : i32
    %c0_i32_1 = arith.constant 0 : i32
    return %c0_i32, %c0_i32_0 : i32, i32
  }
  func.func @transform_15(%arg0: i32) -> (i32, i32) {
    %c0_i32 = arith.constant 0 : i32
    %c0_i32_0 = arith.constant 0 : i32
    %c0_i32_1 = arith.constant 0 : i32
    return %c0_i32, %c0_i32_0 : i32, i32
  }
  func.func @transform_16(%arg0: i32) -> (i32, i32) {
    %c0_i32 = arith.constant 0 : i32
    %c0_i32_0 = arith.constant 0 : i32
    %c0_i32_1 = arith.constant 0 : i32
    return %c0_i32, %c0_i32_0 : i32, i32
  }
}

</mosaic_0001>

<sc_bundles>
// kernel: kernel.6.cloned.1.call-start
scs
__scs_entry_jumppad:
0x0: {  	(pc) =	sbr.rel $0x88, $3  }
0x1: {  	(tag) =	ssettag $0x0;
	lr =	simm.s32 $0x1  }
0x2: {  	[smem:$0x3F8F] =	sst lr;
	_ =	strace $0xD0000000  }
0x3: {  	_ = 	snop  }
0x4: {  	_ = 	snop  }
0x5: {  	_ = 	snop  }
0x6: {  	_ = 	snop  }
0x7: {  	_ = 	snop  }
__scs_overlays_trampoline_lowered:
0x8: {  	[smem:$0x3F9E] =	sst s0  }
0x9: {  	[smem:$0x3F9F] =	sst s1  }
0xa: {  	[smem:$0x3FA0] =	sst s2  }
0xb: {  	[smem:$0x3FA1] =	sst s3  }
0xc: {  	[smem:$0x3FA2] =	sst s4  }
0xd: {  	[smem:$0x3FA3] =	sst s5  }
0xe: {  	[smem:$0x3FA4] =	sst s6  }
0xf: {  	[smem:$0x3FA5] =	sst s7  }
0x10: {  	[smem:$0x3FA6] =	sst s8  }
0x11: {  	[smem:$0x3FA7] =	sst s9;
	s0 =	simm.s32 @!p0 $0x0  }
0x12: {  	s1 =	sld [smem:$0x3F8D];
	s0 =	simm.s32 @p0 $0x1  }
0x13: {  	[smem:$0x3FA8] =	sst s0;
	s0 =	simm.s32 @!p1 $0x0  }
0x14: {  	s2 =	sld [smem:$0x3F8C];
	s0 =	simm.s32 @p1 $0x1  }
0x15: {  	[smem:$0x3FA9] =	sst s0;
	s0 =	simm.s32 @!p2 $0x0  }
0x16: {  	s3 =	sld [smem:$0x3FDB];
	s0 =	simm.s32 @p2 $0x1  }
0x17: {  	s4 =	simm.s32 $0x1BF5;
	[smem:$0x3FAB] =	sst s0  }
0x18: {  	s0 =	sld [smem:$0x3F8E];
	_ =	swait.ge [sflag:s4], $0x0  }
0x19: {  	s7 =	sld [smem:$0x3F8F]  }
0x1a: {  	s8 =	sadd.s32 $0xFFFFE003, lr  }
0x1b: {  	s9 =	sadd.s32 $0xFFFFFEF7, lr;
	s5 =	simm.s32 $0xFFFFFFFF;
	p2 =	slt.u32 s8, $0xFFFFF086  }
0x1c: {  	p1 =	slt.u32 s9, $0xF7A;
	s5 =	simm.s32 @!p2 $0x0  }
0x1d: {  	s5 =	simm.s32 @p1 $0x1;
	p0 =	seq.s32 s7, s2  }
0x1e: {  	s7 =	smul.u32 @!p0 $0xF7A, s2;
	p2 =	seq.s32 @!p0 s5, $0x0  }
0x1f: {  	s9 =	smul.u32 $0xF7A, s1;
	s8 =	simm.s32 @!p0 $0x1BF5;
	p2 =	por !p2, p0  }
0x20: {  	[sflag:s8] =	ssyncset.s32 @!p0 $0xFFFFF086;
	s6 =	sadd.s32 @!p0 s3, s7;
	s7 =	simm.s32 @!p0 $0x108  }
0x21: {  	s3 =	sadd.s32 s3, s9;
	s6 =	sadd.s32 @!p0 $0x88, s6;
	s7 =	simm.s32 @p2 $0x1082  }
0x22: {  	[simem:s7], [sflag:s8] =	dma.local @!p0 [hbm:s6], $0xF7A  }
0x23: {  	s9 =	sor.u32 $0xD0000000, s2;
	s6 =	simm.s32 $0x108;
	_ =	swait.ge @!p0 [sflag:s8], $0x0  }
0x24: {  	s3 =	sadd.s32 $0x88, s3;
	s6 =	simm.s32 @!p1 $0x1082;
	[sflag:s4] =	ssyncset.s32 $0xFFFFF086  }
0x25: {  	[simem:s6], [sflag:s4] =	dma.local [hbm:s3], $0xF7A  }
0x26: {  	[smem:$0x3F8F] =	sst s1;
	(tag) =	ssettag s2;
	_ =	strace s9  }
0x27: {  	s1 =	sld [smem:$0x3F9F]  }
0x28: {  	s2 =	sld [smem:$0x3FA0]  }
0x29: {  	s4 =	sld [smem:$0x3FA2]  }
0x2a: {  	p0 =	seq.s32 s5, $0x0;
	s5 =	sld [smem:$0x3FA3]  }
0x2b: {  	s6 =	sld [smem:$0x3FA4]  }
0x2c: {  	s7 =	sld [smem:$0x3FA5]  }
0x2d: {  	s3 =	simm.s32 $0x108;
	s8 =	sld [smem:$0x3FA6]  }
0x2e: {  	s3 =	simm.s32 @!p0 $0x1082;
	s9 =	sld [smem:$0x3FA7]  }
0x2f: {  	lr =	sadd.s32 s0, s3;
	s0 =	sld [smem:$0x3F9E]  }
0x30: {  	s3 =	sld [smem:$0x3FA1]  }
0x31: {  	[smem:$0x3FAA] =	sst s10  }
0x32: {  	s10 =	sld [smem:$0x3FA8];
	_ =	sdelay $0x3  }
0x33: {  	p0 =	seq.s32 s10, $0x1;
	s10 =	sld [smem:$0x3FAA];
	_ =	sdelay $0x3  }
0x34: {  	[smem:$0x3FAA] =	sst s10  }
0x35: {  	s10 =	sld [smem:$0x3FA9];
	_ =	sdelay $0x3  }
0x36: {  	p1 =	seq.s32 s10, $0x1;
	s10 =	sld [smem:$0x3FAA];
	_ =	sdelay $0x3  }
0x37: {  	[smem:$0x3FAA] =	sst s10  }
0x38: {  	s10 =	sld [smem:$0x3FAB]  }
0x39: {  	_ = 	snop;
	(pc) =	sbr.ind lr, $3  }
0x3a: {  	_ = 	snop  }
0x3b: {  	_ = 	snop  }
0x3c: {  	p2 =	seq.s32 s10, $0x1;
	s10 =	sld [smem:$0x3FAA]  }
0x3d: {  	_ =	shalt  }
0x3e: {  	_ =	shalt  }
0x3f: {  	_ =	shalt  }
0x40: {  	_ =	shalt  }
0x41: {  	_ =	shalt  }
0x42: {  	_ =	shalt  }
0x43: {  	_ =	shalt  }
0x44: {  	_ =	shalt  }
0x45: {  	_ =	shalt  }
0x46: {  	_ =	shalt  }
0x47: {  	_ =	shalt  }
0x48: {  	_ =	shalt  }
0x49: {  	_ =	shalt  }
0x4a: {  	_ =	shalt  }
0x4b: {  	_ =	shalt  }
0x4c: {  	_ =	shalt  }
0x4d: {  	_ =	shalt  }
0x4e: {  	_ =	shalt  }
0x4f: {  	_ =	shalt  }
0x50: {  	_ =	shalt  }
0x51: {  	_ =	shalt  }
0x52: {  	_ =	shalt  }
0x53: {  	_ =	shalt  }
0x54: {  	_ =	shalt  }
0x55: {  	_ =	shalt  }
0x56: {  	_ =	shalt  }
0x57: {  	_ =	shalt  }
0x58: {  	_ =	shalt  }
0x59: {  	_ =	shalt  }
0x5a: {  	_ =	shalt  }
0x5b: {  	_ =	shalt  }
0x5c: {  	_ =	shalt  }
0x5d: {  	_ =	shalt  }
0x5e: {  	_ =	shalt  }
0x5f: {  	_ =	shalt  }
0x60: {  	_ =	shalt  }
0x61: {  	_ =	shalt  }
0x62: {  	_ =	shalt  }
0x63: {  	_ =	shalt  }
0x64: {  	_ =	shalt  }
0x65: {  	_ =	shalt  }
0x66: {  	_ =	shalt  }
0x67: {  	_ =	shalt  }
0x68: {  	_ =	shalt  }
0x69: {  	_ =	shalt  }
0x6a: {  	_ =	shalt  }
0x6b: {  	_ =	shalt  }
0x6c: {  	_ =	shalt  }
0x6d: {  	_ =	shalt  }
0x6e: {  	_ =	shalt  }
0x6f: {  	_ =	shalt  }
0x70: {  	_ =	shalt  }
0x71: {  	_ =	shalt  }
0x72: {  	_ =	shalt  }
0x73: {  	_ =	shalt  }
0x74: {  	_ =	shalt  }
0x75: {  	_ =	shalt  }
0x76: {  	_ =	shalt  }
0x77: {  	_ =	shalt  }
0x78: {  	_ =	shalt  }
0x79: {  	_ =	shalt  }
0x7a: {  	_ =	shalt  }
0x7b: {  	_ =	shalt  }
0x7c: {  	_ =	shalt  }
0x7d: {  	_ =	shalt  }
0x7e: {  	_ =	shalt  }
0x7f: {  	_ =	shalt  }
0x80: {  	_ =	shalt  }
0x81: {  	_ =	shalt  }
0x82: {  	_ =	shalt  }
0x83: {  	_ =	shalt  }
0x84: {  	_ =	shalt  }
0x85: {  	_ =	shalt  }
0x86: {  	_ =	shalt  }
0x87: {  	_ =	shalt  }
.Lfunc_end0:
.L_simem_size_0:
called_computation_lowered:
.L_overlay_start_0:
0x88: {  	s2 =	sld [smem:$0x3FD9]  }
0x89: {  	s3 =	sld [smem:$0x3FFE];
	_ =	sdelay $0x1  }
0x8a: {  	s1 =	srdreg.scid  }
0x8b: {  	s0 =	sand.u32 $0x1, s1  }
0x8c: {  	s17 =	sshll.u32 s0, $0xA;
	s2 =	sadd.s32 s3, s2  }
0x8d: {  	s2 =	sadd.s32 s2, s17  }
0x8e: {  	[smem:$0x3FB6] =	sst s2  }
0x8f: {  	_ = 	snop  }
0x90: {  	s2 =	sld [smem:$0x3FC9];
	(tm) =	ssettm $0x1  }
0x91: {  	s18 =	sld [smem:$0x3FFB];
	_ =	sdelay $0x3  }
0x92: {  	_ =	strace s18  }
0x93: {  	s3 =	sld [smem:$0x3FFC];
	_ =	sdelay $0x3  }
0x94: {  	_ =	strace s3  }
0x95: {  	s3 =	sld [smem:$0x3FFD];
	_ =	sdelay $0x3  }
0x96: {  	_ =	strace s3  }
0x97: {  	_ =	strace $0x8FFFFFFF  }
0x98: {  	s19 =	sld [smem:$0x3FDB];
	_ =	sdelay $0x1  }
0x99: {  	s4 =	simm.s32 $_scs_section_size  }
0x9a: {  	s5 =	simm.s32 $_size__tile_overlayer_lowered;
	s6 =	simm.s32 $_tile_overlayer_lowered  }
0x9b: {  	s22 =	simm.s32 $0x1BFF;
	s21 =	sshll.u32 s6, $0x1;
	s3 =	sadd.s32 s4, s19  }
0x9c: {  	s7 =	simm.s32 $0x0;
	s20 =	sshll.u32 s5, $0x1;
	s5 =	sadd.s32 s21, s3  }
0x9d: {  	[timem:s7], [sflag:s22] =	dma.local [hbm:s5], s20  }
0x9e: {  	_ =	swait.ge [sflag:s22], s20  }
0x9f: {  	s4 =	ssub.s32 $0x0, s20;
	[sflag:s22] =	ssyncset.done $0x0  }
0xa0: {  	[sflag:s22] =	ssyncadd.s32 s4;
	_ =	sdelay $0x1  }
0xa1: {  	s23 =	simm.s32 $0x1B8B  }
0xa2: {  	_ =	swait.ge [sflag:s23], $0x1  }
0xa3: {  	[sflag:s23] =	ssyncset.done $0x0  }
0xa4: {  	s25 =	simm.s32 $0x1B8E;
	s24 =	sld [smem:$0x3FFE];
	[sflag:s23] =	ssyncadd.s32 $0xFFFFFFFF  }
0xa5: {  	s26 =	simm.s32 $execute0_lowered;
	[smem:$0x3FD2] =	sst s25  }
0xa6: {  	s5 =	sshll.u32 s26, $0x1;
	_ =	strace $0x80000046;
	[dreg:$0x1] =	wrdreg $0xFFFFFFFF  }
0xa7: {  	s28 =	simm.s32 $_size_execute0_lowered;
	s3 =	sadd.s32 s3, s5;
	[dreg:$0x0] =	wrdreg $0x0  }
0xa8: {  	s5 =	sshll.u32 s28, $0x1;
	[dreg:$0x2] =	wrdreg s3  }
0xa9: {  	[dreg:$0x3] =	wrdreg s5  }
0xaa: {  	[dreg:$0x4] =	wrdreg $0xC0  }
0xab: {  	_ =	task [dreg:s7], $0x5FFFF  }
0xac: {  	[dreg:$0x1] =	wrdreg $0xFFFFFFFF  }
0xad: {  	[dreg:$0x0] =	wrdreg $0x60  }
0xae: {  	[dreg:$0x2] =	wrdreg s2  }
0xaf: {  	[dreg:$0x3] =	wrdreg s24  }
0xb0: {  	[dreg:$0x4] =	wrdreg $0xA8000  }
0xb1: {  	[dreg:$0x5] =	wrdreg $0x9  }
0xb2: {  	_ =	task.clear_ibuf [dreg:s7], $0x6FFFF;
	_ =	strace $0x90000046  }
0xb3: {  	s29 =	simm.s32 $0x9;
	_ =	strace $0x80000048  }
0xb4: {  	_ =	swait.ge [sflag:s29], $0x1  }
0xb5: {  	[sflag:s29] =	ssyncadd.s32 $0xFFFFFFFF  }
0xb6: {  	_ =	strace $0x90000048  }
0xb7: {  	_ =	sfence  }
0xb8: {  	s30 =	sld [smem:$0x0];
	_ =	sdelay $0x2  }
0xb9: {  	s31 =	sshll.u32 s1, $0xD;
	s1 =	sshrl.u32 s1, $0x2  }
0xba: {  	s3 =	sand.u32 $0x4000, s31;
	s1 =	sadd.s32 s1, s30  }
0xbb: {  	s0 =	sor.u32 s3, s0;
	s1 =	sshll.u32 s1, $0x11  }
0xbc: {  	s0 =	sor.u32 s1, s0  }
0xbd: {  	s0 =	sadd.s32 $0x8F2B, s0  }
0xbe: {  	[sflag:s0] =	ssyncadd.remote.s32 $0x1  }
0xbf: {  	_ =	sfence.sel $0xFFFF  }
0xc0: {  	[dreg:$0x0] =	wrdreg $0xFFFFFFFF;
	(pc) =	sbr.abs _section_cstart, $3  }
0xc1: {  	[dreg:$0x1] =	wrdreg $0xFFFFFFFF  }
0xc2: {  	_ =	task.clear_ibuf [dreg:s7], $0x2FFFF;
	_ =	strace $0x9FFFFFFF  }
0xc3: {  	(tm) =	ssettm $0x7FFFFFFF  }
tec
execute0_lowered:
.L_overlay_start_1:
0x0: {  	(tag) =	ssettag $0x1  }
0x1: {  	s1 =	rddreg [dreg:$0x0]  }
0x2: {  	s0 =	rddreg [dreg:$0x1]  }
0x3: {  	s2 =	rddreg [dreg:$0x2]  }
0x4: {  	s3 =	srdreg.scid;
	s14 =	stileid.u32  }
0x5: {  	s16 =	simm.s32 $0x6;
	s18 =	simm.s32 $0x5;
	s19 =	simm.s32 $0x1  }
0x6: {  	s20 =	simm.s32 $0x80;
	s21 =	simm.s32 $0x2800;
	s28 =	simm.s32 $0x2680  }
0x7: {  	s29 =	simm.s32 $0x1300;
	s31 =	simm.s32 $0x2700;
	s30 =	simm.s32 $0x0  }
0x8: {  	s4 =	sand.u32 $0x1, s3;
	s3 =	simm.s32 $0x0;
	s10 =	smul.u32 $0x2700, s14  }
0x9: {  	s9 =	smul.u32 $0x4E000, s14;
	s12 =	sadd.s32 $0x3E200, s0;
	s24 =	sshll.u32 s14, $0x6  }
0xa: {  	s17 =	sadd.s32 $0x138000, s2;
	p0 =	sne.s32 s14, $0x0;
	s5 =	sshll.u32 s4, $0x4  }
0xb: {  	[smem:$0x7FF] =	sst s3;
	s6 =	ssub.s32 $0x2, s4;
	s25 =	smul.u32 $0x138800, s4  }
0xc: {  	s4 =	smul.u32 $0x27100, s4;
	s17 =	sshrl.u32 @!p0 s17, $0x3;
	s5 =	sor.u32 s14, s5  }
0xd: {  	_ =	strace $0x80000047;
	s7 =	sadd.s32 s10, s0;
	s8 =	sshrl.u32 s6, $0x1  }
0xe: {  	s23 =	sshrl.u32 s9, $0x2;
	s14 =	simm.s32 $0x1400;
	s5 =	smul.u32 $0x280, s5  }
0xf: {  	s13 =	ssub.s32 s6, s8;
	s15 =	sadd.s32 s23, s2;
	s6 =	sadd.s32 $0x17000, s7  }
0x10: {  	s7 =	sor.u32 $0x1C06, s24;
	s8 =	sadd.s32 $0x3E000, s0;
	s26 =	sshrl.u32 s25, $0x3  }
0x11: {  	s4 =	sadd.s32 s10, s4;
	s23 =	simm.s32 $0x2;
	s24 =	simm.s32 $0x3  }
0x12: {  	s25 =	simm.s32 $0x4;
	s13 =	smax.u32 s13, $0x1;
	s15 =	sshrl.u32 s15, $0x3  }
0x13: {  	s11 =	sadd.s32 s5, s0;
	s0 =	sadd.s32 s12, s26;
	s26 =	simm.s32 $0x2600  }
0x14: {  	s5 =	sadd.s32 $0x3000, s11;
	s22 =	sadd.s32 $0xD000, s11;
	s9 =	sadd.s32 $0x8000, s11  }
0x15: {  	s10 =	sadd.s32 $0x12000, s11;
	s11 =	sadd.s32 s12, s4;
	[dreg:$0x4] =	wrdreg s5  }
0x16: {  	s12 =	sadd.s32 $0x27000, s0;
	[dreg:$0x5] =	wrdreg s22;
	s22 =	simm.s32 $0x6800  }
.LBB2_1:
0x17: {  	s0 =	rddreg [dreg:$0x4]  }
0x18: {  	[tilespmem:s3], [sflag:$0x5] =	stream.linear.gather [hbm4b:s0+s3], $0x1400, $0x38;
	[tilespmem:$0x1E0C0] =	vst v63  }
0x19: {  	s4 =	rddreg [dreg:$0x5]  }
0x1a: {  	[tilespmem:s14], [sflag:$0x1] =	stream.linear.gather [hbm4b:s4+s3], $0x1400, $0x38;
	[tilespmem:$0x1E0C0] =	vst v63  }
0x1b: {  	[spmem:s15], [sflag:s7] =	dma.local [hbm:s6], $0x2700  }
0x1c: {  	_ =	swait.ge [sflag:s16], $0x2700  }
0x1d: {  	[sflag:s16] =	ssyncset.done $0x0  }
0x1e: {  	s0 =	simm.s32 @!p0 $0x6;
	[sflag:s16] =	ssyncadd.s32 $0xFFFFD900  }
0x1f: {  	[spmem:s17], [sflag:s7] =	dma.local @!p0 [hbm:s8], $0x100  }
0x20: {  	_ =	swait.ge @!p0 [sflag:s0], $0x100  }
0x21: {  	[sflag:s0] =	ssyncset.done @!p0 $0x0  }
0x22: {  	[sflag:s0] =	ssyncadd.s32 @!p0 $0xFFFFFF00  }
0x23: {  	_ =	swait.ge [sflag:s18], $0x1400  }
0x24: {  	[sflag:s18] =	ssyncset.done $0x0  }
0x25: {  	[sflag:s18] =	ssyncadd.s32 $0xFFFFEC00  }
0x26: {  	_ =	swait.ge [sflag:s19], $0x1400  }
0x27: {  	[sflag:s19] =	ssyncset.done $0x0  }
0x28: {  	[sflag:s19] =	ssyncadd.s32 $0xFFFFEC00  }
0x29: {  	[bflag:$0x0] =	sbarrier.arrive $0xFFFF  }
0x2a: {  	[tilespmem:s21], [sflag:$0x1] =	stream.indirect.gather [hbm4b:s1+s20], $0x80, s3, s20, $0xb8;
	[tilespmem:$0x1E0C0] =	vst v63  }
0x2b: {  	_ = 	snop  }
0x2c: {  	[tilespmem:s22], [sflag:$0x2] =	stream.indirect.gather [hbm4b:s1+s20], $0x80, s20, s20, $0xb8;
	[tilespmem:$0x1E0C0] =	vst v63  }
0x2d: {  	_ =	swait.ge [sflag:s19], $0x4000  }
0x2e: {  	[sflag:s19] =	ssyncset.done $0x0  }
0x2f: {  	s5 =	simm.s32 $0x1400;
	[sflag:s19] =	ssyncadd.s32 $0xFFFFC000  }
0x30: {  	[spmem:s2] =	stream.indirect.scatter.add.f32 [tilespmem:s21], [sflag:$0x3], $0x80, s5, s20, $0xb8;
	[tilespmem:$0x1E0C0] =	vst v63  }
0x31: {  	_ =	swait.ge [sflag:s23], $0x4000  }
0x32: {  	[sflag:s23] =	ssyncset.done $0x0  }
0x33: {  	s4 =	simm.s32 $0x1480;
	[sflag:s23] =	ssyncadd.s32 $0xFFFFC000  }
0x34: {  	[spmem:s2] =	stream.indirect.scatter.add.f32 [tilespmem:s22], [sflag:$0x4], $0x80, s4, s20, $0xb8;
	[tilespmem:$0x1E0C0] =	vst v63  }
0x35: {  	_ =	swait.ge [sflag:s24], $0x4000  }
0x36: {  	[sflag:s24] =	ssyncset.done $0x0  }
0x37: {  	s5 =	simm.s32 $0x100;
	[sflag:s24] =	ssyncadd.s32 $0xFFFFC000  }
0x38: {  	[tilespmem:s21], [sflag:$0x1] =	stream.indirect.gather [hbm4b:s1+s20], $0x80, s5, s20, $0xb8;
	[tilespmem:$0x1E0C0] =	vst v63  }
0x39: {  	_ =	swait.ge [sflag:s25], $0x4000  }
0x3a: {  	[sflag:s25] =	ssyncset.done $0x0  }
0x3b: {  	s4 =	simm.s32 $0x180;
	[sflag:s25] =	ssyncadd.s32 $0xFFFFC000  }
0x3c: {  	[tilespmem:s22], [sflag:$0x2] =	stream.indirect.gather [hbm4b:s1+s20], $0x80, s4, s20, $0xb8;
	[tilespmem:$0x1E0C0] =	vst v63  }
0x3d: {  	_ =	swait.ge [sflag:s19], $0x4000  }
0x3e: {  	[sflag:s19] =	ssyncset.done $0x0  }
0x3f: {  	s5 =	simm.s32 $0x1500;
	[sflag:s19] =	ssyncadd.s32 $0xFFFFC000  }
0x40: {  	[spmem:s2] =	stream.indirect.scatter.add.f32 [tilespmem:s21], [sflag:$0x3], $0x80, s5, s20, $0xb8;
	[tilespmem:$0x1E0C0] =	vst v63  }
0x41: {  	_ =	swait.ge [sflag:s23], $0x4000  }
0x42: {  	[sflag:s23] =	ssyncset.done $0x0  }
0x43: {  	s4 =	simm.s32 $0x1580;
	[sflag:s23] =	ssyncadd.s32 $0xFFFFC000  }
0x44: {  	[spmem:s2] =	stream.indirect.scatter.add.f32 [tilespmem:s22], [sflag:$0x4], $0x80, s4, s20, $0xb8;
	[tilespmem:$0x1E0C0] =	vst v63  }
0x45: {  	_ =	swait.ge [sflag:s24], $0x4000  }
0x46: {  	[sflag:s24] =	ssyncset.done $0x0  }
0x47: {  	s5 =	simm.s32 $0x200;
	[sflag:s24] =	ssyncadd.s32 $0xFFFFC000  }
0x48: {  	[tilespmem:s21], [sflag:$0x1] =	stream.indirect.gather [hbm4b:s1+s20], $0x80, s5, s20, $0xb8;
	[tilespmem:$0x1E0C0] =	vst v63  }
0x49: {  	_ =	swait.ge [sflag:s25], $0x4000  }
0x4a: {  	[sflag:s25] =	ssyncset.done $0x0  }
0x4b: {  	s0 =	simm.s32 $0x800;
	s4 =	simm.s32 $0x280;
	[sflag:s25] =	ssyncadd.s32 $0xFFFFC000  }
.LBB2_2:
0x4c: {  	[tilespmem:s22], [sflag:$0x2] =	stream.indirect.gather [hbm4b:s1+s20], $0x80, s4, s20, $0xb8;
	[tilespmem:$0x1E0C0] =	vst v63  }
0x4d: {  	s4 =	smov.u32 s0  }
0x4e: {  	p1 =	sne.s32 s0, $0x4000;
	s0 =	sadd.s32 $0x800, s0;
	_ =	swait.ge [sflag:s19], $0x4000  }
0x4f: {  	s4 =	sshra.s32 s4, $0x2;
	[sflag:s19] =	ssyncset.done $0x0  }
0x50: {  	s5 =	sadd.s32 $0x1400, s4;
	[sflag:s19] =	ssyncadd.s32 $0xFFFFC000  }
0x51: {  	[spmem:s2] =	stream.indirect.scatter.add.f32 [tilespmem:s21], [sflag:$0x3], $0x80, s5, s20, $0xb8;
	[tilespmem:$0x1E0C0] =	vst v63  }
0x52: {  	_ =	swait.ge [sflag:s23], $0x4000  }
0x53: {  	[sflag:s23] =	ssyncset.done $0x0  }
0x54: {  	s5 =	sadd.s32 $0x1480, s4;
	[sflag:s23] =	ssyncadd.s32 $0xFFFFC000  }
0x55: {  	[spmem:s2] =	stream.indirect.scatter.add.f32 [tilespmem:s22], [sflag:$0x4], $0x80, s5, s20, $0xb8;
	[tilespmem:$0x1E0C0] =	vst v63  }
0x56: {  	_ =	swait.ge [sflag:s24], $0x4000  }
0x57: {  	[sflag:s24] =	ssyncset.done $0x0  }
0x58: {  	s5 =	sadd.s32 $0x100, s4;
	[sflag:s24] =	ssyncadd.s32 $0xFFFFC000  }
0x59: {  	[tilespmem:s21], [sflag:$0x1] =	stream.indirect.gather [hbm4b:s1+s20], $0x80, s5, s20, $0xb8;
	[tilespmem:$0x1E0C0] =	vst v63  }
0x5a: {  	_ =	swait.ge [sflag:s25], $0x4000  }
0x5b: {  	[sflag:s25] =	ssyncset.done $0x0  }
0x5c: {  	s5 =	sadd.s32 $0x180, s4;
	[sflag:s25] =	ssyncadd.s32 $0xFFFFC000  }
0x5d: {  	[tilespmem:s22], [sflag:$0x2] =	stream.indirect.gather [hbm4b:s1+s20], $0x80, s5, s20, $0xb8;
	[tilespmem:$0x1E0C0] =	vst v63  }
0x5e: {  	_ =	swait.ge [sflag:s19], $0x4000  }
0x5f: {  	[sflag:s19] =	ssyncset.done $0x0  }
0x60: {  	s5 =	sadd.s32 $0x1500, s4;
	[sflag:s19] =	ssyncadd.s32 $0xFFFFC000  }
0x61: {  	[spmem:s2] =	stream.indirect.scatter.add.f32 [tilespmem:s21], [sflag:$0x3], $0x80, s5, s20, $0xb8;
	[tilespmem:$0x1E0C0] =	vst v63  }
0x62: {  	_ =	swait.ge [sflag:s23], $0x4000  }
0x63: {  	[sflag:s23] =	ssyncset.done $0x0  }
0x64: {  	s5 =	sadd.s32 $0x1580, s4;
	[sflag:s23] =	ssyncadd.s32 $0xFFFFC000  }
0x65: {  	[spmem:s2] =	stream.indirect.scatter.add.f32 [tilespmem:s22], [sflag:$0x4], $0x80, s5, s20, $0xb8;
	[tilespmem:$0x1E0C0] =	vst v63  }
0x66: {  	_ =	swait.ge [sflag:s24], $0x4000  }
0x67: {  	[sflag:s24] =	ssyncset.done $0x0  }
.Ltmp0:
0x68: {  	s5 =	sadd.s32 $0x200, s4;
	[sflag:s24] =	ssyncadd.s32 $0xFFFFC000;
	(pc) =	sbr.rel @p1 .LBB2_2-.Ltmp0, $4  }
0x69: {  	[tilespmem:s21], [sflag:$0x1] =	stream.indirect.gather [hbm4b:s1+s20], $0x80, s5, s20, $0xb8;
	[tilespmem:$0x1E0C0] =	vst v63  }
0x6a: {  	_ =	swait.ge [sflag:s25], $0x4000  }
0x6b: {  	[sflag:s25] =	ssyncset.done $0x0  }
0x6c: {  	s4 =	sadd.s32 $0x280, s4;
	[sflag:s25] =	ssyncadd.s32 $0xFFFFC000  }
0x6d: {  	[tilespmem:s22], [sflag:$0x2] =	stream.indirect.gather [hbm4b:s1+s20], $0x80, s4, s20, $0xb8;
	[tilespmem:$0x1E0C0] =	vst v63  }
0x6e: {  	_ =	swait.ge [sflag:s19], $0x4000  }
0x6f: {  	[sflag:s19] =	ssyncset.done $0x0  }
0x70: {  	[sflag:s19] =	ssyncadd.s32 $0xFFFFC000  }
0x71: {  	[spmem:s2] =	stream.indirect.scatter.add.f32 [tilespmem:s21], [sflag:$0x3], $0x80, s26, s20, $0xb8;
	[tilespmem:$0x1E0C0] =	vst v63  }
0x72: {  	_ =	swait.ge [sflag:s23], $0x4000  }
0x73: {  	[sflag:s23] =	ssyncset.done $0x0  }
0x74: {  	[sflag:s23] =	ssyncadd.s32 $0xFFFFC000  }
0x75: {  	[spmem:s2] =	stream.indirect.scatter.add.f32 [tilespmem:s22], [sflag:$0x4], $0x80, s28, s20, $0xb8;
	[tilespmem:$0x1E0C0] =	vst v63  }
0x76: {  	_ =	swait.ge [sflag:s24], $0x4000  }
0x77: {  	[sflag:s24] =	ssyncset.done $0x0  }
0x78: {  	[sflag:s24] =	ssyncadd.s32 $0xFFFFC000  }
0x79: {  	[tilespmem:s21], [sflag:$0x1] =	stream.indirect.gather [hbm4b:s1+s20], $0x80, s29, s20, $0xb8;
	[tilespmem:$0x1E0C0] =	vst v63  }
0x7a: {  	_ =	swait.ge [sflag:s25], $0x4000  }
0x7b: {  	[sflag:s25] =	ssyncset.done $0x0  }
0x7c: {  	s0 =	simm.s32 $0x1380;
	[sflag:s25] =	ssyncadd.s32 $0xFFFFC000  }
0x7d: {  	[tilespmem:s22], [sflag:$0x2] =	stream.indirect.gather [hbm4b:s1+s20], $0x80, s0, s20, $0xb8;
	[tilespmem:$0x1E0C0] =	vst v63  }
0x7e: {  	_ =	swait.ge [sflag:s19], $0x4000  }
0x7f: {  	[sflag:s19] =	ssyncset.done $0x0  }
0x80: {  	[sflag:s19] =	ssyncadd.s32 $0xFFFFC000  }
0x81: {  	[spmem:s2] =	stream.indirect.scatter.add.f32 [tilespmem:s21], [sflag:$0x3], $0x80, s31, s20, $0xb8;
	[tilespmem:$0x1E0C0] =	vst v63  }
0x82: {  	_ =	swait.ge [sflag:s23], $0x4000  }
0x83: {  	[sflag:s23] =	ssyncset.done $0x0  }
0x84: {  	s5 =	simm.s32 $0x2780;
	[sflag:s23] =	ssyncadd.s32 $0xFFFFC000  }
0x85: {  	[spmem:s2] =	stream.indirect.scatter.add.f32 [tilespmem:s22], [sflag:$0x4], $0x80, s5, s20, $0xb8;
	[tilespmem:$0x1E0C0] =	vst v63  }
0x86: {  	_ =	swait.ge [sflag:s24], $0x4000  }
0x87: {  	[sflag:s24] =	ssyncset.done $0x0  }
0x88: {  	[sflag:s24] =	ssyncadd.s32 $0xFFFFC000  }
0x89: {  	_ =	swait.ge [sflag:s25], $0x4000  }
0x8a: {  	[sflag:s25] =	ssyncset.done $0x0  }
0x8b: {  	s4 =	simm.s32 $0x0;
	[sflag:s25] =	ssyncadd.s32 $0xFFFFC000  }
0x8c: {  	[tilespmem:s4], [sflag:$0x6] =	stream.linear.gather [hbm4b:s9+s4], $0x1380, $0x38;
	[tilespmem:$0x1E0C0] =	vst v63  }
0x8d: {  	_ =	swait.ge [sflag:s16], $0x1380  }
0x8e: {  	[sflag:s16] =	ssyncset.done $0x0  }
0x8f: {  	[sflag:s16] =	ssyncadd.s32 $0xFFFFEC80  }
0x90: {  	[tilespmem:s14], [sflag:$0x6] =	stream.linear.gather [hbm4b:s10+s4], $0x1380, $0x38;
	[tilespmem:$0x1E0C0] =	vst v63  }
0x91: {  	_ =	swait.ge [sflag:s16], $0x1380  }
0x92: {  	[sflag:s16] =	ssyncset.done $0x0  }
0x93: {  	[sflag:s16] =	ssyncadd.s32 $0xFFFFEC80  }
0x94: {  	[tilespmem:s21], [sflag:$0x1] =	stream.indirect.gather [hbm4b:s1+s20], $0x80, s4, s20, $0xb8;
	[tilespmem:$0x1E0C0] =	vst v63  }
0x95: {  	_ = 	snop  }
0x96: {  	[tilespmem:s22], [sflag:$0x2] =	stream.indirect.gather [hbm4b:s1+s20], $0x80, s20, s20, $0xb8;
	[tilespmem:$0x1E0C0] =	vst v63  }
0x97: {  	_ =	swait.ge [sflag:s19], $0x4000  }
0x98: {  	[sflag:s19] =	ssyncset.done $0x0  }
0x99: {  	s5 =	simm.s32 $0x1400;
	[sflag:s19] =	ssyncadd.s32 $0xFFFFC000  }
0x9a: {  	[spmem:s2] =	stream.indirect.scatter.add.f32 [tilespmem:s21], [sflag:$0x3], $0x80, s5, s20, $0xb8;
	[tilespmem:$0x1E0C0] =	vst v63  }
0x9b: {  	_ =	swait.ge [sflag:s23], $0x4000  }
0x9c: {  	[sflag:s23] =	ssyncset.done $0x0  }
0x9d: {  	s4 =	simm.s32 $0x1480;
	[sflag:s23] =	ssyncadd.s32 $0xFFFFC000  }
0x9e: {  	[spmem:s2] =	stream.indirect.scatter.add.f32 [tilespmem:s22], [sflag:$0x4], $0x80, s4, s20, $0xb8;
	[tilespmem:$0x1E0C0] =	vst v63  }
0x9f: {  	_ =	swait.ge [sflag:s24], $0x4000  }
0xa0: {  	[sflag:s24] =	ssyncset.done $0x0  }
0xa1: {  	s5 =	simm.s32 $0x100;
	[sflag:s24] =	ssyncadd.s32 $0xFFFFC000  }
0xa2: {  	[tilespmem:s21], [sflag:$0x1] =	stream.indirect.gather [hbm4b:s1+s20], $0x80, s5, s20, $0xb8;
	[tilespmem:$0x1E0C0] =	vst v63  }
0xa3: {  	_ =	swait.ge [sflag:s25], $0x4000  }
0xa4: {  	[sflag:s25] =	ssyncset.done $0x0  }
0xa5: {  	s4 =	simm.s32 $0x180;
	[sflag:s25] =	ssyncadd.s32 $0xFFFFC000  }
0xa6: {  	[tilespmem:s22], [sflag:$0x2] =	stream.indirect.gather [hbm4b:s1+s20], $0x80, s4, s20, $0xb8;
	[tilespmem:$0x1E0C0] =	vst v63  }
0xa7: {  	_ =	swait.ge [sflag:s19], $0x4000  }
0xa8: {  	[sflag:s19] =	ssyncset.done $0x0  }
0xa9: {  	s5 =	simm.s32 $0x1500;
	[sflag:s19] =	ssyncadd.s32 $0xFFFFC000  }
0xaa: {  	[spmem:s2] =	stream.indirect.scatter.add.f32 [tilespmem:s21], [sflag:$0x3], $0x80, s5, s20, $0xb8;
	[tilespmem:$0x1E0C0] =	vst v63  }
0xab: {  	_ =	swait.ge [sflag:s23], $0x4000  }
0xac: {  	[sflag:s23] =	ssyncset.done $0x0  }
0xad: {  	s4 =	simm.s32 $0x1580;
	[sflag:s23] =	ssyncadd.s32 $0xFFFFC000  }
0xae: {  	[spmem:s2] =	stream.indirect.scatter.add.f32 [tilespmem:s22], [sflag:$0x4], $0x80, s4, s20, $0xb8;
	[tilespmem:$0x1E0C0] =	vst v63  }
0xaf: {  	_ =	swait.ge [sflag:s24], $0x4000  }
0xb0: {  	[sflag:s24] =	ssyncset.done $0x0  }
0xb1: {  	s5 =	simm.s32 $0x200;
	[sflag:s24] =	ssyncadd.s32 $0xFFFFC000  }
0xb2: {  	[tilespmem:s21], [sflag:$0x1] =	stream.indirect.gather [hbm4b:s1+s20], $0x80, s5, s20, $0xb8;
	[tilespmem:$0x1E0C0] =	vst v63  }
0xb3: {  	_ =	swait.ge [sflag:s25], $0x4000  }
0xb4: {  	[sflag:s25] =	ssyncset.done $0x0  }
0xb5: {  	s0 =	simm.s32 $0x800;
	s4 =	simm.s32 $0x280;
	[sflag:s25] =	ssyncadd.s32 $0xFFFFC000  }
.LBB2_4:
0xb6: {  	[tilespmem:s22], [sflag:$0x2] =	stream.indirect.gather [hbm4b:s1+s20], $0x80, s4, s20, $0xb8;
	[tilespmem:$0x1E0C0] =	vst v63  }
0xb7: {  	s4 =	smov.u32 s0  }
0xb8: {  	p1 =	sne.s32 s0, $0x4000;
	s0 =	sadd.s32 $0x800, s0;
	_ =	swait.ge [sflag:s19], $0x4000  }
0xb9: {  	s4 =	sshra.s32 s4, $0x2;
	[sflag:s19] =	ssyncset.done $0x0  }
0xba: {  	s5 =	sadd.s32 $0x1400, s4;
	[sflag:s19] =	ssyncadd.s32 $0xFFFFC000  }
0xbb: {  	[spmem:s2] =	stream.indirect.scatter.add.f32 [tilespmem:s21], [sflag:$0x3], $0x80, s5, s20, $0xb8;
	[tilespmem:$0x1E0C0] =	vst v63  }
0xbc: {  	_ =	swait.ge [sflag:s23], $0x4000  }
0xbd: {  	[sflag:s23] =	ssyncset.done $0x0  }
0xbe: {  	s5 =	sadd.s32 $0x1480, s4;
	[sflag:s23] =	ssyncadd.s32 $0xFFFFC000  }
0xbf: {  	[spmem:s2] =	stream.indirect.scatter.add.f32 [tilespmem:s22], [sflag:$0x4], $0x80, s5, s20, $0xb8;
	[tilespmem:$0x1E0C0] =	vst v63  }
0xc0: {  	_ =	swait.ge [sflag:s24], $0x4000  }
0xc1: {  	[sflag:s24] =	ssyncset.done $0x0  }
0xc2: {  	s5 =	sadd.s32 $0x100, s4;
	[sflag:s24] =	ssyncadd.s32 $0xFFFFC000  }
0xc3: {  	[tilespmem:s21], [sflag:$0x1] =	stream.indirect.gather [hbm4b:s1+s20], $0x80, s5, s20, $0xb8;
	[tilespmem:$0x1E0C0] =	vst v63  }
0xc4: {  	_ =	swait.ge [sflag:s25], $0x4000  }
0xc5: {  	[sflag:s25] =	ssyncset.done $0x0  }
0xc6: {  	s5 =	sadd.s32 $0x180, s4;
	[sflag:s25] =	ssyncadd.s32 $0xFFFFC000  }
0xc7: {  	[tilespmem:s22], [sflag:$0x2] =	stream.indirect.gather [hbm4b:s1+s20], $0x80, s5, s20, $0xb8;
	[tilespmem:$0x1E0C0] =	vst v63  }
0xc8: {  	_ =	swait.ge [sflag:s19], $0x4000  }
0xc9: {  	[sflag:s19] =	ssyncset.done $0x0  }
0xca: {  	s5 =	sadd.s32 $0x1500, s4;
	[sflag:s19] =	ssyncadd.s32 $0xFFFFC000  }
0xcb: {  	[spmem:s2] =	stream.indirect.scatter.add.f32 [tilespmem:s21], [sflag:$0x3], $0x80, s5, s20, $0xb8;
	[tilespmem:$0x1E0C0] =	vst v63  }
0xcc: {  	_ =	swait.ge [sflag:s23], $0x4000  }
0xcd: {  	[sflag:s23] =	ssyncset.done $0x0  }
0xce: {  	s5 =	sadd.s32 $0x1580, s4;
	[sflag:s23] =	ssyncadd.s32 $0xFFFFC000  }
0xcf: {  	[spmem:s2] =	stream.indirect.scatter.add.f32 [tilespmem:s22], [sflag:$0x4], $0x80, s5, s20, $0xb8;
	[tilespmem:$0x1E0C0] =	vst v63  }
0xd0: {  	_ =	swait.ge [sflag:s24], $0x4000  }
0xd1: {  	[sflag:s24] =	ssyncset.done $0x0  }
.Ltmp1:
0xd2: {  	s5 =	sadd.s32 $0x200, s4;
	[sflag:s24] =	ssyncadd.s32 $0xFFFFC000;
	(pc) =	sbr.rel @p1 .LBB2_4-.Ltmp1, $4  }
0xd3: {  	[tilespmem:s21], [sflag:$0x1] =	stream.indirect.gather [hbm4b:s1+s20], $0x80, s5, s20, $0xb8;
	[tilespmem:$0x1E0C0] =	vst v63  }
0xd4: {  	_ =	swait.ge [sflag:s25], $0x4000  }
0xd5: {  	[sflag:s25] =	ssyncset.done $0x0  }
0xd6: {  	s4 =	sadd.s32 $0x280, s4;
	[sflag:s25] =	ssyncadd.s32 $0xFFFFC000  }
0xd7: {  	[tilespmem:s22], [sflag:$0x2] =	stream.indirect.gather [hbm4b:s1+s20], $0x80, s4, s20, $0xb8;
	[tilespmem:$0x1E0C0] =	vst v63  }
0xd8: {  	_ =	swait.ge [sflag:s19], $0x4000  }
0xd9: {  	[sflag:s19] =	ssyncset.done $0x0  }
0xda: {  	[sflag:s19] =	ssyncadd.s32 $0xFFFFC000  }
0xdb: {  	[spmem:s2] =	stream.indirect.scatter.add.f32 [tilespmem:s21], [sflag:$0x3], $0x80, s26, s20, $0xb8;
	[tilespmem:$0x1E0C0] =	vst v63  }
0xdc: {  	_ =	swait.ge [sflag:s23], $0x4000  }
0xdd: {  	[sflag:s23] =	ssyncset.done $0x0  }
0xde: {  	[sflag:s23] =	ssyncadd.s32 $0xFFFFC000  }
0xdf: {  	[spmem:s2] =	stream.indirect.scatter.add.f32 [tilespmem:s22], [sflag:$0x4], $0x80, s28, s20, $0xb8;
	[tilespmem:$0x1E0C0] =	vst v63  }
0xe0: {  	_ =	swait.ge [sflag:s24], $0x4000  }
0xe1: {  	[sflag:s24] =	ssyncset.done $0x0  }
0xe2: {  	[sflag:s24] =	ssyncadd.s32 $0xFFFFC000  }
0xe3: {  	[tilespmem:s21], [sflag:$0x1] =	stream.indirect.gather [hbm4b:s1+s20], $0x80, s29, s20, $0xb8;
	[tilespmem:$0x1E0C0] =	vst v63  }
0xe4: {  	_ =	swait.ge [sflag:s25], $0x4000  }
0xe5: {  	[sflag:s25] =	ssyncset.done $0x0  }
0xe6: {  	[sflag:s25] =	ssyncadd.s32 $0xFFFFC000  }
0xe7: {  	_ =	swait.ge [sflag:s19], $0x4000  }
0xe8: {  	[sflag:s19] =	ssyncset.done $0x0  }
0xe9: {  	[sflag:s19] =	ssyncadd.s32 $0xFFFFC000  }
0xea: {  	[spmem:s2] =	stream.indirect.scatter.add.f32 [tilespmem:s21], [sflag:$0x6], $0x80, s31, s20, $0xb8;
	[tilespmem:$0x1E0C0] =	vst v63  }
0xeb: {  	_ =	swait.ge [sflag:s16], $0x4000  }
0xec: {  	[sflag:s16] =	ssyncset.done $0x0  }
0xed: {  	[sflag:s16] =	ssyncadd.s32 $0xFFFFC000  }
0xee: {  	[bflag:$0x0] =	sbarrier.arrive $0xFFFF  }
0xef: {  	[hbm:s11], [sflag:s7] =	dma.local [spmem:s15], $0x2700  }
0xf0: {  	s30 =	sadd.s32 $0x1, s30;
	_ =	swait.ge [sflag:s16], $0x2700  }
0xf1: {  	p1 =	sne.s32 s30, s13;
	[sflag:s16] =	ssyncset.done $0x0  }
.Ltmp2:
0xf2: {  	s0 =	simm.s32 @!p0 $0x6;
	[sflag:s16] =	ssyncadd.s32 $0xFFFFD900;
	(pc) =	sbr.rel @p1 .LBB2_1-.Ltmp2, $4  }
0xf3: {  	[hbm:s12], [sflag:s7] =	dma.local @!p0 [spmem:s17], $0x100  }
0xf4: {  	_ =	swait.ge @!p0 [sflag:s0], $0x100  }
0xf5: {  	[sflag:s0] =	ssyncset.done @!p0 $0x0  }
0xf6: {  	[sflag:s0] =	ssyncadd.s32 @!p0 $0xFFFFFF00  }
0xf7: {  	_ =	sfence.sel $0x180000  }
0xf8: {  	[bflag:$0x0] =	sbarrier.arrive $0xFFFF  }
0xf9: {  	_ =	strace $0x90000047  }
0xfa: {  	[bflag:$0x2] =	sbarrier.arrive $0xFFFF  }
0xfb: {  	s0 =	rddreg [dreg:$0x3]  }
0xfc: {  	s0 =	sadd.s32 @!p0 $0x100000, s0  }
0xfd: {  	[sflag:s0] =	ssyncadd.tile.s32 @!p0 $0x1;
	_ =	shalt  }
.Lfunc_end2:
_tile_overlayer_lowered:
.L_overlay_start_2:
0xfe: {  	(tag) =	ssettag $0x2  }
0xff: {  	s0 =	rddreg [dreg:$0x0];
	s2 =	stileid.u32  }
0x100: {  	s1 =	rddreg [dreg:$0x1];
	p0 =	sne.s32 s2, $0x0  }
0x101: {  	s3 =	rddreg [dreg:$0x2];
	[bflag:$0x3] =	sbarrier.arrive $0xFFFF;
	s2 =	simm.s32 @!p0 $0x1C06  }
0x102: {  	[timem:s3], [sflag:s2] =	dma.local @!p0 [hbm:s0], s1  }
0x103: {  	s0 =	simm.s32 @!p0 $0x6  }
0x104: {  	_ =	swait.ge @!p0 [sflag:s0], s1  }
0x105: {  	s1 =	ssub.s32 @!p0 $0x0, s1;
	[sflag:s0] =	ssyncset.done @!p0 $0x0  }
0x106: {  	[sflag:s0] =	ssyncadd.s32 @!p0 s1  }
0x107: {  	[bflag:$0x3] =	sbarrier.arrive $0xFFFF  }
0x108: {  	_ =	shalt  }

// kernel: kernel.9.cloned.1.call-start
scs
__scs_entry_jumppad:
0x0: {  	(pc) =	sbr.rel $0x88, $3  }
0x1: {  	(tag) =	ssettag $0x0;
	lr =	simm.s32 $0x1  }
0x2: {  	[smem:$0x3F8F] =	sst lr;
	_ =	strace $0xD0000000  }
0x3: {  	_ = 	snop  }
0x4: {  	_ = 	snop  }
0x5: {  	_ = 	snop  }
0x6: {  	_ = 	snop  }
0x7: {  	_ = 	snop  }
__scs_overlays_trampoline_lowered:
0x8: {  	[smem:$0x3F9E] =	sst s0  }
0x9: {  	[smem:$0x3F9F] =	sst s1  }
0xa: {  	[smem:$0x3FA0] =	sst s2  }
0xb: {  	[smem:$0x3FA1] =	sst s3  }
0xc: {  	[smem:$0x3FA2] =	sst s4  }
0xd: {  	[smem:$0x3FA3] =	sst s5  }
0xe: {  	[smem:$0x3FA4] =	sst s6  }
0xf: {  	[smem:$0x3FA5] =	sst s7  }
0x10: {  	[smem:$0x3FA6] =	sst s8  }
0x11: {  	[smem:$0x3FA7] =	sst s9;
	s0 =	simm.s32 @!p0 $0x0  }
0x12: {  	s1 =	sld [smem:$0x3F8D];
	s0 =	simm.s32 @p0 $0x1  }
0x13: {  	[smem:$0x3FA8] =	sst s0;
	s0 =	simm.s32 @!p1 $0x0  }
0x14: {  	s2 =	sld [smem:$0x3F8C];
	s0 =	simm.s32 @p1 $0x1  }
0x15: {  	[smem:$0x3FA9] =	sst s0;
	s0 =	simm.s32 @!p2 $0x0  }
0x16: {  	s3 =	sld [smem:$0x3FDB];
	s0 =	simm.s32 @p2 $0x1  }
0x17: {  	s4 =	simm.s32 $0x1BF5;
	[smem:$0x3FAB] =	sst s0  }
0x18: {  	s0 =	sld [smem:$0x3F8E];
	_ =	swait.ge [sflag:s4], $0x0  }
0x19: {  	s7 =	sld [smem:$0x3F8F]  }
0x1a: {  	s8 =	sadd.s32 $0xFFFFE003, lr  }
0x1b: {  	s9 =	sadd.s32 $0xFFFFFEF7, lr;
	s5 =	simm.s32 $0xFFFFFFFF;
	p2 =	slt.u32 s8, $0xFFFFF086  }
0x1c: {  	p1 =	slt.u32 s9, $0xF7A;
	s5 =	simm.s32 @!p2 $0x0  }
0x1d: {  	s5 =	simm.s32 @p1 $0x1;
	p0 =	seq.s32 s7, s2  }
0x1e: {  	s7 =	smul.u32 @!p0 $0xF7A, s2;
	p2 =	seq.s32 @!p0 s5, $0x0  }
0x1f: {  	s9 =	smul.u32 $0xF7A, s1;
	s8 =	simm.s32 @!p0 $0x1BF5;
	p2 =	por !p2, p0  }
0x20: {  	[sflag:s8] =	ssyncset.s32 @!p0 $0xFFFFF086;
	s6 =	sadd.s32 @!p0 s3, s7;
	s7 =	simm.s32 @!p0 $0x108  }
0x21: {  	s3 =	sadd.s32 s3, s9;
	s6 =	sadd.s32 @!p0 $0x88, s6;
	s7 =	simm.s32 @p2 $0x1082  }
0x22: {  	[simem:s7], [sflag:s8] =	dma.local @!p0 [hbm:s6], $0xF7A  }
0x23: {  	s9 =	sor.u32 $0xD0000000, s2;
	s6 =	simm.s32 $0x108;
	_ =	swait.ge @!p0 [sflag:s8], $0x0  }
0x24: {  	s3 =	sadd.s32 $0x88, s3;
	s6 =	simm.s32 @!p1 $0x1082;
	[sflag:s4] =	ssyncset.s32 $0xFFFFF086  }
0x25: {  	[simem:s6], [sflag:s4] =	dma.local [hbm:s3], $0xF7A  }
0x26: {  	[smem:$0x3F8F] =	sst s1;
	(tag) =	ssettag s2;
	_ =	strace s9  }
0x27: {  	s1 =	sld [smem:$0x3F9F]  }
0x28: {  	s2 =	sld [smem:$0x3FA0]  }
0x29: {  	s4 =	sld [smem:$0x3FA2]  }
0x2a: {  	p0 =	seq.s32 s5, $0x0;
	s5 =	sld [smem:$0x3FA3]  }
0x2b: {  	s6 =	sld [smem:$0x3FA4]  }
0x2c: {  	s7 =	sld [smem:$0x3FA5]  }
0x2d: {  	s3 =	simm.s32 $0x108;
	s8 =	sld [smem:$0x3FA6]  }
0x2e: {  	s3 =	simm.s32 @!p0 $0x1082;
	s9 =	sld [smem:$0x3FA7]  }
0x2f: {  	lr =	sadd.s32 s0, s3;
	s0 =	sld [smem:$0x3F9E]  }
0x30: {  	s3 =	sld [smem:$0x3FA1]  }
0x31: {  	[smem:$0x3FAA] =	sst s10  }
0x32: {  	s10 =	sld [smem:$0x3FA8];
	_ =	sdelay $0x3  }
0x33: {  	p0 =	seq.s32 s10, $0x1;
	s10 =	sld [smem:$0x3FAA];
	_ =	sdelay $0x3  }
0x34: {  	[smem:$0x3FAA] =	sst s10  }
0x35: {  	s10 =	sld [smem:$0x3FA9];
	_ =	sdelay $0x3  }
0x36: {  	p1 =	seq.s32 s10, $0x1;
	s10 =	sld [smem:$0x3FAA];
	_ =	sdelay $0x3  }
0x37: {  	[smem:$0x3FAA] =	sst s10  }
0x38: {  	s10 =	sld [smem:$0x3FAB]  }
0x39: {  	_ = 	snop;
	(pc) =	sbr.ind lr, $3  }
0x3a: {  	_ = 	snop  }
0x3b: {  	_ = 	snop  }
0x3c: {  	p2 =	seq.s32 s10, $0x1;
	s10 =	sld [smem:$0x3FAA]  }
0x3d: {  	_ =	shalt  }
0x3e: {  	_ =	shalt  }
0x3f: {  	_ =	shalt  }
0x40: {  	_ =	shalt  }
0x41: {  	_ =	shalt  }
0x42: {  	_ =	shalt  }
0x43: {  	_ =	shalt  }
0x44: {  	_ =	shalt  }
0x45: {  	_ =	shalt  }
0x46: {  	_ =	shalt  }
0x47: {  	_ =	shalt  }
0x48: {  	_ =	shalt  }
0x49: {  	_ =	shalt  }
0x4a: {  	_ =	shalt  }
0x4b: {  	_ =	shalt  }
0x4c: {  	_ =	shalt  }
0x4d: {  	_ =	shalt  }
0x4e: {  	_ =	shalt  }
0x4f: {  	_ =	shalt  }
0x50: {  	_ =	shalt  }
0x51: {  	_ =	shalt  }
0x52: {  	_ =	shalt  }
0x53: {  	_ =	shalt  }
0x54: {  	_ =	shalt  }
0x55: {  	_ =	shalt  }
0x56: {  	_ =	shalt  }
0x57: {  	_ =	shalt  }
0x58: {  	_ =	shalt  }
0x59: {  	_ =	shalt  }
0x5a: {  	_ =	shalt  }
0x5b: {  	_ =	shalt  }
0x5c: {  	_ =	shalt  }
0x5d: {  	_ =	shalt  }
0x5e: {  	_ =	shalt  }
0x5f: {  	_ =	shalt  }
0x60: {  	_ =	shalt  }
0x61: {  	_ =	shalt  }
0x62: {  	_ =	shalt  }
0x63: {  	_ =	shalt  }
0x64: {  	_ =	shalt  }
0x65: {  	_ =	shalt  }
0x66: {  	_ =	shalt  }
0x67: {  	_ =	shalt  }
0x68: {  	_ =	shalt  }
0x69: {  	_ =	shalt  }
0x6a: {  	_ =	shalt  }
0x6b: {  	_ =	shalt  }
0x6c: {  	_ =	shalt  }
0x6d: {  	_ =	shalt  }
0x6e: {  	_ =	shalt  }
0x6f: {  	_ =	shalt  }
0x70: {  	_ =	shalt  }
0x71: {  	_ =	shalt  }
0x72: {  	_ =	shalt  }
0x73: {  	_ =	shalt  }
0x74: {  	_ =	shalt  }
0x75: {  	_ =	shalt  }
0x76: {  	_ =	shalt  }
0x77: {  	_ =	shalt  }
0x78: {  	_ =	shalt  }
0x79: {  	_ =	shalt  }
0x7a: {  	_ =	shalt  }
0x7b: {  	_ =	shalt  }
0x7c: {  	_ =	shalt  }
0x7d: {  	_ =	shalt  }
0x7e: {  	_ =	shalt  }
0x7f: {  	_ =	shalt  }
0x80: {  	_ =	shalt  }
0x81: {  	_ =	shalt  }
0x82: {  	_ =	shalt  }
0x83: {  	_ =	shalt  }
0x84: {  	_ =	shalt  }
0x85: {  	_ =	shalt  }
0x86: {  	_ =	shalt  }
0x87: {  	_ =	shalt  }
.Lfunc_end0:
.L_simem_size_0:
called_computation.1_lowered:
.L_overlay_start_0:
0x88: {  	s2 =	sld [smem:$0x3FD9]  }
0x89: {  	s3 =	sld [smem:$0x3FFE];
	_ =	sdelay $0x1  }
0x8a: {  	s1 =	srdreg.scid  }
0x8b: {  	s0 =	sand.u32 $0x1, s1  }
0x8c: {  	s16 =	sshll.u32 s0, $0xA;
	s2 =	sadd.s32 s3, s2  }
0x8d: {  	s2 =	sadd.s32 s2, s16  }
0x8e: {  	[smem:$0x3FB6] =	sst s2  }
0x8f: {  	_ = 	snop  }
0x90: {  	(tm) =	ssettm $0x1  }
0x91: {  	s17 =	sld [smem:$0x3FFB];
	_ =	sdelay $0x3  }
0x92: {  	_ =	strace s17  }
0x93: {  	s2 =	sld [smem:$0x3FFC];
	_ =	sdelay $0x3  }
0x94: {  	_ =	strace s2  }
0x95: {  	s2 =	sld [smem:$0x3FFD];
	_ =	sdelay $0x3  }
0x96: {  	_ =	strace s2  }
0x97: {  	_ =	strace $0x8FFFFFFF  }
0x98: {  	s18 =	sld [smem:$0x3FDB];
	_ =	sdelay $0x1  }
0x99: {  	s19 =	simm.s32 $_scs_section_size  }
0x9a: {  	s4 =	simm.s32 $_size__tile_overlayer_lowered;
	s5 =	simm.s32 $_tile_overlayer_lowered  }
0x9b: {  	s22 =	simm.s32 $0x1BFF;
	s21 =	sshll.u32 s5, $0x1;
	s2 =	sadd.s32 s19, s18  }
0x9c: {  	s6 =	simm.s32 $0x0;
	s20 =	sshll.u32 s4, $0x1;
	s4 =	sadd.s32 s21, s2  }
0x9d: {  	[timem:s6], [sflag:s22] =	dma.local [hbm:s4], s20  }
0x9e: {  	_ =	swait.ge [sflag:s22], s20  }
0x9f: {  	s3 =	ssub.s32 $0x0, s20;
	[sflag:s22] =	ssyncset.done $0x0  }
0xa0: {  	[sflag:s22] =	ssyncadd.s32 s3;
	_ =	sdelay $0x1  }
0xa1: {  	s23 =	simm.s32 $0x1B8B  }
0xa2: {  	_ =	swait.ge [sflag:s23], $0x1  }
0xa3: {  	[sflag:s23] =	ssyncset.done $0x0  }
0xa4: {  	s25 =	simm.s32 $0x1B8E;
	s24 =	sld [smem:$0x3FFE];
	[sflag:s23] =	ssyncadd.s32 $0xFFFFFFFF  }
0xa5: {  	s26 =	simm.s32 $execute0_lowered;
	[smem:$0x3FD2] =	sst s25  }
0xa6: {  	s4 =	sshll.u32 s26, $0x1;
	_ =	strace $0x80000049;
	[dreg:$0x1] =	wrdreg $0xFFFFFFFF  }
0xa7: {  	s28 =	simm.s32 $_size_execute0_lowered;
	s2 =	sadd.s32 s2, s4;
	[dreg:$0x0] =	wrdreg $0x0  }
0xa8: {  	s4 =	sshll.u32 s28, $0x1;
	[dreg:$0x2] =	wrdreg s2  }
0xa9: {  	[dreg:$0x3] =	wrdreg s4  }
0xaa: {  	[dreg:$0x4] =	wrdreg $0xC0  }
0xab: {  	_ =	task [dreg:s6], $0x5FFFF  }
0xac: {  	[dreg:$0x1] =	wrdreg $0xFFFFFFFF  }
0xad: {  	[dreg:$0x0] =	wrdreg $0x60  }
0xae: {  	[dreg:$0x2] =	wrdreg s24  }
0xaf: {  	[dreg:$0x3] =	wrdreg $0xA8000  }
0xb0: {  	[dreg:$0x4] =	wrdreg $0x9  }
0xb1: {  	_ =	task.clear_ibuf [dreg:s6], $0x5FFFF;
	_ =	strace $0x90000049  }
0xb2: {  	s29 =	simm.s32 $0x9;
	_ =	strace $0x8000004B  }
0xb3: {  	_ =	swait.ge [sflag:s29], $0x1  }
0xb4: {  	[sflag:s29] =	ssyncadd.s32 $0xFFFFFFFF  }
0xb5: {  	_ =	strace $0x9000004B  }
0xb6: {  	_ =	sfence  }
0xb7: {  	s30 =	sld [smem:$0x0];
	_ =	sdelay $0x2  }
0xb8: {  	s31 =	sshll.u32 s1, $0xD;
	s1 =	sshrl.u32 s1, $0x2  }
0xb9: {  	s3 =	sand.u32 $0x4000, s31;
	s1 =	sadd.s32 s1, s30  }
0xba: {  	s0 =	sor.u32 s3, s0;
	s1 =	sshll.u32 s1, $0x11  }
0xbb: {  	s0 =	sor.u32 s1, s0  }
0xbc: {  	s0 =	sadd.s32 $0x8F2B, s0  }
0xbd: {  	[sflag:s0] =	ssyncadd.remote.s32 $0x1  }
0xbe: {  	_ =	sfence.sel $0xFFFF  }
0xbf: {  	[dreg:$0x0] =	wrdreg $0xFFFFFFFF;
	(pc) =	sbr.abs _section_cstart, $3  }
0xc0: {  	[dreg:$0x1] =	wrdreg $0xFFFFFFFF  }
0xc1: {  	_ =	task.clear_ibuf [dreg:s6], $0x2FFFF;
	_ =	strace $0x9FFFFFFF  }
0xc2: {  	(tm) =	ssettm $0x7FFFFFFF  }
0xc3: {  	_ =	shalt  }
tec
execute0_lowered:
.L_overlay_start_1:
0x0: {  	(tag) =	ssettag $0x1  }
0x1: {  	s0 =	rddreg [dreg:$0x0]  }
0x2: {  	s1 =	rddreg [dreg:$0x1]  }
0x3: {  	s3 =	srdreg.scid;
	s2 =	simm.s32 $0x0;
	s14 =	stileid.u32  }
0x4: {  	s16 =	simm.s32 $0x6;
	s18 =	simm.s32 $0x5;
	s19 =	simm.s32 $0x1  }
0x5: {  	s20 =	simm.s32 $0x80;
	s21 =	simm.s32 $0x2800;
	s28 =	simm.s32 $0x2680  }
0x6: {  	s29 =	simm.s32 $0x1300;
	s31 =	simm.s32 $0x2700;
	s30 =	simm.s32 $0x0  }
0x7: {  	s4 =	sand.u32 $0x1, s3;
	[smem:$0x7FF] =	sst s2;
	s10 =	smul.u32 $0x2700, s14  }
0x8: {  	s9 =	smul.u32 $0x4E000, s14;
	s12 =	sadd.s32 $0x65400, s0;
	s24 =	sshll.u32 s14, $0x6  }
0x9: {  	s17 =	sadd.s32 $0x138000, s1;
	p0 =	sne.s32 s14, $0x0;
	s3 =	sshll.u32 s4, $0x4  }
0xa: {  	_ =	strace $0x8000004A;
	s6 =	ssub.s32 $0x2, s4;
	s25 =	smul.u32 $0x138800, s4  }
0xb: {  	s4 =	smul.u32 $0x27100, s4;
	s17 =	sshrl.u32 @!p0 s17, $0x3;
	s5 =	sor.u32 s14, s3  }
0xc: {  	s3 =	sadd.s32 $0x3E200, s0;
	s7 =	sadd.s32 s10, s0;
	s8 =	sshrl.u32 s6, $0x1  }
0xd: {  	s23 =	sshrl.u32 s9, $0x2;
	s14 =	simm.s32 $0x1400;
	s5 =	smul.u32 $0x280, s5  }
0xe: {  	s13 =	ssub.s32 s6, s8;
	s15 =	sadd.s32 s23, s1;
	s6 =	sadd.s32 $0x17000, s7  }
0xf: {  	s7 =	sor.u32 $0x1C06, s24;
	s8 =	sadd.s32 $0x3E000, s0;
	s26 =	sshrl.u32 s25, $0x3  }
0x10: {  	s4 =	sadd.s32 s10, s4;
	s23 =	simm.s32 $0x2;
	s24 =	simm.s32 $0x3  }
0x11: {  	s25 =	simm.s32 $0x4;
	s13 =	smax.u32 s13, $0x1;
	s15 =	sshrl.u32 s15, $0x3  }
0x12: {  	s11 =	sadd.s32 s5, s0;
	s0 =	sadd.s32 s12, s26;
	s26 =	simm.s32 $0x2600  }
0x13: {  	s5 =	sadd.s32 $0x3000, s11;
	s22 =	sadd.s32 $0xD000, s11;
	s9 =	sadd.s32 $0x8000, s11  }
0x14: {  	s10 =	sadd.s32 $0x12000, s11;
	s11 =	sadd.s32 s12, s4;
	[dreg:$0x3] =	wrdreg s5  }
0x15: {  	s12 =	sadd.s32 $0x27000, s0;
	[dreg:$0x4] =	wrdreg s22;
	s22 =	simm.s32 $0x6800  }
.LBB2_1:
0x16: {  	s0 =	rddreg [dreg:$0x3]  }
0x17: {  	[tilespmem:s2], [sflag:$0x5] =	stream.linear.gather [hbm4b:s0+s2], $0x1400, $0x38;
	[tilespmem:$0x1E0C0] =	vst v63  }
0x18: {  	s4 =	rddreg [dreg:$0x4]  }
0x19: {  	[tilespmem:s14], [sflag:$0x1] =	stream.linear.gather [hbm4b:s4+s2], $0x1400, $0x38;
	[tilespmem:$0x1E0C0] =	vst v63  }
0x1a: {  	[spmem:s15], [sflag:s7] =	dma.local [hbm:s6], $0x2700  }
0x1b: {  	_ =	swait.ge [sflag:s16], $0x2700  }
0x1c: {  	[sflag:s16] =	ssyncset.done $0x0  }
0x1d: {  	s0 =	simm.s32 @!p0 $0x6;
	[sflag:s16] =	ssyncadd.s32 $0xFFFFD900  }
0x1e: {  	[spmem:s17], [sflag:s7] =	dma.local @!p0 [hbm:s8], $0x100  }
0x1f: {  	_ =	swait.ge @!p0 [sflag:s0], $0x100  }
0x20: {  	[sflag:s0] =	ssyncset.done @!p0 $0x0  }
0x21: {  	[sflag:s0] =	ssyncadd.s32 @!p0 $0xFFFFFF00  }
0x22: {  	_ =	swait.ge [sflag:s18], $0x1400  }
0x23: {  	[sflag:s18] =	ssyncset.done $0x0  }
0x24: {  	[sflag:s18] =	ssyncadd.s32 $0xFFFFEC00  }
0x25: {  	_ =	swait.ge [sflag:s19], $0x1400  }
0x26: {  	[sflag:s19] =	ssyncset.done $0x0  }
0x27: {  	[sflag:s19] =	ssyncadd.s32 $0xFFFFEC00  }
0x28: {  	[bflag:$0x0] =	sbarrier.arrive $0xFFFF  }
0x29: {  	[tilespmem:s21], [sflag:$0x1] =	stream.indirect.gather [hbm4b:s3+s20], $0x80, s2, s20, $0xb8;
	[tilespmem:$0x1E0C0] =	vst v63  }
0x2a: {  	_ = 	snop  }
0x2b: {  	[tilespmem:s22], [sflag:$0x2] =	stream.indirect.gather [hbm4b:s3+s20], $0x80, s20, s20, $0xb8;
	[tilespmem:$0x1E0C0] =	vst v63  }
0x2c: {  	_ =	swait.ge [sflag:s19], $0x4000  }
0x2d: {  	[sflag:s19] =	ssyncset.done $0x0  }
0x2e: {  	s5 =	simm.s32 $0x1400;
	[sflag:s19] =	ssyncadd.s32 $0xFFFFC000  }
0x2f: {  	[spmem:s1] =	stream.indirect.scatter.add.f32 [tilespmem:s21], [sflag:$0x3], $0x80, s5, s20, $0xb8;
	[tilespmem:$0x1E0C0] =	vst v63  }
0x30: {  	_ =	swait.ge [sflag:s23], $0x4000  }
0x31: {  	[sflag:s23] =	ssyncset.done $0x0  }
0x32: {  	s4 =	simm.s32 $0x1480;
	[sflag:s23] =	ssyncadd.s32 $0xFFFFC000  }
0x33: {  	[spmem:s1] =	stream.indirect.scatter.add.f32 [tilespmem:s22], [sflag:$0x4], $0x80, s4, s20, $0xb8;
	[tilespmem:$0x1E0C0] =	vst v63  }
0x34: {  	_ =	swait.ge [sflag:s24], $0x4000  }
0x35: {  	[sflag:s24] =	ssyncset.done $0x0  }
0x36: {  	s5 =	simm.s32 $0x100;
	[sflag:s24] =	ssyncadd.s32 $0xFFFFC000  }
0x37: {  	[tilespmem:s21], [sflag:$0x1] =	stream.indirect.gather [hbm4b:s3+s20], $0x80, s5, s20, $0xb8;
	[tilespmem:$0x1E0C0] =	vst v63  }
0x38: {  	_ =	swait.ge [sflag:s25], $0x4000  }
0x39: {  	[sflag:s25] =	ssyncset.done $0x0  }
0x3a: {  	s4 =	simm.s32 $0x180;
	[sflag:s25] =	ssyncadd.s32 $0xFFFFC000  }
0x3b: {  	[tilespmem:s22], [sflag:$0x2] =	stream.indirect.gather [hbm4b:s3+s20], $0x80, s4, s20, $0xb8;
	[tilespmem:$0x1E0C0] =	vst v63  }
0x3c: {  	_ =	swait.ge [sflag:s19], $0x4000  }
0x3d: {  	[sflag:s19] =	ssyncset.done $0x0  }
0x3e: {  	s5 =	simm.s32 $0x1500;
	[sflag:s19] =	ssyncadd.s32 $0xFFFFC000  }
0x3f: {  	[spmem:s1] =	stream.indirect.scatter.add.f32 [tilespmem:s21], [sflag:$0x3], $0x80, s5, s20, $0xb8;
	[tilespmem:$0x1E0C0] =	vst v63  }
0x40: {  	_ =	swait.ge [sflag:s23], $0x4000  }
0x41: {  	[sflag:s23] =	ssyncset.done $0x0  }
0x42: {  	s4 =	simm.s32 $0x1580;
	[sflag:s23] =	ssyncadd.s32 $0xFFFFC000  }
0x43: {  	[spmem:s1] =	stream.indirect.scatter.add.f32 [tilespmem:s22], [sflag:$0x4], $0x80, s4, s20, $0xb8;
	[tilespmem:$0x1E0C0] =	vst v63  }
0x44: {  	_ =	swait.ge [sflag:s24], $0x4000  }
0x45: {  	[sflag:s24] =	ssyncset.done $0x0  }
0x46: {  	s5 =	simm.s32 $0x200;
	[sflag:s24] =	ssyncadd.s32 $0xFFFFC000  }
0x47: {  	[tilespmem:s21], [sflag:$0x1] =	stream.indirect.gather [hbm4b:s3+s20], $0x80, s5, s20, $0xb8;
	[tilespmem:$0x1E0C0] =	vst v63  }
0x48: {  	_ =	swait.ge [sflag:s25], $0x4000  }
0x49: {  	[sflag:s25] =	ssyncset.done $0x0  }
0x4a: {  	s0 =	simm.s32 $0x800;
	s4 =	simm.s32 $0x280;
	[sflag:s25] =	ssyncadd.s32 $0xFFFFC000  }
.LBB2_2:
0x4b: {  	[tilespmem:s22], [sflag:$0x2] =	stream.indirect.gather [hbm4b:s3+s20], $0x80, s4, s20, $0xb8;
	[tilespmem:$0x1E0C0] =	vst v63  }
0x4c: {  	s4 =	smov.u32 s0  }
0x4d: {  	p1 =	sne.s32 s0, $0x4000;
	s0 =	sadd.s32 $0x800, s0;
	_ =	swait.ge [sflag:s19], $0x4000  }
0x4e: {  	s4 =	sshra.s32 s4, $0x2;
	[sflag:s19] =	ssyncset.done $0x0  }
0x4f: {  	s5 =	sadd.s32 $0x1400, s4;
	[sflag:s19] =	ssyncadd.s32 $0xFFFFC000  }
0x50: {  	[spmem:s1] =	stream.indirect.scatter.add.f32 [tilespmem:s21], [sflag:$0x3], $0x80, s5, s20, $0xb8;
	[tilespmem:$0x1E0C0] =	vst v63  }
0x51: {  	_ =	swait.ge [sflag:s23], $0x4000  }
0x52: {  	[sflag:s23] =	ssyncset.done $0x0  }
0x53: {  	s5 =	sadd.s32 $0x1480, s4;
	[sflag:s23] =	ssyncadd.s32 $0xFFFFC000  }
0x54: {  	[spmem:s1] =	stream.indirect.scatter.add.f32 [tilespmem:s22], [sflag:$0x4], $0x80, s5, s20, $0xb8;
	[tilespmem:$0x1E0C0] =	vst v63  }
0x55: {  	_ =	swait.ge [sflag:s24], $0x4000  }
0x56: {  	[sflag:s24] =	ssyncset.done $0x0  }
0x57: {  	s5 =	sadd.s32 $0x100, s4;
	[sflag:s24] =	ssyncadd.s32 $0xFFFFC000  }
0x58: {  	[tilespmem:s21], [sflag:$0x1] =	stream.indirect.gather [hbm4b:s3+s20], $0x80, s5, s20, $0xb8;
	[tilespmem:$0x1E0C0] =	vst v63  }
0x59: {  	_ =	swait.ge [sflag:s25], $0x4000  }
0x5a: {  	[sflag:s25] =	ssyncset.done $0x0  }
0x5b: {  	s5 =	sadd.s32 $0x180, s4;
	[sflag:s25] =	ssyncadd.s32 $0xFFFFC000  }
0x5c: {  	[tilespmem:s22], [sflag:$0x2] =	stream.indirect.gather [hbm4b:s3+s20], $0x80, s5, s20, $0xb8;
	[tilespmem:$0x1E0C0] =	vst v63  }
0x5d: {  	_ =	swait.ge [sflag:s19], $0x4000  }
0x5e: {  	[sflag:s19] =	ssyncset.done $0x0  }
0x5f: {  	s5 =	sadd.s32 $0x1500, s4;
	[sflag:s19] =	ssyncadd.s32 $0xFFFFC000  }
0x60: {  	[spmem:s1] =	stream.indirect.scatter.add.f32 [tilespmem:s21], [sflag:$0x3], $0x80, s5, s20, $0xb8;
	[tilespmem:$0x1E0C0] =	vst v63  }
0x61: {  	_ =	swait.ge [sflag:s23], $0x4000  }
0x62: {  	[sflag:s23] =	ssyncset.done $0x0  }
0x63: {  	s5 =	sadd.s32 $0x1580, s4;
	[sflag:s23] =	ssyncadd.s32 $0xFFFFC000  }
0x64: {  	[spmem:s1] =	stream.indirect.scatter.add.f32 [tilespmem:s22], [sflag:$0x4], $0x80, s5, s20, $0xb8;
	[tilespmem:$0x1E0C0] =	vst v63  }
0x65: {  	_ =	swait.ge [sflag:s24], $0x4000  }
0x66: {  	[sflag:s24] =	ssyncset.done $0x0  }
.Ltmp0:
0x67: {  	s5 =	sadd.s32 $0x200, s4;
	[sflag:s24] =	ssyncadd.s32 $0xFFFFC000;
	(pc) =	sbr.rel @p1 .LBB2_2-.Ltmp0, $4  }
0x68: {  	[tilespmem:s21], [sflag:$0x1] =	stream.indirect.gather [hbm4b:s3+s20], $0x80, s5, s20, $0xb8;
	[tilespmem:$0x1E0C0] =	vst v63  }
0x69: {  	_ =	swait.ge [sflag:s25], $0x4000  }
0x6a: {  	[sflag:s25] =	ssyncset.done $0x0  }
0x6b: {  	s4 =	sadd.s32 $0x280, s4;
	[sflag:s25] =	ssyncadd.s32 $0xFFFFC000  }
0x6c: {  	[tilespmem:s22], [sflag:$0x2] =	stream.indirect.gather [hbm4b:s3+s20], $0x80, s4, s20, $0xb8;
	[tilespmem:$0x1E0C0] =	vst v63  }
0x6d: {  	_ =	swait.ge [sflag:s19], $0x4000  }
0x6e: {  	[sflag:s19] =	ssyncset.done $0x0  }
0x6f: {  	[sflag:s19] =	ssyncadd.s32 $0xFFFFC000  }
0x70: {  	[spmem:s1] =	stream.indirect.scatter.add.f32 [tilespmem:s21], [sflag:$0x3], $0x80, s26, s20, $0xb8;
	[tilespmem:$0x1E0C0] =	vst v63  }
0x71: {  	_ =	swait.ge [sflag:s23], $0x4000  }
0x72: {  	[sflag:s23] =	ssyncset.done $0x0  }
0x73: {  	[sflag:s23] =	ssyncadd.s32 $0xFFFFC000  }
0x74: {  	[spmem:s1] =	stream.indirect.scatter.add.f32 [tilespmem:s22], [sflag:$0x4], $0x80, s28, s20, $0xb8;
	[tilespmem:$0x1E0C0] =	vst v63  }
0x75: {  	_ =	swait.ge [sflag:s24], $0x4000  }
0x76: {  	[sflag:s24] =	ssyncset.done $0x0  }
0x77: {  	[sflag:s24] =	ssyncadd.s32 $0xFFFFC000  }
0x78: {  	[tilespmem:s21], [sflag:$0x1] =	stream.indirect.gather [hbm4b:s3+s20], $0x80, s29, s20, $0xb8;
	[tilespmem:$0x1E0C0] =	vst v63  }
0x79: {  	_ =	swait.ge [sflag:s25], $0x4000  }
0x7a: {  	[sflag:s25] =	ssyncset.done $0x0  }
0x7b: {  	s0 =	simm.s32 $0x1380;
	[sflag:s25] =	ssyncadd.s32 $0xFFFFC000  }
0x7c: {  	[tilespmem:s22], [sflag:$0x2] =	stream.indirect.gather [hbm4b:s3+s20], $0x80, s0, s20, $0xb8;
	[tilespmem:$0x1E0C0] =	vst v63  }
0x7d: {  	_ =	swait.ge [sflag:s19], $0x4000  }
0x7e: {  	[sflag:s19] =	ssyncset.done $0x0  }
0x7f: {  	[sflag:s19] =	ssyncadd.s32 $0xFFFFC000  }
0x80: {  	[spmem:s1] =	stream.indirect.scatter.add.f32 [tilespmem:s21], [sflag:$0x3], $0x80, s31, s20, $0xb8;
	[tilespmem:$0x1E0C0] =	vst v63  }
0x81: {  	_ =	swait.ge [sflag:s23], $0x4000  }
0x82: {  	[sflag:s23] =	ssyncset.done $0x0  }
0x83: {  	s5 =	simm.s32 $0x2780;
	[sflag:s23] =	ssyncadd.s32 $0xFFFFC000  }
0x84: {  	[spmem:s1] =	stream.indirect.scatter.add.f32 [tilespmem:s22], [sflag:$0x4], $0x80, s5, s20, $0xb8;
	[tilespmem:$0x1E0C0] =	vst v63  }
0x85: {  	_ =	swait.ge [sflag:s24], $0x4000  }
0x86: {  	[sflag:s24] =	ssyncset.done $0x0  }
0x87: {  	[sflag:s24] =	ssyncadd.s32 $0xFFFFC000  }
0x88: {  	_ =	swait.ge [sflag:s25], $0x4000  }
0x89: {  	[sflag:s25] =	ssyncset.done $0x0  }
0x8a: {  	s4 =	simm.s32 $0x0;
	[sflag:s25] =	ssyncadd.s32 $0xFFFFC000  }
0x8b: {  	[tilespmem:s4], [sflag:$0x6] =	stream.linear.gather [hbm4b:s9+s4], $0x1380, $0x38;
	[tilespmem:$0x1E0C0] =	vst v63  }
0x8c: {  	_ =	swait.ge [sflag:s16], $0x1380  }
0x8d: {  	[sflag:s16] =	ssyncset.done $0x0  }
0x8e: {  	[sflag:s16] =	ssyncadd.s32 $0xFFFFEC80  }
0x8f: {  	[tilespmem:s14], [sflag:$0x6] =	stream.linear.gather [hbm4b:s10+s4], $0x1380, $0x38;
	[tilespmem:$0x1E0C0] =	vst v63  }
0x90: {  	_ =	swait.ge [sflag:s16], $0x1380  }
0x91: {  	[sflag:s16] =	ssyncset.done $0x0  }
0x92: {  	[sflag:s16] =	ssyncadd.s32 $0xFFFFEC80  }
0x93: {  	[tilespmem:s21], [sflag:$0x1] =	stream.indirect.gather [hbm4b:s3+s20], $0x80, s4, s20, $0xb8;
	[tilespmem:$0x1E0C0] =	vst v63  }
0x94: {  	_ = 	snop  }
0x95: {  	[tilespmem:s22], [sflag:$0x2] =	stream.indirect.gather [hbm4b:s3+s20], $0x80, s20, s20, $0xb8;
	[tilespmem:$0x1E0C0] =	vst v63  }
0x96: {  	_ =	swait.ge [sflag:s19], $0x4000  }
0x97: {  	[sflag:s19] =	ssyncset.done $0x0  }
0x98: {  	s5 =	simm.s32 $0x1400;
	[sflag:s19] =	ssyncadd.s32 $0xFFFFC000  }
0x99: {  	[spmem:s1] =	stream.indirect.scatter.add.f32 [tilespmem:s21], [sflag:$0x3], $0x80, s5, s20, $0xb8;
	[tilespmem:$0x1E0C0] =	vst v63  }
0x9a: {  	_ =	swait.ge [sflag:s23], $0x4000  }
0x9b: {  	[sflag:s23] =	ssyncset.done $0x0  }
0x9c: {  	s4 =	simm.s32 $0x1480;
	[sflag:s23] =	ssyncadd.s32 $0xFFFFC000  }
0x9d: {  	[spmem:s1] =	stream.indirect.scatter.add.f32 [tilespmem:s22], [sflag:$0x4], $0x80, s4, s20, $0xb8;
	[tilespmem:$0x1E0C0] =	vst v63  }
0x9e: {  	_ =	swait.ge [sflag:s24], $0x4000  }
0x9f: {  	[sflag:s24] =	ssyncset.done $0x0  }
0xa0: {  	s5 =	simm.s32 $0x100;
	[sflag:s24] =	ssyncadd.s32 $0xFFFFC000  }
0xa1: {  	[tilespmem:s21], [sflag:$0x1] =	stream.indirect.gather [hbm4b:s3+s20], $0x80, s5, s20, $0xb8;
	[tilespmem:$0x1E0C0] =	vst v63  }
0xa2: {  	_ =	swait.ge [sflag:s25], $0x4000  }
0xa3: {  	[sflag:s25] =	ssyncset.done $0x0  }
0xa4: {  	s4 =	simm.s32 $0x180;
	[sflag:s25] =	ssyncadd.s32 $0xFFFFC000  }
0xa5: {  	[tilespmem:s22], [sflag:$0x2] =	stream.indirect.gather [hbm4b:s3+s20], $0x80, s4, s20, $0xb8;
	[tilespmem:$0x1E0C0] =	vst v63  }
0xa6: {  	_ =	swait.ge [sflag:s19], $0x4000  }
0xa7: {  	[sflag:s19] =	ssyncset.done $0x0  }
0xa8: {  	s5 =	simm.s32 $0x1500;
	[sflag:s19] =	ssyncadd.s32 $0xFFFFC000  }
0xa9: {  	[spmem:s1] =	stream.indirect.scatter.add.f32 [tilespmem:s21], [sflag:$0x3], $0x80, s5, s20, $0xb8;
	[tilespmem:$0x1E0C0] =	vst v63  }
0xaa: {  	_ =	swait.ge [sflag:s23], $0x4000  }
0xab: {  	[sflag:s23] =	ssyncset.done $0x0  }
0xac: {  	s4 =	simm.s32 $0x1580;
	[sflag:s23] =	ssyncadd.s32 $0xFFFFC000  }
0xad: {  	[spmem:s1] =	stream.indirect.scatter.add.f32 [tilespmem:s22], [sflag:$0x4], $0x80, s4, s20, $0xb8;
	[tilespmem:$0x1E0C0] =	vst v63  }
0xae: {  	_ =	swait.ge [sflag:s24], $0x4000  }
0xaf: {  	[sflag:s24] =	ssyncset.done $0x0  }
0xb0: {  	s5 =	simm.s32 $0x200;
	[sflag:s24] =	ssyncadd.s32 $0xFFFFC000  }
0xb1: {  	[tilespmem:s21], [sflag:$0x1] =	stream.indirect.gather [hbm4b:s3+s20], $0x80, s5, s20, $0xb8;
	[tilespmem:$0x1E0C0] =	vst v63  }
0xb2: {  	_ =	swait.ge [sflag:s25], $0x4000  }
0xb3: {  	[sflag:s25] =	ssyncset.done $0x0  }
0xb4: {  	s0 =	simm.s32 $0x800;
	s4 =	simm.s32 $0x280;
	[sflag:s25] =	ssyncadd.s32 $0xFFFFC000  }
.LBB2_4:
0xb5: {  	[tilespmem:s22], [sflag:$0x2] =	stream.indirect.gather [hbm4b:s3+s20], $0x80, s4, s20, $0xb8;
	[tilespmem:$0x1E0C0] =	vst v63  }
0xb6: {  	s4 =	smov.u32 s0  }
0xb7: {  	p1 =	sne.s32 s0, $0x4000;
	s0 =	sadd.s32 $0x800, s0;
	_ =	swait.ge [sflag:s19], $0x4000  }
0xb8: {  	s4 =	sshra.s32 s4, $0x2;
	[sflag:s19] =	ssyncset.done $0x0  }
0xb9: {  	s5 =	sadd.s32 $0x1400, s4;
	[sflag:s19] =	ssyncadd.s32 $0xFFFFC000  }
0xba: {  	[spmem:s1] =	stream.indirect.scatter.add.f32 [tilespmem:s21], [sflag:$0x3], $0x80, s5, s20, $0xb8;
	[tilespmem:$0x1E0C0] =	vst v63  }
0xbb: {  	_ =	swait.ge [sflag:s23], $0x4000  }
0xbc: {  	[sflag:s23] =	ssyncset.done $0x0  }
0xbd: {  	s5 =	sadd.s32 $0x1480, s4;
	[sflag:s23] =	ssyncadd.s32 $0xFFFFC000  }
0xbe: {  	[spmem:s1] =	stream.indirect.scatter.add.f32 [tilespmem:s22], [sflag:$0x4], $0x80, s5, s20, $0xb8;
	[tilespmem:$0x1E0C0] =	vst v63  }
0xbf: {  	_ =	swait.ge [sflag:s24], $0x4000  }
0xc0: {  	[sflag:s24] =	ssyncset.done $0x0  }
0xc1: {  	s5 =	sadd.s32 $0x100, s4;
	[sflag:s24] =	ssyncadd.s32 $0xFFFFC000  }
0xc2: {  	[tilespmem:s21], [sflag:$0x1] =	stream.indirect.gather [hbm4b:s3+s20], $0x80, s5, s20, $0xb8;
	[tilespmem:$0x1E0C0] =	vst v63  }
0xc3: {  	_ =	swait.ge [sflag:s25], $0x4000  }
0xc4: {  	[sflag:s25] =	ssyncset.done $0x0  }
0xc5: {  	s5 =	sadd.s32 $0x180, s4;
	[sflag:s25] =	ssyncadd.s32 $0xFFFFC000  }
0xc6: {  	[tilespmem:s22], [sflag:$0x2] =	stream.indirect.gather [hbm4b:s3+s20], $0x80, s5, s20, $0xb8;
	[tilespmem:$0x1E0C0] =	vst v63  }
0xc7: {  	_ =	swait.ge [sflag:s19], $0x4000  }
0xc8: {  	[sflag:s19] =	ssyncset.done $0x0  }
0xc9: {  	s5 =	sadd.s32 $0x1500, s4;
	[sflag:s19] =	ssyncadd.s32 $0xFFFFC000  }
0xca: {  	[spmem:s1] =	stream.indirect.scatter.add.f32 [tilespmem:s21], [sflag:$0x3], $0x80, s5, s20, $0xb8;
	[tilespmem:$0x1E0C0] =	vst v63  }
0xcb: {  	_ =	swait.ge [sflag:s23], $0x4000  }
0xcc: {  	[sflag:s23] =	ssyncset.done $0x0  }
0xcd: {  	s5 =	sadd.s32 $0x1580, s4;
	[sflag:s23] =	ssyncadd.s32 $0xFFFFC000  }
0xce: {  	[spmem:s1] =	stream.indirect.scatter.add.f32 [tilespmem:s22], [sflag:$0x4], $0x80, s5, s20, $0xb8;
	[tilespmem:$0x1E0C0] =	vst v63  }
0xcf: {  	_ =	swait.ge [sflag:s24], $0x4000  }
0xd0: {  	[sflag:s24] =	ssyncset.done $0x0  }
.Ltmp1:
0xd1: {  	s5 =	sadd.s32 $0x200, s4;
	[sflag:s24] =	ssyncadd.s32 $0xFFFFC000;
	(pc) =	sbr.rel @p1 .LBB2_4-.Ltmp1, $4  }
0xd2: {  	[tilespmem:s21], [sflag:$0x1] =	stream.indirect.gather [hbm4b:s3+s20], $0x80, s5, s20, $0xb8;
	[tilespmem:$0x1E0C0] =	vst v63  }
0xd3: {  	_ =	swait.ge [sflag:s25], $0x4000  }
0xd4: {  	[sflag:s25] =	ssyncset.done $0x0  }
0xd5: {  	s4 =	sadd.s32 $0x280, s4;
	[sflag:s25] =	ssyncadd.s32 $0xFFFFC000  }
0xd6: {  	[tilespmem:s22], [sflag:$0x2] =	stream.indirect.gather [hbm4b:s3+s20], $0x80, s4, s20, $0xb8;
	[tilespmem:$0x1E0C0] =	vst v63  }
0xd7: {  	_ =	swait.ge [sflag:s19], $0x4000  }
0xd8: {  	[sflag:s19] =	ssyncset.done $0x0  }
0xd9: {  	[sflag:s19] =	ssyncadd.s32 $0xFFFFC000  }
0xda: {  	[spmem:s1] =	stream.indirect.scatter.add.f32 [tilespmem:s21], [sflag:$0x3], $0x80, s26, s20, $0xb8;
	[tilespmem:$0x1E0C0] =	vst v63  }
0xdb: {  	_ =	swait.ge [sflag:s23], $0x4000  }
0xdc: {  	[sflag:s23] =	ssyncset.done $0x0  }
0xdd: {  	[sflag:s23] =	ssyncadd.s32 $0xFFFFC000  }
0xde: {  	[spmem:s1] =	stream.indirect.scatter.add.f32 [tilespmem:s22], [sflag:$0x4], $0x80, s28, s20, $0xb8;
	[tilespmem:$0x1E0C0] =	vst v63  }
0xdf: {  	_ =	swait.ge [sflag:s24], $0x4000  }
0xe0: {  	[sflag:s24] =	ssyncset.done $0x0  }
0xe1: {  	[sflag:s24] =	ssyncadd.s32 $0xFFFFC000  }
0xe2: {  	[tilespmem:s21], [sflag:$0x1] =	stream.indirect.gather [hbm4b:s3+s20], $0x80, s29, s20, $0xb8;
	[tilespmem:$0x1E0C0] =	vst v63  }
0xe3: {  	_ =	swait.ge [sflag:s25], $0x4000  }
0xe4: {  	[sflag:s25] =	ssyncset.done $0x0  }
0xe5: {  	[sflag:s25] =	ssyncadd.s32 $0xFFFFC000  }
0xe6: {  	_ =	swait.ge [sflag:s19], $0x4000  }
0xe7: {  	[sflag:s19] =	ssyncset.done $0x0  }
0xe8: {  	[sflag:s19] =	ssyncadd.s32 $0xFFFFC000  }
0xe9: {  	[spmem:s1] =	stream.indirect.scatter.add.f32 [tilespmem:s21], [sflag:$0x6], $0x80, s31, s20, $0xb8;
	[tilespmem:$0x1E0C0] =	vst v63  }
0xea: {  	_ =	swait.ge [sflag:s16], $0x4000  }
0xeb: {  	[sflag:s16] =	ssyncset.done $0x0  }
0xec: {  	[sflag:s16] =	ssyncadd.s32 $0xFFFFC000  }
0xed: {  	[bflag:$0x0] =	sbarrier.arrive $0xFFFF  }
0xee: {  	[hbm:s11], [sflag:s7] =	dma.local [spmem:s15], $0x2700  }
0xef: {  	s30 =	sadd.s32 $0x1, s30;
	_ =	swait.ge [sflag:s16], $0x2700  }
0xf0: {  	p1 =	sne.s32 s30, s13;
	[sflag:s16] =	ssyncset.done $0x0  }
.Ltmp2:
0xf1: {  	s0 =	simm.s32 @!p0 $0x6;
	[sflag:s16] =	ssyncadd.s32 $0xFFFFD900;
	(pc) =	sbr.rel @p1 .LBB2_1-.Ltmp2, $4  }
0xf2: {  	[hbm:s12], [sflag:s7] =	dma.local @!p0 [spmem:s17], $0x100  }
0xf3: {  	_ =	swait.ge @!p0 [sflag:s0], $0x100  }
0xf4: {  	[sflag:s0] =	ssyncset.done @!p0 $0x0  }
0xf5: {  	[sflag:s0] =	ssyncadd.s32 @!p0 $0xFFFFFF00  }
0xf6: {  	_ =	sfence.sel $0x180000  }
0xf7: {  	[bflag:$0x0] =	sbarrier.arrive $0xFFFF  }
0xf8: {  	_ =	strace $0x9000004A  }
0xf9: {  	[bflag:$0x2] =	sbarrier.arrive $0xFFFF  }
0xfa: {  	s0 =	rddreg [dreg:$0x2]  }
0xfb: {  	s0 =	sadd.s32 @!p0 $0x100000, s0  }
0xfc: {  	[sflag:s0] =	ssyncadd.tile.s32 @!p0 $0x1;
	_ =	shalt  }
.Lfunc_end2:
_tile_overlayer_lowered:
.L_overlay_start_2:
0xfd: {  	(tag) =	ssettag $0x2  }
0xfe: {  	s0 =	rddreg [dreg:$0x0];
	s2 =	stileid.u32  }
0xff: {  	s1 =	rddreg [dreg:$0x1];
	p0 =	sne.s32 s2, $0x0  }
0x100: {  	s3 =	rddreg [dreg:$0x2];
	[bflag:$0x3] =	sbarrier.arrive $0xFFFF;
	s2 =	simm.s32 @!p0 $0x1C06  }
0x101: {  	[timem:s3], [sflag:s2] =	dma.local @!p0 [hbm:s0], s1  }
0x102: {  	s0 =	simm.s32 @!p0 $0x6  }
0x103: {  	_ =	swait.ge @!p0 [sflag:s0], s1  }
0x104: {  	s1 =	ssub.s32 @!p0 $0x0, s1;
	[sflag:s0] =	ssyncset.done @!p0 $0x0  }
0x105: {  	[sflag:s0] =	ssyncadd.s32 @!p0 s1  }
0x106: {  	[bflag:$0x3] =	sbarrier.arrive $0xFFFF  }
0x107: {  	_ =	shalt  }

</sc_bundles>
